<compile_context>
chip_gen: v7x
topology: tpu7x:2x2x1
jax: 0.10.2.dev20260603
libtpu: 0.0.44.dev20260713+nightly
codegen_flags: <defaults>
</compile_context>

<pallas_src>
import functools

import jax
import jax.numpy as jnp
from jax import lax
from jax.experimental import pallas as pl
from jax.experimental.pallas import tpu as pltpu
from jax.experimental.pallas import tpu_sc as plsc

N, C, Hin, Win = 4, 96, 256, 256
Hout, Wout = 512, 512
R = N * C
HW_IN = Hin * Win
HW_OUT = Hout * Wout
TOTAL = R * HW_IN
OUT_TOTAL = R * HW_OUT
QBINS = 32768
TASKS = OUT_TOTAL // QBINS
NC_SC = 2
NS_SC = 16
NW = NC_SC * NS_SC
TPW = TASKS // NW
CH = 2048
GUNROLL = 8
ZUNROLL = 8
NEDGE = 112
NGRP = NEDGE // 16
BSROUNDS = 25

_mesh = plsc.VectorSubcoreMesh(
    core_axis_name="c", subcore_axis_name="s",
    num_cores=NC_SC, num_subcores=NS_SC)


def _extract(vec16, lane):
    lanes = lax.iota(jnp.int32, 16)
    return lax.reduce_max(
        jnp.where(lanes == lane, vec16, jnp.int32(-2147483648)), axes=(0,))


@functools.partial(
    pl.kernel,
    out_type=jax.ShapeDtypeStruct((OUT_TOTAL,), jnp.float32),
    mesh=_mesh,
    compiler_params=pltpu.CompilerParams(needs_layout_passes=False),
    scratch_types=[
        pltpu.VMEM((QBINS,), jnp.float32),
        pltpu.VMEM((QBINS,), jnp.float32),
        pltpu.VMEM((CH,), jnp.int32),
        pltpu.VMEM((CH,), jnp.int32),
        pltpu.VMEM((CH,), jnp.float32),
        pltpu.VMEM((CH,), jnp.float32),
        pltpu.VMEM((NEDGE,), jnp.int32),
        pltpu.VMEM((NEDGE,), jnp.int32),
        pltpu.VMEM((NEDGE,), jnp.int32),
        pltpu.SemaphoreType.DMA,
        pltpu.SemaphoreType.DMA,
        pltpu.SemaphoreType.DMA,
        pltpu.SemaphoreType.DMA,
        pltpu.SemaphoreType.DMA,
    ],
)
def _scatter_sorted(keys_hbm, vals_hbm, out_hbm,
                    outb0, outb1, keyb0, keyb1, valb0, valb1,
                    midb, gatb, bndb, si0, si1, so0, so1, sb):
    wid = lax.axis_index("s") * NC_SC + lax.axis_index("c")
    lanes = lax.iota(jnp.int32, 16)

    evals = [
        jnp.minimum(wid * TPW + 16 * g + lanes, jnp.int32(TASKS)) * QBINS
        for g in range(NGRP)
    ]

    def bs_round(_, carry):
        los, his = carry
        nlos, nhis = [], []
        for g in range(NGRP):
            midb[pl.ds(16 * g, 16)] = (los[g] + his[g]) // 2
        pltpu.async_copy(keys_hbm.at[midb], gatb, sb).wait()
        for g in range(NGRP):
            mid = midb[pl.ds(16 * g, 16)]
            gk = gatb[pl.ds(16 * g, 16)]
            pred = gk < evals[g]
            nlos.append(jnp.where(pred, mid + 1, los[g]))
            nhis.append(jnp.where(pred, his[g], mid))
        return nlos, nhis

    init = ([jnp.zeros((16,), jnp.int32)] * NGRP,
            [jnp.full((16,), TOTAL, jnp.int32)] * NGRP)
    los, _ = lax.fori_loop(0, BSROUNDS, bs_round, init)
    for g in range(NGRP):
        bndb[pl.ds(16 * g, 16)] = los[g]

    def do_task(tl, outb, so, not_first):
        k = wid * TPW + tl
        gbase = k * QBINS

        a0 = (tl // 16) * 16
        start = _extract(bndb[pl.ds(a0, 16)], tl - a0)
        a1 = ((tl + 1) // 16) * 16
        end = _extract(bndb[pl.ds(a1, 16)], tl + 1 - a1)

        @pl.when(not_first)
        def _():
            pltpu.make_async_copy(outb, out_hbm.at[pl.ds(0, QBINS)], so).wait()

        zero = jnp.zeros((16,), jnp.float32)

        def zbody(j, _):
            for u in range(ZUNROLL):
                outb[pl.ds(j * (16 * ZUNROLL) + u * 16, 16)] = zero
            return 0

        lax.fori_loop(0, QBINS // (16 * ZUNROLL), zbody, 0)

        astart = (start // 8) * 8
        nblk = (end - astart + CH - 1) // CH
        npair = (nblk + 1) // 2

        def off_of(b):
            return jnp.minimum(astart + b * CH, TOTAL - CH)

        def scat(keyb, valb):
            def g(j, _):
                for u in range(GUNROLL):
                    kv = keyb[pl.ds(j * (16 * GUNROLL) + u * 16, 16)]
                    vv = valb[pl.ds(j * (16 * GUNROLL) + u * 16, 16)]
                    rel = kv - gbase
                    m = rel.astype(jnp.uint32) < jnp.uint32(QBINS)
                    plsc.store_scatter(outb, [rel], vv, mask=m)
                return 0
            lax.fori_loop(0, CH // (16 * GUNROLL), g, 0)

        @pl.when(nblk > 0)
        def _():
            pltpu.async_copy(keys_hbm.at[pl.ds(off_of(0), CH)], keyb0, si0)
            pltpu.async_copy(vals_hbm.at[pl.ds(off_of(0), CH)], valb0, si0)

        def pair_body(bb, _):
            b1 = 2 * bb + 1

            @pl.when(b1 < nblk)
            def _():
                pltpu.async_copy(keys_hbm.at[pl.ds(off_of(b1), CH)], keyb1, si1)
                pltpu.async_copy(vals_hbm.at[pl.ds(off_of(b1), CH)], valb1, si1)

            pltpu.make_async_copy(keys_hbm.at[pl.ds(0, CH)], keyb0, si0).wait()
            pltpu.make_async_copy(vals_hbm.at[pl.ds(0, CH)], valb0, si0).wait()
            scat(keyb0, valb0)

            @pl.when(2 * bb + 2 < nblk)
            def _():
                nb0 = 2 * bb + 2
                pltpu.async_copy(keys_hbm.at[pl.ds(off_of(nb0), CH)], keyb0, si0)
                pltpu.async_copy(vals_hbm.at[pl.ds(off_of(nb0), CH)], valb0, si0)

            @pl.when(b1 < nblk)
            def _():
                pltpu.make_async_copy(keys_hbm.at[pl.ds(0, CH)], keyb1, si1).wait()
                pltpu.make_async_copy(vals_hbm.at[pl.ds(0, CH)], valb1, si1).wait()
                scat(keyb1, valb1)

            return 0

        lax.fori_loop(0, npair, pair_body, 0)
        pltpu.async_copy(outb, out_hbm.at[pl.ds(gbase, QBINS)], so)

    def task_pair(tt, _):
        do_task(2 * tt, outb0, so0, tt > 0)
        do_task(2 * tt + 1, outb1, so1, tt > 0)
        return 0

    lax.fori_loop(0, TPW // 2, task_pair, 0)
    pltpu.make_async_copy(outb0, out_hbm.at[pl.ds(0, QBINS)], so0).wait()
    pltpu.make_async_copy(outb1, out_hbm.at[pl.ds(0, QBINS)], so1).wait()


def kernel(input, indices):
    idx = indices.reshape(R, HW_IN).astype(jnp.int32)
    keys = (jnp.arange(R, dtype=jnp.int32)[:, None] * HW_OUT + idx).reshape(-1)
    flat_vals = input.reshape(TOTAL)
    sk, sv = lax.sort((keys, flat_vals), dimension=0, num_keys=1,
                      is_stable=False)
    out = _scatter_sorted(sk, sv)
    return out.reshape(N, C, Hout, Wout)

# --- scband reference (transcript-rebuilt; emitter-appended) ---
"""Pipeline reference for scband-max-unpool2d-9113920602141 (READ-ONLY COPY).

The authoritative reference and input builder live on the scoring server;
editing this copy changes nothing except your own understanding.
"""

import jax, jax.numpy as jnp
import numpy as np

N, C, Hin, Win = 4, 96, 256, 256
KH = KW = 2
SH = SW = 2
PH = PW = 0
Hout = (Hin - 1) * SH - 2 * PH + KH  # 512
Wout = (Win - 1) * SW - 2 * PW + KW  # 512

def setup_inputs(seed: int = 0) -> dict:
    key = jax.random.key(seed)
    k1, k2 = jax.random.split(key)
    inp = jax.random.normal(k1, (N, C, Hin, Win), dtype=jnp.float32)
    indices = jax.random.randint(k2, (N, C, Hin, Win), 0, Hout * Wout, dtype=jnp.int64)
    return {"input": inp, "indices": indices}

def reference(input, indices):
    # MaxUnpool2d: scatter input values into a zero tensor of size (N, C, Hout, Wout)
    # at the flat spatial positions given by indices (per (n, c) plane).
    n, c, hin, win = input.shape
    hw_out = Hout * Wout
    flat_vals = input.reshape(n * c, hin * win)
    flat_idx = indices.reshape(n * c, hin * win)
    out = jnp.zeros((n * c, hw_out), dtype=input.dtype)
    rows = jnp.arange(n * c)[:, None]
    out = out.at[rows, flat_idx].set(flat_vals)
    return out.reshape(n, c, Hout, Wout)

if __name__ == "__main__":
    import jax
    _d = setup_inputs()
    print(jax.jit(kernel)(*tuple(_d.values())))

</pallas_src>

<mosaic_0001>
#map = affine_map<(d0, d1) -> (0)>
module attributes {stable_mosaic.version = 14 : i64} {
  func.func @_scatter_sorted(%arg0: i32, %arg1: i32, %arg2: memref<25165824xi32, #tpu.memory_space<hbm>>, %arg3: memref<25165824xf32, #tpu.memory_space<hbm>>, %arg4: memref<100663296xf32, #tpu.memory_space<hbm>>, %arg5: memref<32768xf32, #tpu.memory_space<vmem>>, %arg6: memref<32768xf32, #tpu.memory_space<vmem>>, %arg7: memref<2048xi32, #tpu.memory_space<vmem>>, %arg8: memref<2048xi32, #tpu.memory_space<vmem>>, %arg9: memref<2048xf32, #tpu.memory_space<vmem>>, %arg10: memref<2048xf32, #tpu.memory_space<vmem>>, %arg11: memref<112xi32, #tpu.memory_space<vmem>>, %arg12: memref<112xi32, #tpu.memory_space<vmem>>, %arg13: memref<112xi32, #tpu.memory_space<vmem>>, %arg14: memref<!tpu.dma_semaphore, #tpu.memory_space<semaphore_mem>>, %arg15: memref<!tpu.dma_semaphore, #tpu.memory_space<semaphore_mem>>, %arg16: memref<!tpu.dma_semaphore, #tpu.memory_space<semaphore_mem>>, %arg17: memref<!tpu.dma_semaphore, #tpu.memory_space<semaphore_mem>>, %arg18: memref<!tpu.dma_semaphore, #tpu.memory_space<semaphore_mem>>) attributes {dimension_semantics = [#tpu.dimension_semantics<core_parallel>, #tpu.dimension_semantics<subcore_parallel>], iteration_bounds = array<i64: 2, 16>, scalar_prefetch = 0 : i64, scratch_operands = 14 : i64, tpu.core_type = #tpu.core_type<sc_vector_subcore>, window_params = [{transform_indices = #map}, {transform_indices = #map}, {transform_indices = #map}]} {
    %mul3A = arith.constant 2 : i32
    %mul3A_0 = arith.muli %arg1, %mul3A : i32
    %add3A = arith.addi %mul3A_0, %arg0 : i32
    %iota3A = tpu.iota {dimensions = array<i32: 0>} : vector<16xi32>
    %mul3A_1 = arith.constant 96 : i32
    %mul3A_2 = arith.muli %add3A, %mul3A_1 : i32
    %add3A_3 = arith.constant 0 : i32
    %add3A_4 = arith.addi %mul3A_2, %add3A_3 : i32
    %add3A_5 = vector.broadcast %add3A_4 : i32 to vector<16xi32>
    %add3A_6 = arith.addi %add3A_5, %iota3A : vector<16xi32>
    %min3A = arith.constant 3072 : i32
    %min3A_7 = vector.broadcast %min3A : i32 to vector<16xi32>
    %min3A_8 = arith.minsi %add3A_6, %min3A_7 : vector<16xi32>
    %mul3A_9 = arith.constant 32768 : i32
    %mul3A_10 = vector.broadcast %mul3A_9 : i32 to vector<16xi32>
    %mul3A_11 = arith.muli %min3A_8, %mul3A_10 : vector<16xi32>
    %mul3A_12 = arith.constant 96 : i32
    %mul3A_13 = arith.muli %add3A, %mul3A_12 : i32
    %add3A_14 = arith.constant 16 : i32
    %add3A_15 = arith.addi %mul3A_13, %add3A_14 : i32
    %add3A_16 = vector.broadcast %add3A_15 : i32 to vector<16xi32>
    %add3A_17 = arith.addi %add3A_16, %iota3A : vector<16xi32>
    %min3A_18 = arith.constant 3072 : i32
    %min3A_19 = vector.broadcast %min3A_18 : i32 to vector<16xi32>
    %min3A_20 = arith.minsi %add3A_17, %min3A_19 : vector<16xi32>
    %mul3A_21 = arith.constant 32768 : i32
    %mul3A_22 = vector.broadcast %mul3A_21 : i32 to vector<16xi32>
    %mul3A_23 = arith.muli %min3A_20, %mul3A_22 : vector<16xi32>
    %mul3A_24 = arith.constant 96 : i32
    %mul3A_25 = arith.muli %add3A, %mul3A_24 : i32
    %add3A_26 = arith.constant 32 : i32
    %add3A_27 = arith.addi %mul3A_25, %add3A_26 : i32
    %add3A_28 = vector.broadcast %add3A_27 : i32 to vector<16xi32>
    %add3A_29 = arith.addi %add3A_28, %iota3A : vector<16xi32>
    %min3A_30 = arith.constant 3072 : i32
    %min3A_31 = vector.broadcast %min3A_30 : i32 to vector<16xi32>
    %min3A_32 = arith.minsi %add3A_29, %min3A_31 : vector<16xi32>
    %mul3A_33 = arith.constant 32768 : i32
    %mul3A_34 = vector.broadcast %mul3A_33 : i32 to vector<16xi32>
    %mul3A_35 = arith.muli %min3A_32, %mul3A_34 : vector<16xi32>
    %mul3A_36 = arith.constant 96 : i32
    %mul3A_37 = arith.muli %add3A, %mul3A_36 : i32
    %add3A_38 = arith.constant 48 : i32
    %add3A_39 = arith.addi %mul3A_37, %add3A_38 : i32
    %add3A_40 = vector.broadcast %add3A_39 : i32 to vector<16xi32>
    %add3A_41 = arith.addi %add3A_40, %iota3A : vector<16xi32>
    %min3A_42 = arith.constant 3072 : i32
    %min3A_43 = vector.broadcast %min3A_42 : i32 to vector<16xi32>
    %min3A_44 = arith.minsi %add3A_41, %min3A_43 : vector<16xi32>
    %mul3A_45 = arith.constant 32768 : i32
    %mul3A_46 = vector.broadcast %mul3A_45 : i32 to vector<16xi32>
    %mul3A_47 = arith.muli %min3A_44, %mul3A_46 : vector<16xi32>
    %mul3A_48 = arith.constant 96 : i32
    %mul3A_49 = arith.muli %add3A, %mul3A_48 : i32
    %add3A_50 = arith.constant 64 : i32
    %add3A_51 = arith.addi %mul3A_49, %add3A_50 : i32
    %add3A_52 = vector.broadcast %add3A_51 : i32 to vector<16xi32>
    %add3A_53 = arith.addi %add3A_52, %iota3A : vector<16xi32>
    %min3A_54 = arith.constant 3072 : i32
    %min3A_55 = vector.broadcast %min3A_54 : i32 to vector<16xi32>
    %min3A_56 = arith.minsi %add3A_53, %min3A_55 : vector<16xi32>
    %mul3A_57 = arith.constant 32768 : i32
    %mul3A_58 = vector.broadcast %mul3A_57 : i32 to vector<16xi32>
    %mul3A_59 = arith.muli %min3A_56, %mul3A_58 : vector<16xi32>
    %mul3A_60 = arith.constant 96 : i32
    %mul3A_61 = arith.muli %add3A, %mul3A_60 : i32
    %add3A_62 = arith.constant 80 : i32
    %add3A_63 = arith.addi %mul3A_61, %add3A_62 : i32
    %add3A_64 = vector.broadcast %add3A_63 : i32 to vector<16xi32>
    %add3A_65 = arith.addi %add3A_64, %iota3A : vector<16xi32>
    %min3A_66 = arith.constant 3072 : i32
    %min3A_67 = vector.broadcast %min3A_66 : i32 to vector<16xi32>
    %min3A_68 = arith.minsi %add3A_65, %min3A_67 : vector<16xi32>
    %mul3A_69 = arith.constant 32768 : i32
    %mul3A_70 = vector.broadcast %mul3A_69 : i32 to vector<16xi32>
    %mul3A_71 = arith.muli %min3A_68, %mul3A_70 : vector<16xi32>
    %mul3A_72 = arith.constant 96 : i32
    %mul3A_73 = arith.muli %add3A, %mul3A_72 : i32
    %add3A_74 = arith.constant 96 : i32
    %add3A_75 = arith.addi %mul3A_73, %add3A_74 : i32
    %add3A_76 = vector.broadcast %add3A_75 : i32 to vector<16xi32>
    %add3A_77 = arith.addi %add3A_76, %iota3A : vector<16xi32>
    %min3A_78 = arith.constant 3072 : i32
    %min3A_79 = vector.broadcast %min3A_78 : i32 to vector<16xi32>
    %min3A_80 = arith.minsi %add3A_77, %min3A_79 : vector<16xi32>
    %mul3A_81 = arith.constant 32768 : i32
    %mul3A_82 = vector.broadcast %mul3A_81 : i32 to vector<16xi32>
    %mul3A_83 = arith.muli %min3A_80, %mul3A_82 : vector<16xi32>
    %broadcast_in_dim3A = arith.constant 0 : i32
    %broadcast_in_dim3A_84 = vector.broadcast %broadcast_in_dim3A : i32 to vector<16xi32>
    %broadcast_in_dim3A_85 = arith.constant 25165824 : i32
    %broadcast_in_dim3A_86 = vector.broadcast %broadcast_in_dim3A_85 : i32 to vector<16xi32>
    %scan3A = arith.constant 0 : i32
    %scan3A_87 = arith.constant 25 : i32
    %scan3A_88 = arith.addi %scan3A, %scan3A_87 : i32
    %scan3A_89 = arith.constant 1 : i32
    %scan3A_90:14 = scf.for %scan3A_119 = %scan3A to %scan3A_88 step %scan3A_89 iter_args(%scan3A_120 = %broadcast_in_dim3A_84, %scan3A_121 = %broadcast_in_dim3A_84, %scan3A_122 = %broadcast_in_dim3A_84, %scan3A_123 = %broadcast_in_dim3A_84, %scan3A_124 = %broadcast_in_dim3A_84, %scan3A_125 = %broadcast_in_dim3A_84, %scan3A_126 = %broadcast_in_dim3A_84, %scan3A_127 = %broadcast_in_dim3A_86, %scan3A_128 = %broadcast_in_dim3A_86, %scan3A_129 = %broadcast_in_dim3A_86, %scan3A_130 = %broadcast_in_dim3A_86, %scan3A_131 = %broadcast_in_dim3A_86, %scan3A_132 = %broadcast_in_dim3A_86, %scan3A_133 = %broadcast_in_dim3A_86) -> (vector<16xi32>, vector<16xi32>, vector<16xi32>, vector<16xi32>, vector<16xi32>, vector<16xi32>, vector<16xi32>, vector<16xi32>, vector<16xi32>, vector<16xi32>, vector<16xi32>, vector<16xi32>, vector<16xi32>, vector<16xi32>)  : i32 {
      %add3A_134 = arith.addi %scan3A_120, %scan3A_127 : vector<16xi32>
      %jit3A = arith.constant 2 : i32
      %div3A = vector.broadcast %jit3A : i32 to vector<16xi32>
      %div3A_135 = arith.divsi %add3A_134, %div3A : vector<16xi32>
      %sign3A = arith.constant 0 : i32
      %sign3A_136 = vector.broadcast %sign3A : i32 to vector<16xi32>
      %sign3A_137 = arith.cmpi sgt, %add3A_134, %sign3A_136 : vector<16xi32>
      %sign3A_138 = arith.extui %sign3A_137 : vector<16xi1> to vector<16xi32>
      %sign3A_139 = arith.constant 0 : i32
      %sign3A_140 = vector.broadcast %sign3A_139 : i32 to vector<16xi32>
      %sign3A_141 = arith.cmpi slt, %add3A_134, %sign3A_140 : vector<16xi32>
      %sign3A_142 = arith.extui %sign3A_141 : vector<16xi1> to vector<16xi32>
      %sign3A_143 = arith.subi %sign3A_138, %sign3A_142 : vector<16xi32>
      %sign3A_144 = arith.constant 0 : i32
      %sign3A_145 = arith.cmpi sgt, %jit3A, %sign3A_144 : i32
      %sign3A_146 = arith.extui %sign3A_145 : i1 to i32
      %sign3A_147 = arith.constant 0 : i32
      %sign3A_148 = arith.cmpi slt, %jit3A, %sign3A_147 : i32
      %sign3A_149 = arith.extui %sign3A_148 : i1 to i32
      %sign3A_150 = arith.subi %sign3A_146, %sign3A_149 : i32
      %ne3A = vector.broadcast %sign3A_150 : i32 to vector<16xi32>
      %ne3A_151 = arith.cmpi ne, %sign3A_143, %ne3A : vector<16xi32>
      %rem3A = vector.broadcast %jit3A : i32 to vector<16xi32>
      %rem3A_152 = arith.remsi %add3A_134, %rem3A : vector<16xi32>
      %ne3A_153 = arith.constant 0 : i32
      %ne3A_154 = vector.broadcast %ne3A_153 : i32 to vector<16xi32>
      %ne3A_155 = arith.cmpi ne, %rem3A_152, %ne3A_154 : vector<16xi32>
      %and3A = arith.andi %ne3A_151, %ne3A_155 : vector<16xi1>
      %sub3A = arith.constant 1 : i32
      %sub3A_156 = vector.broadcast %sub3A : i32 to vector<16xi32>
      %sub3A_157 = arith.subi %div3A_135, %sub3A_156 : vector<16xi32>
      %select_n3A = arith.select %and3A, %sub3A_157, %div3A_135 : vector<16xi1>, vector<16xi32>
      %swap3A_158 = arith.constant 0 : index
      %swap3A_159 = tpu.vector_load %arg11[%swap3A_158] {strides = array<i32>} : memref<112xi32, #tpu.memory_space<vmem>>, vector<16xi32>,
      tpu.vector_store %arg11[%swap3A_158], %select_n3A {strides = array<i32>} : memref<112xi32, #tpu.memory_space<vmem>>, vector<16xi32>,
      %add3A_160 = arith.addi %scan3A_121, %scan3A_128 : vector<16xi32>
      %jit3A_161 = arith.constant 2 : i32
      %div3A_162 = vector.broadcast %jit3A_161 : i32 to vector<16xi32>
      %div3A_163 = arith.divsi %add3A_160, %div3A_162 : vector<16xi32>
      %sign3A_164 = arith.constant 0 : i32
      %sign3A_165 = vector.broadcast %sign3A_164 : i32 to vector<16xi32>
      %sign3A_166 = arith.cmpi sgt, %add3A_160, %sign3A_165 : vector<16xi32>
      %sign3A_167 = arith.extui %sign3A_166 : vector<16xi1> to vector<16xi32>
      %sign3A_168 = arith.constant 0 : i32
      %sign3A_169 = vector.broadcast %sign3A_168 : i32 to vector<16xi32>
      %sign3A_170 = arith.cmpi slt, %add3A_160, %sign3A_169 : vector<16xi32>
      %sign3A_171 = arith.extui %sign3A_170 : vector<16xi1> to vector<16xi32>
      %sign3A_172 = arith.subi %sign3A_167, %sign3A_171 : vector<16xi32>
      %sign3A_173 = arith.constant 0 : i32
      %sign3A_174 = arith.cmpi sgt, %jit3A_161, %sign3A_173 : i32
      %sign3A_175 = arith.extui %sign3A_174 : i1 to i32
      %sign3A_176 = arith.constant 0 : i32
      %sign3A_177 = arith.cmpi slt, %jit3A_161, %sign3A_176 : i32
      %sign3A_178 = arith.extui %sign3A_177 : i1 to i32
      %sign3A_179 = arith.subi %sign3A_175, %sign3A_178 : i32
      %ne3A_180 = vector.broadcast %sign3A_179 : i32 to vector<16xi32>
      %ne3A_181 = arith.cmpi ne, %sign3A_172, %ne3A_180 : vector<16xi32>
      %rem3A_182 = vector.broadcast %jit3A_161 : i32 to vector<16xi32>
      %rem3A_183 = arith.remsi %add3A_160, %rem3A_182 : vector<16xi32>
      %ne3A_184 = arith.constant 0 : i32
      %ne3A_185 = vector.broadcast %ne3A_184 : i32 to vector<16xi32>
      %ne3A_186 = arith.cmpi ne, %rem3A_183, %ne3A_185 : vector<16xi32>
      %and3A_187 = arith.andi %ne3A_181, %ne3A_186 : vector<16xi1>
      %sub3A_188 = arith.constant 1 : i32
      %sub3A_189 = vector.broadcast %sub3A_188 : i32 to vector<16xi32>
      %sub3A_190 = arith.subi %div3A_163, %sub3A_189 : vector<16xi32>
      %select_n3A_191 = arith.select %and3A_187, %sub3A_190, %div3A_163 : vector<16xi1>, vector<16xi32>
      %swap3A_192 = arith.constant 16 : index
      %swap3A_193 = tpu.vector_load %arg11[%swap3A_192] {strides = array<i32>} : memref<112xi32, #tpu.memory_space<vmem>>, vector<16xi32>,
      tpu.vector_store %arg11[%swap3A_192], %select_n3A_191 {strides = array<i32>} : memref<112xi32, #tpu.memory_space<vmem>>, vector<16xi32>,
      %add3A_194 = arith.addi %scan3A_122, %scan3A_129 : vector<16xi32>
      %jit3A_195 = arith.constant 2 : i32
      %div3A_196 = vector.broadcast %jit3A_195 : i32 to vector<16xi32>
      %div3A_197 = arith.divsi %add3A_194, %div3A_196 : vector<16xi32>
      %sign3A_198 = arith.constant 0 : i32
      %sign3A_199 = vector.broadcast %sign3A_198 : i32 to vector<16xi32>
      %sign3A_200 = arith.cmpi sgt, %add3A_194, %sign3A_199 : vector<16xi32>
      %sign3A_201 = arith.extui %sign3A_200 : vector<16xi1> to vector<16xi32>
      %sign3A_202 = arith.constant 0 : i32
      %sign3A_203 = vector.broadcast %sign3A_202 : i32 to vector<16xi32>
      %sign3A_204 = arith.cmpi slt, %add3A_194, %sign3A_203 : vector<16xi32>
      %sign3A_205 = arith.extui %sign3A_204 : vector<16xi1> to vector<16xi32>
      %sign3A_206 = arith.subi %sign3A_201, %sign3A_205 : vector<16xi32>
      %sign3A_207 = arith.constant 0 : i32
      %sign3A_208 = arith.cmpi sgt, %jit3A_195, %sign3A_207 : i32
      %sign3A_209 = arith.extui %sign3A_208 : i1 to i32
      %sign3A_210 = arith.constant 0 : i32
      %sign3A_211 = arith.cmpi slt, %jit3A_195, %sign3A_210 : i32
      %sign3A_212 = arith.extui %sign3A_211 : i1 to i32
      %sign3A_213 = arith.subi %sign3A_209, %sign3A_212 : i32
      %ne3A_214 = vector.broadcast %sign3A_213 : i32 to vector<16xi32>
      %ne3A_215 = arith.cmpi ne, %sign3A_206, %ne3A_214 : vector<16xi32>
      %rem3A_216 = vector.broadcast %jit3A_195 : i32 to vector<16xi32>
      %rem3A_217 = arith.remsi %add3A_194, %rem3A_216 : vector<16xi32>
      %ne3A_218 = arith.constant 0 : i32
      %ne3A_219 = vector.broadcast %ne3A_218 : i32 to vector<16xi32>
      %ne3A_220 = arith.cmpi ne, %rem3A_217, %ne3A_219 : vector<16xi32>
      %and3A_221 = arith.andi %ne3A_215, %ne3A_220 : vector<16xi1>
      %sub3A_222 = arith.constant 1 : i32
      %sub3A_223 = vector.broadcast %sub3A_222 : i32 to vector<16xi32>
      %sub3A_224 = arith.subi %div3A_197, %sub3A_223 : vector<16xi32>
      %select_n3A_225 = arith.select %and3A_221, %sub3A_224, %div3A_197 : vector<16xi1>, vector<16xi32>
      %swap3A_226 = arith.constant 32 : index
      %swap3A_227 = tpu.vector_load %arg11[%swap3A_226] {strides = array<i32>} : memref<112xi32, #tpu.memory_space<vmem>>, vector<16xi32>,
      tpu.vector_store %arg11[%swap3A_226], %select_n3A_225 {strides = array<i32>} : memref<112xi32, #tpu.memory_space<vmem>>, vector<16xi32>,
      %add3A_228 = arith.addi %scan3A_123, %scan3A_130 : vector<16xi32>
      %jit3A_229 = arith.constant 2 : i32
      %div3A_230 = vector.broadcast %jit3A_229 : i32 to vector<16xi32>
      %div3A_231 = arith.divsi %add3A_228, %div3A_230 : vector<16xi32>
      %sign3A_232 = arith.constant 0 : i32
      %sign3A_233 = vector.broadcast %sign3A_232 : i32 to vector<16xi32>
      %sign3A_234 = arith.cmpi sgt, %add3A_228, %sign3A_233 : vector<16xi32>
      %sign3A_235 = arith.extui %sign3A_234 : vector<16xi1> to vector<16xi32>
      %sign3A_236 = arith.constant 0 : i32
      %sign3A_237 = vector.broadcast %sign3A_236 : i32 to vector<16xi32>
      %sign3A_238 = arith.cmpi slt, %add3A_228, %sign3A_237 : vector<16xi32>
      %sign3A_239 = arith.extui %sign3A_238 : vector<16xi1> to vector<16xi32>
      %sign3A_240 = arith.subi %sign3A_235, %sign3A_239 : vector<16xi32>
      %sign3A_241 = arith.constant 0 : i32
      %sign3A_242 = arith.cmpi sgt, %jit3A_229, %sign3A_241 : i32
      %sign3A_243 = arith.extui %sign3A_242 : i1 to i32
      %sign3A_244 = arith.constant 0 : i32
      %sign3A_245 = arith.cmpi slt, %jit3A_229, %sign3A_244 : i32
      %sign3A_246 = arith.extui %sign3A_245 : i1 to i32
      %sign3A_247 = arith.subi %sign3A_243, %sign3A_246 : i32
      %ne3A_248 = vector.broadcast %sign3A_247 : i32 to vector<16xi32>
      %ne3A_249 = arith.cmpi ne, %sign3A_240, %ne3A_248 : vector<16xi32>
      %rem3A_250 = vector.broadcast %jit3A_229 : i32 to vector<16xi32>
      %rem3A_251 = arith.remsi %add3A_228, %rem3A_250 : vector<16xi32>
      %ne3A_252 = arith.constant 0 : i32
      %ne3A_253 = vector.broadcast %ne3A_252 : i32 to vector<16xi32>
      %ne3A_254 = arith.cmpi ne, %rem3A_251, %ne3A_253 : vector<16xi32>
      %and3A_255 = arith.andi %ne3A_249, %ne3A_254 : vector<16xi1>
      %sub3A_256 = arith.constant 1 : i32
      %sub3A_257 = vector.broadcast %sub3A_256 : i32 to vector<16xi32>
      %sub3A_258 = arith.subi %div3A_231, %sub3A_257 : vector<16xi32>
      %select_n3A_259 = arith.select %and3A_255, %sub3A_258, %div3A_231 : vector<16xi1>, vector<16xi32>
      %swap3A_260 = arith.constant 48 : index
      %swap3A_261 = tpu.vector_load %arg11[%swap3A_260] {strides = array<i32>} : memref<112xi32, #tpu.memory_space<vmem>>, vector<16xi32>,
      tpu.vector_store %arg11[%swap3A_260], %select_n3A_259 {strides = array<i32>} : memref<112xi32, #tpu.memory_space<vmem>>, vector<16xi32>,
      %add3A_262 = arith.addi %scan3A_124, %scan3A_131 : vector<16xi32>
      %jit3A_263 = arith.constant 2 : i32
      %div3A_264 = vector.broadcast %jit3A_263 : i32 to vector<16xi32>
      %div3A_265 = arith.divsi %add3A_262, %div3A_264 : vector<16xi32>
      %sign3A_266 = arith.constant 0 : i32
      %sign3A_267 = vector.broadcast %sign3A_266 : i32 to vector<16xi32>
      %sign3A_268 = arith.cmpi sgt, %add3A_262, %sign3A_267 : vector<16xi32>
      %sign3A_269 = arith.extui %sign3A_268 : vector<16xi1> to vector<16xi32>
      %sign3A_270 = arith.constant 0 : i32
      %sign3A_271 = vector.broadcast %sign3A_270 : i32 to vector<16xi32>
      %sign3A_272 = arith.cmpi slt, %add3A_262, %sign3A_271 : vector<16xi32>
      %sign3A_273 = arith.extui %sign3A_272 : vector<16xi1> to vector<16xi32>
      %sign3A_274 = arith.subi %sign3A_269, %sign3A_273 : vector<16xi32>
      %sign3A_275 = arith.constant 0 : i32
      %sign3A_276 = arith.cmpi sgt, %jit3A_263, %sign3A_275 : i32
      %sign3A_277 = arith.extui %sign3A_276 : i1 to i32
      %sign3A_278 = arith.constant 0 : i32
      %sign3A_279 = arith.cmpi slt, %jit3A_263, %sign3A_278 : i32
      %sign3A_280 = arith.extui %sign3A_279 : i1 to i32
      %sign3A_281 = arith.subi %sign3A_277, %sign3A_280 : i32
      %ne3A_282 = vector.broadcast %sign3A_281 : i32 to vector<16xi32>
      %ne3A_283 = arith.cmpi ne, %sign3A_274, %ne3A_282 : vector<16xi32>
      %rem3A_284 = vector.broadcast %jit3A_263 : i32 to vector<16xi32>
      %rem3A_285 = arith.remsi %add3A_262, %rem3A_284 : vector<16xi32>
      %ne3A_286 = arith.constant 0 : i32
      %ne3A_287 = vector.broadcast %ne3A_286 : i32 to vector<16xi32>
      %ne3A_288 = arith.cmpi ne, %rem3A_285, %ne3A_287 : vector<16xi32>
      %and3A_289 = arith.andi %ne3A_283, %ne3A_288 : vector<16xi1>
      %sub3A_290 = arith.constant 1 : i32
      %sub3A_291 = vector.broadcast %sub3A_290 : i32 to vector<16xi32>
      %sub3A_292 = arith.subi %div3A_265, %sub3A_291 : vector<16xi32>
      %select_n3A_293 = arith.select %and3A_289, %sub3A_292, %div3A_265 : vector<16xi1>, vector<16xi32>
      %swap3A_294 = arith.constant 64 : index
      %swap3A_295 = tpu.vector_load %arg11[%swap3A_294] {strides = array<i32>} : memref<112xi32, #tpu.memory_space<vmem>>, vector<16xi32>,
      tpu.vector_store %arg11[%swap3A_294], %select_n3A_293 {strides = array<i32>} : memref<112xi32, #tpu.memory_space<vmem>>, vector<16xi32>,
      %add3A_296 = arith.addi %scan3A_125, %scan3A_132 : vector<16xi32>
      %jit3A_297 = arith.constant 2 : i32
      %div3A_298 = vector.broadcast %jit3A_297 : i32 to vector<16xi32>
      %div3A_299 = arith.divsi %add3A_296, %div3A_298 : vector<16xi32>
      %sign3A_300 = arith.constant 0 : i32
      %sign3A_301 = vector.broadcast %sign3A_300 : i32 to vector<16xi32>
      %sign3A_302 = arith.cmpi sgt, %add3A_296, %sign3A_301 : vector<16xi32>
      %sign3A_303 = arith.extui %sign3A_302 : vector<16xi1> to vector<16xi32>
      %sign3A_304 = arith.constant 0 : i32
      %sign3A_305 = vector.broadcast %sign3A_304 : i32 to vector<16xi32>
      %sign3A_306 = arith.cmpi slt, %add3A_296, %sign3A_305 : vector<16xi32>
      %sign3A_307 = arith.extui %sign3A_306 : vector<16xi1> to vector<16xi32>
      %sign3A_308 = arith.subi %sign3A_303, %sign3A_307 : vector<16xi32>
      %sign3A_309 = arith.constant 0 : i32
      %sign3A_310 = arith.cmpi sgt, %jit3A_297, %sign3A_309 : i32
      %sign3A_311 = arith.extui %sign3A_310 : i1 to i32
      %sign3A_312 = arith.constant 0 : i32
      %sign3A_313 = arith.cmpi slt, %jit3A_297, %sign3A_312 : i32
      %sign3A_314 = arith.extui %sign3A_313 : i1 to i32
      %sign3A_315 = arith.subi %sign3A_311, %sign3A_314 : i32
      %ne3A_316 = vector.broadcast %sign3A_315 : i32 to vector<16xi32>
      %ne3A_317 = arith.cmpi ne, %sign3A_308, %ne3A_316 : vector<16xi32>
      %rem3A_318 = vector.broadcast %jit3A_297 : i32 to vector<16xi32>
      %rem3A_319 = arith.remsi %add3A_296, %rem3A_318 : vector<16xi32>
      %ne3A_320 = arith.constant 0 : i32
      %ne3A_321 = vector.broadcast %ne3A_320 : i32 to vector<16xi32>
      %ne3A_322 = arith.cmpi ne, %rem3A_319, %ne3A_321 : vector<16xi32>
      %and3A_323 = arith.andi %ne3A_317, %ne3A_322 : vector<16xi1>
      %sub3A_324 = arith.constant 1 : i32
      %sub3A_325 = vector.broadcast %sub3A_324 : i32 to vector<16xi32>
      %sub3A_326 = arith.subi %div3A_299, %sub3A_325 : vector<16xi32>
      %select_n3A_327 = arith.select %and3A_323, %sub3A_326, %div3A_299 : vector<16xi1>, vector<16xi32>
      %swap3A_328 = arith.constant 80 : index
      %swap3A_329 = tpu.vector_load %arg11[%swap3A_328] {strides = array<i32>} : memref<112xi32, #tpu.memory_space<vmem>>, vector<16xi32>,
      tpu.vector_store %arg11[%swap3A_328], %select_n3A_327 {strides = array<i32>} : memref<112xi32, #tpu.memory_space<vmem>>, vector<16xi32>,
      %add3A_330 = arith.addi %scan3A_126, %scan3A_133 : vector<16xi32>
      %jit3A_331 = arith.constant 2 : i32
      %div3A_332 = vector.broadcast %jit3A_331 : i32 to vector<16xi32>
      %div3A_333 = arith.divsi %add3A_330, %div3A_332 : vector<16xi32>
      %sign3A_334 = arith.constant 0 : i32
      %sign3A_335 = vector.broadcast %sign3A_334 : i32 to vector<16xi32>
      %sign3A_336 = arith.cmpi sgt, %add3A_330, %sign3A_335 : vector<16xi32>
      %sign3A_337 = arith.extui %sign3A_336 : vector<16xi1> to vector<16xi32>
      %sign3A_338 = arith.constant 0 : i32
      %sign3A_339 = vector.broadcast %sign3A_338 : i32 to vector<16xi32>
      %sign3A_340 = arith.cmpi slt, %add3A_330, %sign3A_339 : vector<16xi32>
      %sign3A_341 = arith.extui %sign3A_340 : vector<16xi1> to vector<16xi32>
      %sign3A_342 = arith.subi %sign3A_337, %sign3A_341 : vector<16xi32>
      %sign3A_343 = arith.constant 0 : i32
      %sign3A_344 = arith.cmpi sgt, %jit3A_331, %sign3A_343 : i32
      %sign3A_345 = arith.extui %sign3A_344 : i1 to i32
      %sign3A_346 = arith.constant 0 : i32
      %sign3A_347 = arith.cmpi slt, %jit3A_331, %sign3A_346 : i32
      %sign3A_348 = arith.extui %sign3A_347 : i1 to i32
      %sign3A_349 = arith.subi %sign3A_345, %sign3A_348 : i32
      %ne3A_350 = vector.broadcast %sign3A_349 : i32 to vector<16xi32>
      %ne3A_351 = arith.cmpi ne, %sign3A_342, %ne3A_350 : vector<16xi32>
      %rem3A_352 = vector.broadcast %jit3A_331 : i32 to vector<16xi32>
      %rem3A_353 = arith.remsi %add3A_330, %rem3A_352 : vector<16xi32>
      %ne3A_354 = arith.constant 0 : i32
      %ne3A_355 = vector.broadcast %ne3A_354 : i32 to vector<16xi32>
      %ne3A_356 = arith.cmpi ne, %rem3A_353, %ne3A_355 : vector<16xi32>
      %and3A_357 = arith.andi %ne3A_351, %ne3A_356 : vector<16xi1>
      %sub3A_358 = arith.constant 1 : i32
      %sub3A_359 = vector.broadcast %sub3A_358 : i32 to vector<16xi32>
      %sub3A_360 = arith.subi %div3A_333, %sub3A_359 : vector<16xi32>
      %select_n3A_361 = arith.select %and3A_357, %sub3A_360, %div3A_333 : vector<16xi1>, vector<16xi32>
      %swap3A_362 = arith.constant 96 : index
      %swap3A_363 = tpu.vector_load %arg11[%swap3A_362] {strides = array<i32>} : memref<112xi32, #tpu.memory_space<vmem>>, vector<16xi32>,
      tpu.vector_store %arg11[%swap3A_362], %select_n3A_361 {strides = array<i32>} : memref<112xi32, #tpu.memory_space<vmem>>, vector<16xi32>,
      %dma_start3A = arith.constant 0 : i32
      %dma_start3A_364 = tpu.memref_slice %arg2[%dma_start3A] : memref<25165824xi32, #tpu.memory_space<hbm>> -> memref<25165824xi32, #tpu.memory_space<hbm>>
      tpu.enqueue_indirect_dma source(%dma_start3A_364 : memref<25165824xi32, #tpu.memory_space<hbm>>) target(%arg12 : memref<112xi32, #tpu.memory_space<vmem>>) offsets(%arg11 : memref<112xi32, #tpu.memory_space<vmem>>) semaphore(%arg18 : memref<!tpu.dma_semaphore, #tpu.memory_space<semaphore_mem>>)
      %dma_wait3A_365 = arith.constant 0 : i32
      %dma_wait3A_366 = tpu.memref_slice %arg2[%dma_wait3A_365] : memref<25165824xi32, #tpu.memory_space<hbm>> -> memref<25165824xi32, #tpu.memory_space<hbm>>
      tpu.wait_indirect_dma semaphore(%arg18 : memref<!tpu.dma_semaphore, #tpu.memory_space<semaphore_mem>>) src(%dma_wait3A_366 : memref<25165824xi32, #tpu.memory_space<hbm>>) dst(%arg12 : memref<112xi32, #tpu.memory_space<vmem>>)
      %get3A = arith.constant 0 : index
      %get3A_367 = tpu.vector_load %arg11[%get3A] {strides = array<i32>} : memref<112xi32, #tpu.memory_space<vmem>>, vector<16xi32>,
      %get3A_368 = arith.constant 0 : index
      %get3A_369 = tpu.vector_load %arg12[%get3A_368] {strides = array<i32>} : memref<112xi32, #tpu.memory_space<vmem>>, vector<16xi32>,
      %lt3A = arith.cmpi slt, %get3A_369, %mul3A_11 : vector<16xi32>
      %add3A_370 = arith.constant 1 : i32
      %add3A_371 = vector.broadcast %add3A_370 : i32 to vector<16xi32>
      %add3A_372 = arith.addi %get3A_367, %add3A_371 : vector<16xi32>
      %select_n3A_373 = arith.select %lt3A, %add3A_372, %scan3A_120 : vector<16xi1>, vector<16xi32>
      %select_n3A_374 = arith.select %lt3A, %scan3A_127, %get3A_367 : vector<16xi1>, vector<16xi32>
      %get3A_375 = arith.constant 16 : index
      %get3A_376 = tpu.vector_load %arg11[%get3A_375] {strides = array<i32>} : memref<112xi32, #tpu.memory_space<vmem>>, vector<16xi32>,
      %get3A_377 = arith.constant 16 : index
      %get3A_378 = tpu.vector_load %arg12[%get3A_377] {strides = array<i32>} : memref<112xi32, #tpu.memory_space<vmem>>, vector<16xi32>,
      %lt3A_379 = arith.cmpi slt, %get3A_378, %mul3A_23 : vector<16xi32>
      %add3A_380 = arith.constant 1 : i32
      %add3A_381 = vector.broadcast %add3A_380 : i32 to vector<16xi32>
      %add3A_382 = arith.addi %get3A_376, %add3A_381 : vector<16xi32>
      %select_n3A_383 = arith.select %lt3A_379, %add3A_382, %scan3A_121 : vector<16xi1>, vector<16xi32>
      %select_n3A_384 = arith.select %lt3A_379, %scan3A_128, %get3A_376 : vector<16xi1>, vector<16xi32>
      %get3A_385 = arith.constant 32 : index
      %get3A_386 = tpu.vector_load %arg11[%get3A_385] {strides = array<i32>} : memref<112xi32, #tpu.memory_space<vmem>>, vector<16xi32>,
      %get3A_387 = arith.constant 32 : index
      %get3A_388 = tpu.vector_load %arg12[%get3A_387] {strides = array<i32>} : memref<112xi32, #tpu.memory_space<vmem>>, vector<16xi32>,
      %lt3A_389 = arith.cmpi slt, %get3A_388, %mul3A_35 : vector<16xi32>
      %add3A_390 = arith.constant 1 : i32
      %add3A_391 = vector.broadcast %add3A_390 : i32 to vector<16xi32>
      %add3A_392 = arith.addi %get3A_386, %add3A_391 : vector<16xi32>
      %select_n3A_393 = arith.select %lt3A_389, %add3A_392, %scan3A_122 : vector<16xi1>, vector<16xi32>
      %select_n3A_394 = arith.select %lt3A_389, %scan3A_129, %get3A_386 : vector<16xi1>, vector<16xi32>
      %get3A_395 = arith.constant 48 : index
      %get3A_396 = tpu.vector_load %arg11[%get3A_395] {strides = array<i32>} : memref<112xi32, #tpu.memory_space<vmem>>, vector<16xi32>,
      %get3A_397 = arith.constant 48 : index
      %get3A_398 = tpu.vector_load %arg12[%get3A_397] {strides = array<i32>} : memref<112xi32, #tpu.memory_space<vmem>>, vector<16xi32>,
      %lt3A_399 = arith.cmpi slt, %get3A_398, %mul3A_47 : vector<16xi32>
      %add3A_400 = arith.constant 1 : i32
      %add3A_401 = vector.broadcast %add3A_400 : i32 to vector<16xi32>
      %add3A_402 = arith.addi %get3A_396, %add3A_401 : vector<16xi32>
      %select_n3A_403 = arith.select %lt3A_399, %add3A_402, %scan3A_123 : vector<16xi1>, vector<16xi32>
      %select_n3A_404 = arith.select %lt3A_399, %scan3A_130, %get3A_396 : vector<16xi1>, vector<16xi32>
      %get3A_405 = arith.constant 64 : index
      %get3A_406 = tpu.vector_load %arg11[%get3A_405] {strides = array<i32>} : memref<112xi32, #tpu.memory_space<vmem>>, vector<16xi32>,
      %get3A_407 = arith.constant 64 : index
      %get3A_408 = tpu.vector_load %arg12[%get3A_407] {strides = array<i32>} : memref<112xi32, #tpu.memory_space<vmem>>, vector<16xi32>,
      %lt3A_409 = arith.cmpi slt, %get3A_408, %mul3A_59 : vector<16xi32>
      %add3A_410 = arith.constant 1 : i32
      %add3A_411 = vector.broadcast %add3A_410 : i32 to vector<16xi32>
      %add3A_412 = arith.addi %get3A_406, %add3A_411 : vector<16xi32>
      %select_n3A_413 = arith.select %lt3A_409, %add3A_412, %scan3A_124 : vector<16xi1>, vector<16xi32>
      %select_n3A_414 = arith.select %lt3A_409, %scan3A_131, %get3A_406 : vector<16xi1>, vector<16xi32>
      %get3A_415 = arith.constant 80 : index
      %get3A_416 = tpu.vector_load %arg11[%get3A_415] {strides = array<i32>} : memref<112xi32, #tpu.memory_space<vmem>>, vector<16xi32>,
      %get3A_417 = arith.constant 80 : index
      %get3A_418 = tpu.vector_load %arg12[%get3A_417] {strides = array<i32>} : memref<112xi32, #tpu.memory_space<vmem>>, vector<16xi32>,
      %lt3A_419 = arith.cmpi slt, %get3A_418, %mul3A_71 : vector<16xi32>
      %add3A_420 = arith.constant 1 : i32
      %add3A_421 = vector.broadcast %add3A_420 : i32 to vector<16xi32>
      %add3A_422 = arith.addi %get3A_416, %add3A_421 : vector<16xi32>
      %select_n3A_423 = arith.select %lt3A_419, %add3A_422, %scan3A_125 : vector<16xi1>, vector<16xi32>
      %select_n3A_424 = arith.select %lt3A_419, %scan3A_132, %get3A_416 : vector<16xi1>, vector<16xi32>
      %get3A_425 = arith.constant 96 : index
      %get3A_426 = tpu.vector_load %arg11[%get3A_425] {strides = array<i32>} : memref<112xi32, #tpu.memory_space<vmem>>, vector<16xi32>,
      %get3A_427 = arith.constant 96 : index
      %get3A_428 = tpu.vector_load %arg12[%get3A_427] {strides = array<i32>} : memref<112xi32, #tpu.memory_space<vmem>>, vector<16xi32>,
      %lt3A_429 = arith.cmpi slt, %get3A_428, %mul3A_83 : vector<16xi32>
      %add3A_430 = arith.constant 1 : i32
      %add3A_431 = vector.broadcast %add3A_430 : i32 to vector<16xi32>
      %add3A_432 = arith.addi %get3A_426, %add3A_431 : vector<16xi32>
      %select_n3A_433 = arith.select %lt3A_429, %add3A_432, %scan3A_126 : vector<16xi1>, vector<16xi32>
      %select_n3A_434 = arith.select %lt3A_429, %scan3A_133, %get3A_426 : vector<16xi1>, vector<16xi32>
      scf.yield %select_n3A_373, %select_n3A_383, %select_n3A_393, %select_n3A_403, %select_n3A_413, %select_n3A_423, %select_n3A_433, %select_n3A_374, %select_n3A_384, %select_n3A_394, %select_n3A_404, %select_n3A_414, %select_n3A_424, %select_n3A_434 : vector<16xi32>, vector<16xi32>, vector<16xi32>, vector<16xi32>, vector<16xi32>, vector<16xi32>, vector<16xi32>, vector<16xi32>, vector<16xi32>, vector<16xi32>, vector<16xi32>, vector<16xi32>, vector<16xi32>, vector<16xi32>
    }
    %scan3A_91 = arith.constant 25 : i32
    %swap3A = arith.constant 0 : index
    %swap3A_92 = tpu.vector_load %arg13[%swap3A] {strides = array<i32>} : memref<112xi32, #tpu.memory_space<vmem>>, vector<16xi32>,
    tpu.vector_store %arg13[%swap3A], %scan3A_90#0 {strides = array<i32>} : memref<112xi32, #tpu.memory_space<vmem>>, vector<16xi32>,
    %swap3A_93 = arith.constant 16 : index
    %swap3A_94 = tpu.vector_load %arg13[%swap3A_93] {strides = array<i32>} : memref<112xi32, #tpu.memory_space<vmem>>, vector<16xi32>,
    tpu.vector_store %arg13[%swap3A_93], %scan3A_90#1 {strides = array<i32>} : memref<112xi32, #tpu.memory_space<vmem>>, vector<16xi32>,
    %swap3A_95 = arith.constant 32 : index
    %swap3A_96 = tpu.vector_load %arg13[%swap3A_95] {strides = array<i32>} : memref<112xi32, #tpu.memory_space<vmem>>, vector<16xi32>,
    tpu.vector_store %arg13[%swap3A_95], %scan3A_90#2 {strides = array<i32>} : memref<112xi32, #tpu.memory_space<vmem>>, vector<16xi32>,
    %swap3A_97 = arith.constant 48 : index
    %swap3A_98 = tpu.vector_load %arg13[%swap3A_97] {strides = array<i32>} : memref<112xi32, #tpu.memory_space<vmem>>, vector<16xi32>,
    tpu.vector_store %arg13[%swap3A_97], %scan3A_90#3 {strides = array<i32>} : memref<112xi32, #tpu.memory_space<vmem>>, vector<16xi32>,
    %swap3A_99 = arith.constant 64 : index
    %swap3A_100 = tpu.vector_load %arg13[%swap3A_99] {strides = array<i32>} : memref<112xi32, #tpu.memory_space<vmem>>, vector<16xi32>,
    tpu.vector_store %arg13[%swap3A_99], %scan3A_90#4 {strides = array<i32>} : memref<112xi32, #tpu.memory_space<vmem>>, vector<16xi32>,
    %swap3A_101 = arith.constant 80 : index
    %swap3A_102 = tpu.vector_load %arg13[%swap3A_101] {strides = array<i32>} : memref<112xi32, #tpu.memory_space<vmem>>, vector<16xi32>,
    tpu.vector_store %arg13[%swap3A_101], %scan3A_90#5 {strides = array<i32>} : memref<112xi32, #tpu.memory_space<vmem>>, vector<16xi32>,
    %swap3A_103 = arith.constant 96 : index
    %swap3A_104 = tpu.vector_load %arg13[%swap3A_103] {strides = array<i32>} : memref<112xi32, #tpu.memory_space<vmem>>, vector<16xi32>,
    tpu.vector_store %arg13[%swap3A_103], %scan3A_90#6 {strides = array<i32>} : memref<112xi32, #tpu.memory_space<vmem>>, vector<16xi32>,
    %scan3A_105 = arith.constant 0 : i32
    %scan3A_106 = arith.constant 0 : i32
    %scan3A_107 = arith.constant 48 : i32
    %scan3A_108 = arith.addi %scan3A_106, %scan3A_107 : i32
    %scan3A_109 = arith.constant 1 : i32
    %scan3A_110 = scf.for %scan3A_119 = %scan3A_106 to %scan3A_108 step %scan3A_109 iter_args(%scan3A_120 = %scan3A_105) -> (i32)  : i32 {
      %mul3A_121 = arith.constant 2 : i32
      %mul3A_122 = arith.muli %mul3A_121, %scan3A_119 : i32
      %gt3A = arith.constant 0 : i32
      %gt3A_123 = arith.cmpi sgt, %scan3A_119, %gt3A : i32
      %mul3A_124 = arith.constant 96 : i32
      %mul3A_125 = arith.muli %add3A, %mul3A_124 : i32
      %add3A_126 = arith.addi %mul3A_125, %mul3A_122 : i32
      %mul3A_127 = arith.constant 32768 : i32
      %mul3A_128 = arith.muli %add3A_126, %mul3A_127 : i32
      %jit3A = arith.constant 16 : i32
      %div3A = arith.divsi %mul3A_122, %jit3A : i32
      %sign3A = arith.constant 0 : i32
      %sign3A_129 = arith.cmpi sgt, %mul3A_122, %sign3A : i32
      %sign3A_130 = arith.extui %sign3A_129 : i1 to i32
      %sign3A_131 = arith.constant 0 : i32
      %sign3A_132 = arith.cmpi slt, %mul3A_122, %sign3A_131 : i32
      %sign3A_133 = arith.extui %sign3A_132 : i1 to i32
      %sign3A_134 = arith.subi %sign3A_130, %sign3A_133 : i32
      %sign3A_135 = arith.constant 0 : i32
      %sign3A_136 = arith.cmpi sgt, %jit3A, %sign3A_135 : i32
      %sign3A_137 = arith.extui %sign3A_136 : i1 to i32
      %sign3A_138 = arith.constant 0 : i32
      %sign3A_139 = arith.cmpi slt, %jit3A, %sign3A_138 : i32
      %sign3A_140 = arith.extui %sign3A_139 : i1 to i32
      %sign3A_141 = arith.subi %sign3A_137, %sign3A_140 : i32
      %ne3A = arith.cmpi ne, %sign3A_134, %sign3A_141 : i32
      %rem3A = arith.remsi %mul3A_122, %jit3A : i32
      %ne3A_142 = arith.constant 0 : i32
      %ne3A_143 = arith.cmpi ne, %rem3A, %ne3A_142 : i32
      %and3A = arith.andi %ne3A, %ne3A_143 : i1
      %sub3A = arith.constant 1 : i32
      %sub3A_144 = arith.subi %div3A, %sub3A : i32
      %select_n3A = arith.select %and3A, %sub3A_144, %div3A : i32
      %mul3A_145 = arith.constant 16 : i32
      %mul3A_146 = arith.muli %select_n3A, %mul3A_145 : i32
      %get3A = arith.index_cast %mul3A_146 : i32 to index
      %get3A_147 = tpu.vector_load %arg13[%get3A] {strides = array<i32>} : memref<112xi32, #tpu.memory_space<vmem>>, vector<16xi32>,
      %sub3A_148 = arith.subi %mul3A_122, %mul3A_146 : i32
      %iota3A_149 = tpu.iota {dimensions = array<i32: 0>} : vector<16xi32>
      %eq3A = vector.broadcast %sub3A_148 : i32 to vector<16xi32>
      %eq3A_150 = arith.cmpi eq, %iota3A_149, %eq3A : vector<16xi32>
      %jit3A_151 = arith.constant -2147483648 : i32
      %broadcast_in_dim3A_152 = vector.broadcast %jit3A_151 : i32 to vector<16xi32>
      %select_n3A_153 = arith.select %eq3A_150, %get3A_147, %broadcast_in_dim3A_152 : vector<16xi1>, vector<16xi32>
      %reduce_max3A = arith.constant true
      %reduce_max3A_154 = vector.broadcast %reduce_max3A : i1 to vector<16xi1>
      %reduce_max3A_155 = arith.constant -2147483648 : i32
      %reduce_max3A_156 = vector.broadcast %reduce_max3A_155 : i32 to vector<16xi32>
      %reduce_max3A_157 = arith.xori %select_n3A_153, %reduce_max3A_156 : vector<16xi32>
      %reduce_max3A_158 = tpu.scan <max>, %reduce_max3A_157 masked %reduce_max3A_154 : vector<16xi32>, vector<16xi1> -> vector<16xi32>
      %reduce_max3A_159 = arith.xori %reduce_max3A_158, %reduce_max3A_156 : vector<16xi32>
      %reduce_max3A_160 = vector.extract %reduce_max3A_159[15] : i32 from vector<16xi32>
      %add3A_161 = arith.constant 1 : i32
      %add3A_162 = arith.addi %mul3A_122, %add3A_161 : i32
      %jit3A_163 = arith.constant 16 : i32
      %div3A_164 = arith.divsi %add3A_162, %jit3A_163 : i32
      %sign3A_165 = arith.constant 0 : i32
      %sign3A_166 = arith.cmpi sgt, %add3A_162, %sign3A_165 : i32
      %sign3A_167 = arith.extui %sign3A_166 : i1 to i32
      %sign3A_168 = arith.constant 0 : i32
      %sign3A_169 = arith.cmpi slt, %add3A_162, %sign3A_168 : i32
      %sign3A_170 = arith.extui %sign3A_169 : i1 to i32
      %sign3A_171 = arith.subi %sign3A_167, %sign3A_170 : i32
      %sign3A_172 = arith.constant 0 : i32
      %sign3A_173 = arith.cmpi sgt, %jit3A_163, %sign3A_172 : i32
      %sign3A_174 = arith.extui %sign3A_173 : i1 to i32
      %sign3A_175 = arith.constant 0 : i32
      %sign3A_176 = arith.cmpi slt, %jit3A_163, %sign3A_175 : i32
      %sign3A_177 = arith.extui %sign3A_176 : i1 to i32
      %sign3A_178 = arith.subi %sign3A_174, %sign3A_177 : i32
      %ne3A_179 = arith.cmpi ne, %sign3A_171, %sign3A_178 : i32
      %rem3A_180 = arith.remsi %add3A_162, %jit3A_163 : i32
      %ne3A_181 = arith.constant 0 : i32
      %ne3A_182 = arith.cmpi ne, %rem3A_180, %ne3A_181 : i32
      %and3A_183 = arith.andi %ne3A_179, %ne3A_182 : i1
      %sub3A_184 = arith.constant 1 : i32
      %sub3A_185 = arith.subi %div3A_164, %sub3A_184 : i32
      %select_n3A_186 = arith.select %and3A_183, %sub3A_185, %div3A_164 : i32
      %mul3A_187 = arith.constant 16 : i32
      %mul3A_188 = arith.muli %select_n3A_186, %mul3A_187 : i32
      %get3A_189 = arith.index_cast %mul3A_188 : i32 to index
      %get3A_190 = tpu.vector_load %arg13[%get3A_189] {strides = array<i32>} : memref<112xi32, #tpu.memory_space<vmem>>, vector<16xi32>,
      %add3A_191 = arith.constant 1 : i32
      %add3A_192 = arith.addi %mul3A_122, %add3A_191 : i32
      %sub3A_193 = arith.subi %add3A_192, %mul3A_188 : i32
      %iota3A_194 = tpu.iota {dimensions = array<i32: 0>} : vector<16xi32>
      %eq3A_195 = vector.broadcast %sub3A_193 : i32 to vector<16xi32>
      %eq3A_196 = arith.cmpi eq, %iota3A_194, %eq3A_195 : vector<16xi32>
      %jit3A_197 = arith.constant -2147483648 : i32
      %broadcast_in_dim3A_198 = vector.broadcast %jit3A_197 : i32 to vector<16xi32>
      %select_n3A_199 = arith.select %eq3A_196, %get3A_190, %broadcast_in_dim3A_198 : vector<16xi1>, vector<16xi32>
      %reduce_max3A_200 = arith.constant true
      %reduce_max3A_201 = vector.broadcast %reduce_max3A_200 : i1 to vector<16xi1>
      %reduce_max3A_202 = arith.constant -2147483648 : i32
      %reduce_max3A_203 = vector.broadcast %reduce_max3A_202 : i32 to vector<16xi32>
      %reduce_max3A_204 = arith.xori %select_n3A_199, %reduce_max3A_203 : vector<16xi32>
      %reduce_max3A_205 = tpu.scan <max>, %reduce_max3A_204 masked %reduce_max3A_201 : vector<16xi32>, vector<16xi1> -> vector<16xi32>
      %reduce_max3A_206 = arith.xori %reduce_max3A_205, %reduce_max3A_203 : vector<16xi32>
      %reduce_max3A_207 = vector.extract %reduce_max3A_206[15] : i32 from vector<16xi32>
      %convert_element_type3A = arith.extui %gt3A_123 : i1 to i32
      %cond3A = arith.constant 0 : i32
      %cond3A_208 = arith.cmpi ne, %convert_element_type3A, %cond3A : i32
      scf.if %cond3A_208 {
        %dma_wait3A_530 = arith.constant 0 : i32
        %dma_wait3A_531 = tpu.memref_slice %arg4[%dma_wait3A_530] : memref<100663296xf32, #tpu.memory_space<hbm>> -> memref<32768xf32, #tpu.memory_space<hbm>>
        %dma_wait3A_532 = arith.constant 0 : i32
        %dma_wait3A_533 = tpu.memref_slice %arg4[%dma_wait3A_532] : memref<100663296xf32, #tpu.memory_space<hbm>> -> memref<32768xf32, #tpu.memory_space<hbm>>
        tpu.wait_dma2 semaphore(%arg16 : memref<!tpu.dma_semaphore, #tpu.memory_space<semaphore_mem>>) src(%arg5 : memref<32768xf32, #tpu.memory_space<vmem>>) dst(%dma_wait3A_533 : memref<32768xf32, #tpu.memory_space<hbm>>)
      } else {
      }
      %broadcast_in_dim3A_209 = arith.constant 0.000000e+00 : f32
      %broadcast_in_dim3A_210 = vector.broadcast %broadcast_in_dim3A_209 : f32 to vector<16xf32>
      %scan3A_211 = arith.constant 0 : i32
      %scan3A_212 = arith.constant 0 : i32
      %scan3A_213 = arith.constant 256 : i32
      %scan3A_214 = arith.addi %scan3A_212, %scan3A_213 : i32
      %scan3A_215 = arith.constant 1 : i32
      %scan3A_216 = scf.for %scan3A_530 = %scan3A_212 to %scan3A_214 step %scan3A_215 iter_args(%scan3A_531 = %scan3A_211) -> (i32)  : i32 {
        %mul3A_532 = arith.constant 128 : i32
        %mul3A_533 = arith.muli %scan3A_530, %mul3A_532 : i32
        %add3A_534 = arith.constant 0 : i32
        %add3A_535 = arith.addi %mul3A_533, %add3A_534 : i32
        %swap3A_536 = arith.index_cast %add3A_535 : i32 to index
        %swap3A_537 = tpu.vector_load %arg5[%swap3A_536] {strides = array<i32>} : memref<32768xf32, #tpu.memory_space<vmem>>, vector<16xf32>,
        tpu.vector_store %arg5[%swap3A_536], %broadcast_in_dim3A_210 {strides = array<i32>} : memref<32768xf32, #tpu.memory_space<vmem>>, vector<16xf32>,
        %mul3A_538 = arith.constant 128 : i32
        %mul3A_539 = arith.muli %scan3A_530, %mul3A_538 : i32
        %add3A_540 = arith.constant 16 : i32
        %add3A_541 = arith.addi %mul3A_539, %add3A_540 : i32
        %swap3A_542 = arith.index_cast %add3A_541 : i32 to index
        %swap3A_543 = tpu.vector_load %arg5[%swap3A_542] {strides = array<i32>} : memref<32768xf32, #tpu.memory_space<vmem>>, vector<16xf32>,
        tpu.vector_store %arg5[%swap3A_542], %broadcast_in_dim3A_210 {strides = array<i32>} : memref<32768xf32, #tpu.memory_space<vmem>>, vector<16xf32>,
        %mul3A_544 = arith.constant 128 : i32
        %mul3A_545 = arith.muli %scan3A_530, %mul3A_544 : i32
        %add3A_546 = arith.constant 32 : i32
        %add3A_547 = arith.addi %mul3A_545, %add3A_546 : i32
        %swap3A_548 = arith.index_cast %add3A_547 : i32 to index
        %swap3A_549 = tpu.vector_load %arg5[%swap3A_548] {strides = array<i32>} : memref<32768xf32, #tpu.memory_space<vmem>>, vector<16xf32>,
        tpu.vector_store %arg5[%swap3A_548], %broadcast_in_dim3A_210 {strides = array<i32>} : memref<32768xf32, #tpu.memory_space<vmem>>, vector<16xf32>,
        %mul3A_550 = arith.constant 128 : i32
        %mul3A_551 = arith.muli %scan3A_530, %mul3A_550 : i32
        %add3A_552 = arith.constant 48 : i32
        %add3A_553 = arith.addi %mul3A_551, %add3A_552 : i32
        %swap3A_554 = arith.index_cast %add3A_553 : i32 to index
        %swap3A_555 = tpu.vector_load %arg5[%swap3A_554] {strides = array<i32>} : memref<32768xf32, #tpu.memory_space<vmem>>, vector<16xf32>,
        tpu.vector_store %arg5[%swap3A_554], %broadcast_in_dim3A_210 {strides = array<i32>} : memref<32768xf32, #tpu.memory_space<vmem>>, vector<16xf32>,
        %mul3A_556 = arith.constant 128 : i32
        %mul3A_557 = arith.muli %scan3A_530, %mul3A_556 : i32
        %add3A_558 = arith.constant 64 : i32
        %add3A_559 = arith.addi %mul3A_557, %add3A_558 : i32
        %swap3A_560 = arith.index_cast %add3A_559 : i32 to index
        %swap3A_561 = tpu.vector_load %arg5[%swap3A_560] {strides = array<i32>} : memref<32768xf32, #tpu.memory_space<vmem>>, vector<16xf32>,
        tpu.vector_store %arg5[%swap3A_560], %broadcast_in_dim3A_210 {strides = array<i32>} : memref<32768xf32, #tpu.memory_space<vmem>>, vector<16xf32>,
        %mul3A_562 = arith.constant 128 : i32
        %mul3A_563 = arith.muli %scan3A_530, %mul3A_562 : i32
        %add3A_564 = arith.constant 80 : i32
        %add3A_565 = arith.addi %mul3A_563, %add3A_564 : i32
        %swap3A_566 = arith.index_cast %add3A_565 : i32 to index
        %swap3A_567 = tpu.vector_load %arg5[%swap3A_566] {strides = array<i32>} : memref<32768xf32, #tpu.memory_space<vmem>>, vector<16xf32>,
        tpu.vector_store %arg5[%swap3A_566], %broadcast_in_dim3A_210 {strides = array<i32>} : memref<32768xf32, #tpu.memory_space<vmem>>, vector<16xf32>,
        %mul3A_568 = arith.constant 128 : i32
        %mul3A_569 = arith.muli %scan3A_530, %mul3A_568 : i32
        %add3A_570 = arith.constant 96 : i32
        %add3A_571 = arith.addi %mul3A_569, %add3A_570 : i32
        %swap3A_572 = arith.index_cast %add3A_571 : i32 to index
        %swap3A_573 = tpu.vector_load %arg5[%swap3A_572] {strides = array<i32>} : memref<32768xf32, #tpu.memory_space<vmem>>, vector<16xf32>,
        tpu.vector_store %arg5[%swap3A_572], %broadcast_in_dim3A_210 {strides = array<i32>} : memref<32768xf32, #tpu.memory_space<vmem>>, vector<16xf32>,
        %mul3A_574 = arith.constant 128 : i32
        %mul3A_575 = arith.muli %scan3A_530, %mul3A_574 : i32
        %add3A_576 = arith.constant 112 : i32
        %add3A_577 = arith.addi %mul3A_575, %add3A_576 : i32
        %swap3A_578 = arith.index_cast %add3A_577 : i32 to index
        %swap3A_579 = tpu.vector_load %arg5[%swap3A_578] {strides = array<i32>} : memref<32768xf32, #tpu.memory_space<vmem>>, vector<16xf32>,
        tpu.vector_store %arg5[%swap3A_578], %broadcast_in_dim3A_210 {strides = array<i32>} : memref<32768xf32, #tpu.memory_space<vmem>>, vector<16xf32>,
        %scan3A_580 = arith.constant 0 : i32
        scf.yield %scan3A_580 : i32
      }
      %scan3A_217 = arith.constant 256 : i32
      %jit3A_218 = arith.constant 8 : i32
      %div3A_219 = arith.divsi %reduce_max3A_160, %jit3A_218 : i32
      %sign3A_220 = arith.constant 0 : i32
      %sign3A_221 = arith.cmpi sgt, %reduce_max3A_160, %sign3A_220 : i32
      %sign3A_222 = arith.extui %sign3A_221 : i1 to i32
      %sign3A_223 = arith.constant 0 : i32
      %sign3A_224 = arith.cmpi slt, %reduce_max3A_160, %sign3A_223 : i32
      %sign3A_225 = arith.extui %sign3A_224 : i1 to i32
      %sign3A_226 = arith.subi %sign3A_222, %sign3A_225 : i32
      %sign3A_227 = arith.constant 0 : i32
      %sign3A_228 = arith.cmpi sgt, %jit3A_218, %sign3A_227 : i32
      %sign3A_229 = arith.extui %sign3A_228 : i1 to i32
      %sign3A_230 = arith.constant 0 : i32
      %sign3A_231 = arith.cmpi slt, %jit3A_218, %sign3A_230 : i32
      %sign3A_232 = arith.extui %sign3A_231 : i1 to i32
      %sign3A_233 = arith.subi %sign3A_229, %sign3A_232 : i32
      %ne3A_234 = arith.cmpi ne, %sign3A_226, %sign3A_233 : i32
      %rem3A_235 = arith.remsi %reduce_max3A_160, %jit3A_218 : i32
      %ne3A_236 = arith.constant 0 : i32
      %ne3A_237 = arith.cmpi ne, %rem3A_235, %ne3A_236 : i32
      %and3A_238 = arith.andi %ne3A_234, %ne3A_237 : i1
      %sub3A_239 = arith.constant 1 : i32
      %sub3A_240 = arith.subi %div3A_219, %sub3A_239 : i32
      %select_n3A_241 = arith.select %and3A_238, %sub3A_240, %div3A_219 : i32
      %mul3A_242 = arith.constant 8 : i32
      %mul3A_243 = arith.muli %select_n3A_241, %mul3A_242 : i32
      %sub3A_244 = arith.subi %reduce_max3A_207, %mul3A_243 : i32
      %add3A_245 = arith.constant 2048 : i32
      %add3A_246 = arith.addi %sub3A_244, %add3A_245 : i32
      %sub3A_247 = arith.constant 1 : i32
      %sub3A_248 = arith.subi %add3A_246, %sub3A_247 : i32
      %jit3A_249 = arith.constant 2048 : i32
      %div3A_250 = arith.divsi %sub3A_248, %jit3A_249 : i32
      %sign3A_251 = arith.constant 0 : i32
      %sign3A_252 = arith.cmpi sgt, %sub3A_248, %sign3A_251 : i32
      %sign3A_253 = arith.extui %sign3A_252 : i1 to i32
      %sign3A_254 = arith.constant 0 : i32
      %sign3A_255 = arith.cmpi slt, %sub3A_248, %sign3A_254 : i32
      %sign3A_256 = arith.extui %sign3A_255 : i1 to i32
      %sign3A_257 = arith.subi %sign3A_253, %sign3A_256 : i32
      %sign3A_258 = arith.constant 0 : i32
      %sign3A_259 = arith.cmpi sgt, %jit3A_249, %sign3A_258 : i32
      %sign3A_260 = arith.extui %sign3A_259 : i1 to i32
      %sign3A_261 = arith.constant 0 : i32
      %sign3A_262 = arith.cmpi slt, %jit3A_249, %sign3A_261 : i32
      %sign3A_263 = arith.extui %sign3A_262 : i1 to i32
      %sign3A_264 = arith.subi %sign3A_260, %sign3A_263 : i32
      %ne3A_265 = arith.cmpi ne, %sign3A_257, %sign3A_264 : i32
      %rem3A_266 = arith.remsi %sub3A_248, %jit3A_249 : i32
      %ne3A_267 = arith.constant 0 : i32
      %ne3A_268 = arith.cmpi ne, %rem3A_266, %ne3A_267 : i32
      %and3A_269 = arith.andi %ne3A_265, %ne3A_268 : i1
      %sub3A_270 = arith.constant 1 : i32
      %sub3A_271 = arith.subi %div3A_250, %sub3A_270 : i32
      %select_n3A_272 = arith.select %and3A_269, %sub3A_271, %div3A_250 : i32
      %add3A_273 = arith.constant 1 : i32
      %add3A_274 = arith.addi %select_n3A_272, %add3A_273 : i32
      %jit3A_275 = arith.constant 2 : i32
      %div3A_276 = arith.divsi %add3A_274, %jit3A_275 : i32
      %sign3A_277 = arith.constant 0 : i32
      %sign3A_278 = arith.cmpi sgt, %add3A_274, %sign3A_277 : i32
      %sign3A_279 = arith.extui %sign3A_278 : i1 to i32
      %sign3A_280 = arith.constant 0 : i32
      %sign3A_281 = arith.cmpi slt, %add3A_274, %sign3A_280 : i32
      %sign3A_282 = arith.extui %sign3A_281 : i1 to i32
      %sign3A_283 = arith.subi %sign3A_279, %sign3A_282 : i32
      %sign3A_284 = arith.constant 0 : i32
      %sign3A_285 = arith.cmpi sgt, %jit3A_275, %sign3A_284 : i32
      %sign3A_286 = arith.extui %sign3A_285 : i1 to i32
      %sign3A_287 = arith.constant 0 : i32
      %sign3A_288 = arith.cmpi slt, %jit3A_275, %sign3A_287 : i32
      %sign3A_289 = arith.extui %sign3A_288 : i1 to i32
      %sign3A_290 = arith.subi %sign3A_286, %sign3A_289 : i32
      %ne3A_291 = arith.cmpi ne, %sign3A_283, %sign3A_290 : i32
      %rem3A_292 = arith.remsi %add3A_274, %jit3A_275 : i32
      %ne3A_293 = arith.constant 0 : i32
      %ne3A_294 = arith.cmpi ne, %rem3A_292, %ne3A_293 : i32
      %and3A_295 = arith.andi %ne3A_291, %ne3A_294 : i1
      %sub3A_296 = arith.constant 1 : i32
      %sub3A_297 = arith.subi %div3A_276, %sub3A_296 : i32
      %select_n3A_298 = arith.select %and3A_295, %sub3A_297, %div3A_276 : i32
      %gt3A_299 = arith.constant 0 : i32
      %gt3A_300 = arith.cmpi sgt, %select_n3A_272, %gt3A_299 : i32
      %convert_element_type3A_301 = arith.extui %gt3A_300 : i1 to i32
      %cond3A_302 = arith.constant 0 : i32
      %cond3A_303 = arith.cmpi ne, %convert_element_type3A_301, %cond3A_302 : i32
      scf.if %cond3A_303 {
        %add3A_530 = arith.constant 0 : i32
        %add3A_531 = arith.addi %mul3A_243, %add3A_530 : i32
        %min3A_532 = arith.constant 25163776 : i32
        %min3A_533 = arith.minsi %add3A_531, %min3A_532 : i32
        %dma_start3A_534 = tpu.memref_slice %arg2[%min3A_533] : memref<25165824xi32, #tpu.memory_space<hbm>> -> memref<2048xi32, #tpu.memory_space<hbm>>
        %dma_start3A_535 = tpu.memref_slice %arg2[%min3A_533] : memref<25165824xi32, #tpu.memory_space<hbm>> -> memref<2048xi32, #tpu.memory_space<hbm>>
        tpu.enqueue_dma source(%dma_start3A_535 : memref<2048xi32, #tpu.memory_space<hbm>>) target(%arg7 : memref<2048xi32, #tpu.memory_space<vmem>>) target_semaphore(%arg14 : memref<!tpu.dma_semaphore, #tpu.memory_space<semaphore_mem>>)
        %add3A_536 = arith.constant 0 : i32
        %add3A_537 = arith.addi %mul3A_243, %add3A_536 : i32
        %min3A_538 = arith.constant 25163776 : i32
        %min3A_539 = arith.minsi %add3A_537, %min3A_538 : i32
        %dma_start3A_540 = tpu.memref_slice %arg3[%min3A_539] : memref<25165824xf32, #tpu.memory_space<hbm>> -> memref<2048xf32, #tpu.memory_space<hbm>>
        %dma_start3A_541 = tpu.memref_slice %arg3[%min3A_539] : memref<25165824xf32, #tpu.memory_space<hbm>> -> memref<2048xf32, #tpu.memory_space<hbm>>
        tpu.enqueue_dma source(%dma_start3A_541 : memref<2048xf32, #tpu.memory_space<hbm>>) target(%arg9 : memref<2048xf32, #tpu.memory_space<vmem>>) target_semaphore(%arg14 : memref<!tpu.dma_semaphore, #tpu.memory_space<semaphore_mem>>)
      } else {
      }
      %while3A = arith.constant 0 : i32
      %while3A_304 = arith.constant 0 : i32
      %while3A_305 = arith.subi %select_n3A_298, %while3A : i32
      %while3A_306 = arith.addi %while3A, %while3A_305 : i32
      %while3A_307 = arith.constant 1 : i32
      %while3A_308 = arith.divsi %while3A_305, %while3A_307 : i32
      %while3A_309 = arith.muli %while3A_308, %while3A_307 : i32
      %while3A_310 = arith.addi %while3A, %while3A_309 : i32
      %while3A_311 = arith.constant 1 : i32
      %while3A_312 = scf.for %while3A_530 = %while3A to %while3A_310 step %while3A_311 iter_args(%while3A_531 = %while3A_304) -> (i32)  : i32 {
        %mul3A_532 = arith.constant 2 : i32
        %mul3A_533 = arith.muli %mul3A_532, %while3A_530 : i32
        %add3A_534 = arith.constant 1 : i32
        %add3A_535 = arith.addi %mul3A_533, %add3A_534 : i32
        %lt3A = arith.cmpi slt, %add3A_535, %select_n3A_272 : i32
        %convert_element_type3A_536 = arith.extui %lt3A : i1 to i32
        %cond3A_537 = arith.constant 0 : i32
        %cond3A_538 = arith.cmpi ne, %convert_element_type3A_536, %cond3A_537 : i32
        scf.if %cond3A_538 {
          %mul3A_567 = arith.constant 2048 : i32
          %mul3A_568 = arith.muli %add3A_535, %mul3A_567 : i32
          %add3A_569 = arith.addi %mul3A_243, %mul3A_568 : i32
          %min3A_570 = arith.constant 25163776 : i32
          %min3A_571 = arith.minsi %add3A_569, %min3A_570 : i32
          %dma_start3A_572 = tpu.memref_slice %arg2[%min3A_571] : memref<25165824xi32, #tpu.memory_space<hbm>> -> memref<2048xi32, #tpu.memory_space<hbm>>
          %dma_start3A_573 = tpu.memref_slice %arg2[%min3A_571] : memref<25165824xi32, #tpu.memory_space<hbm>> -> memref<2048xi32, #tpu.memory_space<hbm>>
          tpu.enqueue_dma source(%dma_start3A_573 : memref<2048xi32, #tpu.memory_space<hbm>>) target(%arg8 : memref<2048xi32, #tpu.memory_space<vmem>>) target_semaphore(%arg15 : memref<!tpu.dma_semaphore, #tpu.memory_space<semaphore_mem>>)
          %mul3A_574 = arith.constant 2048 : i32
          %mul3A_575 = arith.muli %add3A_535, %mul3A_574 : i32
          %add3A_576 = arith.addi %mul3A_243, %mul3A_575 : i32
          %min3A_577 = arith.constant 25163776 : i32
          %min3A_578 = arith.minsi %add3A_576, %min3A_577 : i32
          %dma_start3A_579 = tpu.memref_slice %arg3[%min3A_578] : memref<25165824xf32, #tpu.memory_space<hbm>> -> memref<2048xf32, #tpu.memory_space<hbm>>
          %dma_start3A_580 = tpu.memref_slice %arg3[%min3A_578] : memref<25165824xf32, #tpu.memory_space<hbm>> -> memref<2048xf32, #tpu.memory_space<hbm>>
          tpu.enqueue_dma source(%dma_start3A_580 : memref<2048xf32, #tpu.memory_space<hbm>>) target(%arg10 : memref<2048xf32, #tpu.memory_space<vmem>>) target_semaphore(%arg15 : memref<!tpu.dma_semaphore, #tpu.memory_space<semaphore_mem>>)
        } else {
        }
        %dma_wait3A_539 = arith.constant 0 : i32
        %dma_wait3A_540 = tpu.memref_slice %arg2[%dma_wait3A_539] : memref<25165824xi32, #tpu.memory_space<hbm>> -> memref<2048xi32, #tpu.memory_space<hbm>>
        %dma_wait3A_541 = arith.constant 0 : i32
        %dma_wait3A_542 = tpu.memref_slice %arg2[%dma_wait3A_541] : memref<25165824xi32, #tpu.memory_space<hbm>> -> memref<2048xi32, #tpu.memory_space<hbm>>
        tpu.wait_dma2 semaphore(%arg14 : memref<!tpu.dma_semaphore, #tpu.memory_space<semaphore_mem>>) src(%dma_wait3A_542 : memref<2048xi32, #tpu.memory_space<hbm>>) dst(%arg7 : memref<2048xi32, #tpu.memory_space<vmem>>)
        %dma_wait3A_543 = arith.constant 0 : i32
        %dma_wait3A_544 = tpu.memref_slice %arg3[%dma_wait3A_543] : memref<25165824xf32, #tpu.memory_space<hbm>> -> memref<2048xf32, #tpu.memory_space<hbm>>
        %dma_wait3A_545 = arith.constant 0 : i32
        %dma_wait3A_546 = tpu.memref_slice %arg3[%dma_wait3A_545] : memref<25165824xf32, #tpu.memory_space<hbm>> -> memref<2048xf32, #tpu.memory_space<hbm>>
        tpu.wait_dma2 semaphore(%arg14 : memref<!tpu.dma_semaphore, #tpu.memory_space<semaphore_mem>>) src(%dma_wait3A_546 : memref<2048xf32, #tpu.memory_space<hbm>>) dst(%arg9 : memref<2048xf32, #tpu.memory_space<vmem>>)
        %scan3A_547 = arith.constant 0 : i32
        %scan3A_548 = arith.constant 0 : i32
        %scan3A_549 = arith.constant 16 : i32
        %scan3A_550 = arith.addi %scan3A_548, %scan3A_549 : i32
        %scan3A_551 = arith.constant 1 : i32
        %scan3A_552 = scf.for %scan3A_567 = %scan3A_548 to %scan3A_550 step %scan3A_551 iter_args(%scan3A_568 = %scan3A_547) -> (i32)  : i32 {
          %mul3A_569 = arith.constant 128 : i32
          %mul3A_570 = arith.muli %scan3A_567, %mul3A_569 : i32
          %add3A_571 = arith.constant 0 : i32
          %add3A_572 = arith.addi %mul3A_570, %add3A_571 : i32
          %get3A_573 = arith.index_cast %add3A_572 : i32 to index
          %get3A_574 = tpu.vector_load %arg7[%get3A_573] {strides = array<i32>} : memref<2048xi32, #tpu.memory_space<vmem>>, vector<16xi32>,
          %mul3A_575 = arith.constant 128 : i32
          %mul3A_576 = arith.muli %scan3A_567, %mul3A_575 : i32
          %add3A_577 = arith.constant 0 : i32
          %add3A_578 = arith.addi %mul3A_576, %add3A_577 : i32
          %get3A_579 = arith.index_cast %add3A_578 : i32 to index
          %get3A_580 = tpu.vector_load %arg9[%get3A_579] {strides = array<i32>} : memref<2048xf32, #tpu.memory_space<vmem>>, vector<16xf32>,
          %sub3A_581 = vector.broadcast %mul3A_128 : i32 to vector<16xi32>
          %sub3A_582 = arith.subi %get3A_574, %sub3A_581 : vector<16xi32>
          %lt3A_583 = arith.constant 32768 : i32
          %lt3A_584 = vector.broadcast %lt3A_583 : i32 to vector<16xi32>
          %lt3A_585 = arith.cmpi ult, %sub3A_582, %lt3A_584 : vector<16xi32>
          tpu.vector_store_idx %arg5[%sub3A_582], %get3A_580 masked %lt3A_585 : memref<32768xf32, #tpu.memory_space<vmem>>[vector<16xi32>], vector<16xf32>, vector<16xi1>
          %mul3A_586 = arith.constant 128 : i32
          %mul3A_587 = arith.muli %scan3A_567, %mul3A_586 : i32
          %add3A_588 = arith.constant 16 : i32
          %add3A_589 = arith.addi %mul3A_587, %add3A_588 : i32
          %get3A_590 = arith.index_cast %add3A_589 : i32 to index
          %get3A_591 = tpu.vector_load %arg7[%get3A_590] {strides = array<i32>} : memref<2048xi32, #tpu.memory_space<vmem>>, vector<16xi32>,
          %mul3A_592 = arith.constant 128 : i32
          %mul3A_593 = arith.muli %scan3A_567, %mul3A_592 : i32
          %add3A_594 = arith.constant 16 : i32
          %add3A_595 = arith.addi %mul3A_593, %add3A_594 : i32
          %get3A_596 = arith.index_cast %add3A_595 : i32 to index
          %get3A_597 = tpu.vector_load %arg9[%get3A_596] {strides = array<i32>} : memref<2048xf32, #tpu.memory_space<vmem>>, vector<16xf32>,
          %sub3A_598 = vector.broadcast %mul3A_128 : i32 to vector<16xi32>
          %sub3A_599 = arith.subi %get3A_591, %sub3A_598 : vector<16xi32>
          %lt3A_600 = arith.constant 32768 : i32
          %lt3A_601 = vector.broadcast %lt3A_600 : i32 to vector<16xi32>
          %lt3A_602 = arith.cmpi ult, %sub3A_599, %lt3A_601 : vector<16xi32>
          tpu.vector_store_idx %arg5[%sub3A_599], %get3A_597 masked %lt3A_602 : memref<32768xf32, #tpu.memory_space<vmem>>[vector<16xi32>], vector<16xf32>, vector<16xi1>
          %mul3A_603 = arith.constant 128 : i32
          %mul3A_604 = arith.muli %scan3A_567, %mul3A_603 : i32
          %add3A_605 = arith.constant 32 : i32
          %add3A_606 = arith.addi %mul3A_604, %add3A_605 : i32
          %get3A_607 = arith.index_cast %add3A_606 : i32 to index
          %get3A_608 = tpu.vector_load %arg7[%get3A_607] {strides = array<i32>} : memref<2048xi32, #tpu.memory_space<vmem>>, vector<16xi32>,
          %mul3A_609 = arith.constant 128 : i32
          %mul3A_610 = arith.muli %scan3A_567, %mul3A_609 : i32
          %add3A_611 = arith.constant 32 : i32
          %add3A_612 = arith.addi %mul3A_610, %add3A_611 : i32
          %get3A_613 = arith.index_cast %add3A_612 : i32 to index
          %get3A_614 = tpu.vector_load %arg9[%get3A_613] {strides = array<i32>} : memref<2048xf32, #tpu.memory_space<vmem>>, vector<16xf32>,
          %sub3A_615 = vector.broadcast %mul3A_128 : i32 to vector<16xi32>
          %sub3A_616 = arith.subi %get3A_608, %sub3A_615 : vector<16xi32>
          %lt3A_617 = arith.constant 32768 : i32
          %lt3A_618 = vector.broadcast %lt3A_617 : i32 to vector<16xi32>
          %lt3A_619 = arith.cmpi ult, %sub3A_616, %lt3A_618 : vector<16xi32>
          tpu.vector_store_idx %arg5[%sub3A_616], %get3A_614 masked %lt3A_619 : memref<32768xf32, #tpu.memory_space<vmem>>[vector<16xi32>], vector<16xf32>, vector<16xi1>
          %mul3A_620 = arith.constant 128 : i32
          %mul3A_621 = arith.muli %scan3A_567, %mul3A_620 : i32
          %add3A_622 = arith.constant 48 : i32
          %add3A_623 = arith.addi %mul3A_621, %add3A_622 : i32
          %get3A_624 = arith.index_cast %add3A_623 : i32 to index
          %get3A_625 = tpu.vector_load %arg7[%get3A_624] {strides = array<i32>} : memref<2048xi32, #tpu.memory_space<vmem>>, vector<16xi32>,
          %mul3A_626 = arith.constant 128 : i32
          %mul3A_627 = arith.muli %scan3A_567, %mul3A_626 : i32
          %add3A_628 = arith.constant 48 : i32
          %add3A_629 = arith.addi %mul3A_627, %add3A_628 : i32
          %get3A_630 = arith.index_cast %add3A_629 : i32 to index
          %get3A_631 = tpu.vector_load %arg9[%get3A_630] {strides = array<i32>} : memref<2048xf32, #tpu.memory_space<vmem>>, vector<16xf32>,
          %sub3A_632 = vector.broadcast %mul3A_128 : i32 to vector<16xi32>
          %sub3A_633 = arith.subi %get3A_625, %sub3A_632 : vector<16xi32>
          %lt3A_634 = arith.constant 32768 : i32
          %lt3A_635 = vector.broadcast %lt3A_634 : i32 to vector<16xi32>
          %lt3A_636 = arith.cmpi ult, %sub3A_633, %lt3A_635 : vector<16xi32>
          tpu.vector_store_idx %arg5[%sub3A_633], %get3A_631 masked %lt3A_636 : memref<32768xf32, #tpu.memory_space<vmem>>[vector<16xi32>], vector<16xf32>, vector<16xi1>
          %mul3A_637 = arith.constant 128 : i32
          %mul3A_638 = arith.muli %scan3A_567, %mul3A_637 : i32
          %add3A_639 = arith.constant 64 : i32
          %add3A_640 = arith.addi %mul3A_638, %add3A_639 : i32
          %get3A_641 = arith.index_cast %add3A_640 : i32 to index
          %get3A_642 = tpu.vector_load %arg7[%get3A_641] {strides = array<i32>} : memref<2048xi32, #tpu.memory_space<vmem>>, vector<16xi32>,
          %mul3A_643 = arith.constant 128 : i32
          %mul3A_644 = arith.muli %scan3A_567, %mul3A_643 : i32
          %add3A_645 = arith.constant 64 : i32
          %add3A_646 = arith.addi %mul3A_644, %add3A_645 : i32
          %get3A_647 = arith.index_cast %add3A_646 : i32 to index
          %get3A_648 = tpu.vector_load %arg9[%get3A_647] {strides = array<i32>} : memref<2048xf32, #tpu.memory_space<vmem>>, vector<16xf32>,
          %sub3A_649 = vector.broadcast %mul3A_128 : i32 to vector<16xi32>
          %sub3A_650 = arith.subi %get3A_642, %sub3A_649 : vector<16xi32>
          %lt3A_651 = arith.constant 32768 : i32
          %lt3A_652 = vector.broadcast %lt3A_651 : i32 to vector<16xi32>
          %lt3A_653 = arith.cmpi ult, %sub3A_650, %lt3A_652 : vector<16xi32>
          tpu.vector_store_idx %arg5[%sub3A_650], %get3A_648 masked %lt3A_653 : memref<32768xf32, #tpu.memory_space<vmem>>[vector<16xi32>], vector<16xf32>, vector<16xi1>
          %mul3A_654 = arith.constant 128 : i32
          %mul3A_655 = arith.muli %scan3A_567, %mul3A_654 : i32
          %add3A_656 = arith.constant 80 : i32
          %add3A_657 = arith.addi %mul3A_655, %add3A_656 : i32
          %get3A_658 = arith.index_cast %add3A_657 : i32 to index
          %get3A_659 = tpu.vector_load %arg7[%get3A_658] {strides = array<i32>} : memref<2048xi32, #tpu.memory_space<vmem>>, vector<16xi32>,
          %mul3A_660 = arith.constant 128 : i32
          %mul3A_661 = arith.muli %scan3A_567, %mul3A_660 : i32
          %add3A_662 = arith.constant 80 : i32
          %add3A_663 = arith.addi %mul3A_661, %add3A_662 : i32
          %get3A_664 = arith.index_cast %add3A_663 : i32 to index
          %get3A_665 = tpu.vector_load %arg9[%get3A_664] {strides = array<i32>} : memref<2048xf32, #tpu.memory_space<vmem>>, vector<16xf32>,
          %sub3A_666 = vector.broadcast %mul3A_128 : i32 to vector<16xi32>
          %sub3A_667 = arith.subi %get3A_659, %sub3A_666 : vector<16xi32>
          %lt3A_668 = arith.constant 32768 : i32
          %lt3A_669 = vector.broadcast %lt3A_668 : i32 to vector<16xi32>
          %lt3A_670 = arith.cmpi ult, %sub3A_667, %lt3A_669 : vector<16xi32>
          tpu.vector_store_idx %arg5[%sub3A_667], %get3A_665 masked %lt3A_670 : memref<32768xf32, #tpu.memory_space<vmem>>[vector<16xi32>], vector<16xf32>, vector<16xi1>
          %mul3A_671 = arith.constant 128 : i32
          %mul3A_672 = arith.muli %scan3A_567, %mul3A_671 : i32
          %add3A_673 = arith.constant 96 : i32
          %add3A_674 = arith.addi %mul3A_672, %add3A_673 : i32
          %get3A_675 = arith.index_cast %add3A_674 : i32 to index
          %get3A_676 = tpu.vector_load %arg7[%get3A_675] {strides = array<i32>} : memref<2048xi32, #tpu.memory_space<vmem>>, vector<16xi32>,
          %mul3A_677 = arith.constant 128 : i32
          %mul3A_678 = arith.muli %scan3A_567, %mul3A_677 : i32
          %add3A_679 = arith.constant 96 : i32
          %add3A_680 = arith.addi %mul3A_678, %add3A_679 : i32
          %get3A_681 = arith.index_cast %add3A_680 : i32 to index
          %get3A_682 = tpu.vector_load %arg9[%get3A_681] {strides = array<i32>} : memref<2048xf32, #tpu.memory_space<vmem>>, vector<16xf32>,
          %sub3A_683 = vector.broadcast %mul3A_128 : i32 to vector<16xi32>
          %sub3A_684 = arith.subi %get3A_676, %sub3A_683 : vector<16xi32>
          %lt3A_685 = arith.constant 32768 : i32
          %lt3A_686 = vector.broadcast %lt3A_685 : i32 to vector<16xi32>
          %lt3A_687 = arith.cmpi ult, %sub3A_684, %lt3A_686 : vector<16xi32>
          tpu.vector_store_idx %arg5[%sub3A_684], %get3A_682 masked %lt3A_687 : memref<32768xf32, #tpu.memory_space<vmem>>[vector<16xi32>], vector<16xf32>, vector<16xi1>
          %mul3A_688 = arith.constant 128 : i32
          %mul3A_689 = arith.muli %scan3A_567, %mul3A_688 : i32
          %add3A_690 = arith.constant 112 : i32
          %add3A_691 = arith.addi %mul3A_689, %add3A_690 : i32
          %get3A_692 = arith.index_cast %add3A_691 : i32 to index
          %get3A_693 = tpu.vector_load %arg7[%get3A_692] {strides = array<i32>} : memref<2048xi32, #tpu.memory_space<vmem>>, vector<16xi32>,
          %mul3A_694 = arith.constant 128 : i32
          %mul3A_695 = arith.muli %scan3A_567, %mul3A_694 : i32
          %add3A_696 = arith.constant 112 : i32
          %add3A_697 = arith.addi %mul3A_695, %add3A_696 : i32
          %get3A_698 = arith.index_cast %add3A_697 : i32 to index
          %get3A_699 = tpu.vector_load %arg9[%get3A_698] {strides = array<i32>} : memref<2048xf32, #tpu.memory_space<vmem>>, vector<16xf32>,
          %sub3A_700 = vector.broadcast %mul3A_128 : i32 to vector<16xi32>
          %sub3A_701 = arith.subi %get3A_693, %sub3A_700 : vector<16xi32>
          %lt3A_702 = arith.constant 32768 : i32
          %lt3A_703 = vector.broadcast %lt3A_702 : i32 to vector<16xi32>
          %lt3A_704 = arith.cmpi ult, %sub3A_701, %lt3A_703 : vector<16xi32>
          tpu.vector_store_idx %arg5[%sub3A_701], %get3A_699 masked %lt3A_704 : memref<32768xf32, #tpu.memory_space<vmem>>[vector<16xi32>], vector<16xf32>, vector<16xi1>
          %scan3A_705 = arith.constant 0 : i32
          scf.yield %scan3A_705 : i32
        }
        %scan3A_553 = arith.constant 16 : i32
        %mul3A_554 = arith.constant 2 : i32
        %mul3A_555 = arith.muli %mul3A_554, %while3A_530 : i32
        %add3A_556 = arith.constant 2 : i32
        %add3A_557 = arith.addi %mul3A_555, %add3A_556 : i32
        %lt3A_558 = arith.cmpi slt, %add3A_557, %select_n3A_272 : i32
        %convert_element_type3A_559 = arith.extui %lt3A_558 : i1 to i32
        %cond3A_560 = arith.constant 0 : i32
        %cond3A_561 = arith.cmpi ne, %convert_element_type3A_559, %cond3A_560 : i32
        scf.if %cond3A_561 {
          %mul3A_567 = arith.constant 2 : i32
          %mul3A_568 = arith.muli %mul3A_567, %while3A_530 : i32
          %add3A_569 = arith.constant 2 : i32
          %add3A_570 = arith.addi %mul3A_568, %add3A_569 : i32
          %mul3A_571 = arith.constant 2048 : i32
          %mul3A_572 = arith.muli %add3A_570, %mul3A_571 : i32
          %add3A_573 = arith.addi %mul3A_243, %mul3A_572 : i32
          %min3A_574 = arith.constant 25163776 : i32
          %min3A_575 = arith.minsi %add3A_573, %min3A_574 : i32
          %dma_start3A_576 = tpu.memref_slice %arg2[%min3A_575] : memref<25165824xi32, #tpu.memory_space<hbm>> -> memref<2048xi32, #tpu.memory_space<hbm>>
          %dma_start3A_577 = tpu.memref_slice %arg2[%min3A_575] : memref<25165824xi32, #tpu.memory_space<hbm>> -> memref<2048xi32, #tpu.memory_space<hbm>>
          tpu.enqueue_dma source(%dma_start3A_577 : memref<2048xi32, #tpu.memory_space<hbm>>) target(%arg7 : memref<2048xi32, #tpu.memory_space<vmem>>) target_semaphore(%arg14 : memref<!tpu.dma_semaphore, #tpu.memory_space<semaphore_mem>>)
          %mul3A_578 = arith.constant 2048 : i32
          %mul3A_579 = arith.muli %add3A_570, %mul3A_578 : i32
          %add3A_580 = arith.addi %mul3A_243, %mul3A_579 : i32
          %min3A_581 = arith.constant 25163776 : i32
          %min3A_582 = arith.minsi %add3A_580, %min3A_581 : i32
          %dma_start3A_583 = tpu.memref_slice %arg3[%min3A_582] : memref<25165824xf32, #tpu.memory_space<hbm>> -> memref<2048xf32, #tpu.memory_space<hbm>>
          %dma_start3A_584 = tpu.memref_slice %arg3[%min3A_582] : memref<25165824xf32, #tpu.memory_space<hbm>> -> memref<2048xf32, #tpu.memory_space<hbm>>
          tpu.enqueue_dma source(%dma_start3A_584 : memref<2048xf32, #tpu.memory_space<hbm>>) target(%arg9 : memref<2048xf32, #tpu.memory_space<vmem>>) target_semaphore(%arg14 : memref<!tpu.dma_semaphore, #tpu.memory_space<semaphore_mem>>)
        } else {
        }
        %lt3A_562 = arith.cmpi slt, %add3A_535, %select_n3A_272 : i32
        %convert_element_type3A_563 = arith.extui %lt3A_562 : i1 to i32
        %cond3A_564 = arith.constant 0 : i32
        %cond3A_565 = arith.cmpi ne, %convert_element_type3A_563, %cond3A_564 : i32
        scf.if %cond3A_565 {
          %dma_wait3A_567 = arith.constant 0 : i32
          %dma_wait3A_568 = tpu.memref_slice %arg2[%dma_wait3A_567] : memref<25165824xi32, #tpu.memory_space<hbm>> -> memref<2048xi32, #tpu.memory_space<hbm>>
          %dma_wait3A_569 = arith.constant 0 : i32
          %dma_wait3A_570 = tpu.memref_slice %arg2[%dma_wait3A_569] : memref<25165824xi32, #tpu.memory_space<hbm>> -> memref<2048xi32, #tpu.memory_space<hbm>>
          tpu.wait_dma2 semaphore(%arg15 : memref<!tpu.dma_semaphore, #tpu.memory_space<semaphore_mem>>) src(%dma_wait3A_570 : memref<2048xi32, #tpu.memory_space<hbm>>) dst(%arg8 : memref<2048xi32, #tpu.memory_space<vmem>>)
          %dma_wait3A_571 = arith.constant 0 : i32
          %dma_wait3A_572 = tpu.memref_slice %arg3[%dma_wait3A_571] : memref<25165824xf32, #tpu.memory_space<hbm>> -> memref<2048xf32, #tpu.memory_space<hbm>>
          %dma_wait3A_573 = arith.constant 0 : i32
          %dma_wait3A_574 = tpu.memref_slice %arg3[%dma_wait3A_573] : memref<25165824xf32, #tpu.memory_space<hbm>> -> memref<2048xf32, #tpu.memory_space<hbm>>
          tpu.wait_dma2 semaphore(%arg15 : memref<!tpu.dma_semaphore, #tpu.memory_space<semaphore_mem>>) src(%dma_wait3A_574 : memref<2048xf32, #tpu.memory_space<hbm>>) dst(%arg10 : memref<2048xf32, #tpu.memory_space<vmem>>)
          %scan3A_575 = arith.constant 0 : i32
          %scan3A_576 = arith.constant 0 : i32
          %scan3A_577 = arith.constant 16 : i32
          %scan3A_578 = arith.addi %scan3A_576, %scan3A_577 : i32
          %scan3A_579 = arith.constant 1 : i32
          %scan3A_580 = scf.for %scan3A_582 = %scan3A_576 to %scan3A_578 step %scan3A_579 iter_args(%scan3A_583 = %scan3A_575) -> (i32)  : i32 {
            %mul3A_584 = arith.constant 128 : i32
            %mul3A_585 = arith.muli %scan3A_582, %mul3A_584 : i32
            %add3A_586 = arith.constant 0 : i32
            %add3A_587 = arith.addi %mul3A_585, %add3A_586 : i32
            %get3A_588 = arith.index_cast %add3A_587 : i32 to index
            %get3A_589 = tpu.vector_load %arg8[%get3A_588] {strides = array<i32>} : memref<2048xi32, #tpu.memory_space<vmem>>, vector<16xi32>,
            %mul3A_590 = arith.constant 128 : i32
            %mul3A_591 = arith.muli %scan3A_582, %mul3A_590 : i32
            %add3A_592 = arith.constant 0 : i32
            %add3A_593 = arith.addi %mul3A_591, %add3A_592 : i32
            %get3A_594 = arith.index_cast %add3A_593 : i32 to index
            %get3A_595 = tpu.vector_load %arg10[%get3A_594] {strides = array<i32>} : memref<2048xf32, #tpu.memory_space<vmem>>, vector<16xf32>,
            %sub3A_596 = vector.broadcast %mul3A_128 : i32 to vector<16xi32>
            %sub3A_597 = arith.subi %get3A_589, %sub3A_596 : vector<16xi32>
            %lt3A_598 = arith.constant 32768 : i32
            %lt3A_599 = vector.broadcast %lt3A_598 : i32 to vector<16xi32>
            %lt3A_600 = arith.cmpi ult, %sub3A_597, %lt3A_599 : vector<16xi32>
            tpu.vector_store_idx %arg5[%sub3A_597], %get3A_595 masked %lt3A_600 : memref<32768xf32, #tpu.memory_space<vmem>>[vector<16xi32>], vector<16xf32>, vector<16xi1>
            %mul3A_601 = arith.constant 128 : i32
            %mul3A_602 = arith.muli %scan3A_582, %mul3A_601 : i32
            %add3A_603 = arith.constant 16 : i32
            %add3A_604 = arith.addi %mul3A_602, %add3A_603 : i32
            %get3A_605 = arith.index_cast %add3A_604 : i32 to index
            %get3A_606 = tpu.vector_load %arg8[%get3A_605] {strides = array<i32>} : memref<2048xi32, #tpu.memory_space<vmem>>, vector<16xi32>,
            %mul3A_607 = arith.constant 128 : i32
            %mul3A_608 = arith.muli %scan3A_582, %mul3A_607 : i32
            %add3A_609 = arith.constant 16 : i32
            %add3A_610 = arith.addi %mul3A_608, %add3A_609 : i32
            %get3A_611 = arith.index_cast %add3A_610 : i32 to index
            %get3A_612 = tpu.vector_load %arg10[%get3A_611] {strides = array<i32>} : memref<2048xf32, #tpu.memory_space<vmem>>, vector<16xf32>,
            %sub3A_613 = vector.broadcast %mul3A_128 : i32 to vector<16xi32>
            %sub3A_614 = arith.subi %get3A_606, %sub3A_613 : vector<16xi32>
            %lt3A_615 = arith.constant 32768 : i32
            %lt3A_616 = vector.broadcast %lt3A_615 : i32 to vector<16xi32>
            %lt3A_617 = arith.cmpi ult, %sub3A_614, %lt3A_616 : vector<16xi32>
            tpu.vector_store_idx %arg5[%sub3A_614], %get3A_612 masked %lt3A_617 : memref<32768xf32, #tpu.memory_space<vmem>>[vector<16xi32>], vector<16xf32>, vector<16xi1>
            %mul3A_618 = arith.constant 128 : i32
            %mul3A_619 = arith.muli %scan3A_582, %mul3A_618 : i32
            %add3A_620 = arith.constant 32 : i32
            %add3A_621 = arith.addi %mul3A_619, %add3A_620 : i32
            %get3A_622 = arith.index_cast %add3A_621 : i32 to index
            %get3A_623 = tpu.vector_load %arg8[%get3A_622] {strides = array<i32>} : memref<2048xi32, #tpu.memory_space<vmem>>, vector<16xi32>,
            %mul3A_624 = arith.constant 128 : i32
            %mul3A_625 = arith.muli %scan3A_582, %mul3A_624 : i32
            %add3A_626 = arith.constant 32 : i32
            %add3A_627 = arith.addi %mul3A_625, %add3A_626 : i32
            %get3A_628 = arith.index_cast %add3A_627 : i32 to index
            %get3A_629 = tpu.vector_load %arg10[%get3A_628] {strides = array<i32>} : memref<2048xf32, #tpu.memory_space<vmem>>, vector<16xf32>,
            %sub3A_630 = vector.broadcast %mul3A_128 : i32 to vector<16xi32>
            %sub3A_631 = arith.subi %get3A_623, %sub3A_630 : vector<16xi32>
            %lt3A_632 = arith.constant 32768 : i32
            %lt3A_633 = vector.broadcast %lt3A_632 : i32 to vector<16xi32>
            %lt3A_634 = arith.cmpi ult, %sub3A_631, %lt3A_633 : vector<16xi32>
            tpu.vector_store_idx %arg5[%sub3A_631], %get3A_629 masked %lt3A_634 : memref<32768xf32, #tpu.memory_space<vmem>>[vector<16xi32>], vector<16xf32>, vector<16xi1>
            %mul3A_635 = arith.constant 128 : i32
            %mul3A_636 = arith.muli %scan3A_582, %mul3A_635 : i32
            %add3A_637 = arith.constant 48 : i32
            %add3A_638 = arith.addi %mul3A_636, %add3A_637 : i32
            %get3A_639 = arith.index_cast %add3A_638 : i32 to index
            %get3A_640 = tpu.vector_load %arg8[%get3A_639] {strides = array<i32>} : memref<2048xi32, #tpu.memory_space<vmem>>, vector<16xi32>,
            %mul3A_641 = arith.constant 128 : i32
            %mul3A_642 = arith.muli %scan3A_582, %mul3A_641 : i32
            %add3A_643 = arith.constant 48 : i32
            %add3A_644 = arith.addi %mul3A_642, %add3A_643 : i32
            %get3A_645 = arith.index_cast %add3A_644 : i32 to index
            %get3A_646 = tpu.vector_load %arg10[%get3A_645] {strides = array<i32>} : memref<2048xf32, #tpu.memory_space<vmem>>, vector<16xf32>,
            %sub3A_647 = vector.broadcast %mul3A_128 : i32 to vector<16xi32>
            %sub3A_648 = arith.subi %get3A_640, %sub3A_647 : vector<16xi32>
            %lt3A_649 = arith.constant 32768 : i32
            %lt3A_650 = vector.broadcast %lt3A_649 : i32 to vector<16xi32>
            %lt3A_651 = arith.cmpi ult, %sub3A_648, %lt3A_650 : vector<16xi32>
            tpu.vector_store_idx %arg5[%sub3A_648], %get3A_646 masked %lt3A_651 : memref<32768xf32, #tpu.memory_space<vmem>>[vector<16xi32>], vector<16xf32>, vector<16xi1>
            %mul3A_652 = arith.constant 128 : i32
            %mul3A_653 = arith.muli %scan3A_582, %mul3A_652 : i32
            %add3A_654 = arith.constant 64 : i32
            %add3A_655 = arith.addi %mul3A_653, %add3A_654 : i32
            %get3A_656 = arith.index_cast %add3A_655 : i32 to index
            %get3A_657 = tpu.vector_load %arg8[%get3A_656] {strides = array<i32>} : memref<2048xi32, #tpu.memory_space<vmem>>, vector<16xi32>,
            %mul3A_658 = arith.constant 128 : i32
            %mul3A_659 = arith.muli %scan3A_582, %mul3A_658 : i32
            %add3A_660 = arith.constant 64 : i32
            %add3A_661 = arith.addi %mul3A_659, %add3A_660 : i32
            %get3A_662 = arith.index_cast %add3A_661 : i32 to index
            %get3A_663 = tpu.vector_load %arg10[%get3A_662] {strides = array<i32>} : memref<2048xf32, #tpu.memory_space<vmem>>, vector<16xf32>,
            %sub3A_664 = vector.broadcast %mul3A_128 : i32 to vector<16xi32>
            %sub3A_665 = arith.subi %get3A_657, %sub3A_664 : vector<16xi32>
            %lt3A_666 = arith.constant 32768 : i32
            %lt3A_667 = vector.broadcast %lt3A_666 : i32 to vector<16xi32>
            %lt3A_668 = arith.cmpi ult, %sub3A_665, %lt3A_667 : vector<16xi32>
            tpu.vector_store_idx %arg5[%sub3A_665], %get3A_663 masked %lt3A_668 : memref<32768xf32, #tpu.memory_space<vmem>>[vector<16xi32>], vector<16xf32>, vector<16xi1>
            %mul3A_669 = arith.constant 128 : i32
            %mul3A_670 = arith.muli %scan3A_582, %mul3A_669 : i32
            %add3A_671 = arith.constant 80 : i32
            %add3A_672 = arith.addi %mul3A_670, %add3A_671 : i32
            %get3A_673 = arith.index_cast %add3A_672 : i32 to index
            %get3A_674 = tpu.vector_load %arg8[%get3A_673] {strides = array<i32>} : memref<2048xi32, #tpu.memory_space<vmem>>, vector<16xi32>,
            %mul3A_675 = arith.constant 128 : i32
            %mul3A_676 = arith.muli %scan3A_582, %mul3A_675 : i32
            %add3A_677 = arith.constant 80 : i32
            %add3A_678 = arith.addi %mul3A_676, %add3A_677 : i32
            %get3A_679 = arith.index_cast %add3A_678 : i32 to index
            %get3A_680 = tpu.vector_load %arg10[%get3A_679] {strides = array<i32>} : memref<2048xf32, #tpu.memory_space<vmem>>, vector<16xf32>,
            %sub3A_681 = vector.broadcast %mul3A_128 : i32 to vector<16xi32>
            %sub3A_682 = arith.subi %get3A_674, %sub3A_681 : vector<16xi32>
            %lt3A_683 = arith.constant 32768 : i32
            %lt3A_684 = vector.broadcast %lt3A_683 : i32 to vector<16xi32>
            %lt3A_685 = arith.cmpi ult, %sub3A_682, %lt3A_684 : vector<16xi32>
            tpu.vector_store_idx %arg5[%sub3A_682], %get3A_680 masked %lt3A_685 : memref<32768xf32, #tpu.memory_space<vmem>>[vector<16xi32>], vector<16xf32>, vector<16xi1>
            %mul3A_686 = arith.constant 128 : i32
            %mul3A_687 = arith.muli %scan3A_582, %mul3A_686 : i32
            %add3A_688 = arith.constant 96 : i32
            %add3A_689 = arith.addi %mul3A_687, %add3A_688 : i32
            %get3A_690 = arith.index_cast %add3A_689 : i32 to index
            %get3A_691 = tpu.vector_load %arg8[%get3A_690] {strides = array<i32>} : memref<2048xi32, #tpu.memory_space<vmem>>, vector<16xi32>,
            %mul3A_692 = arith.constant 128 : i32
            %mul3A_693 = arith.muli %scan3A_582, %mul3A_692 : i32
            %add3A_694 = arith.constant 96 : i32
            %add3A_695 = arith.addi %mul3A_693, %add3A_694 : i32
            %get3A_696 = arith.index_cast %add3A_695 : i32 to index
            %get3A_697 = tpu.vector_load %arg10[%get3A_696] {strides = array<i32>} : memref<2048xf32, #tpu.memory_space<vmem>>, vector<16xf32>,
            %sub3A_698 = vector.broadcast %mul3A_128 : i32 to vector<16xi32>
            %sub3A_699 = arith.subi %get3A_691, %sub3A_698 : vector<16xi32>
            %lt3A_700 = arith.constant 32768 : i32
            %lt3A_701 = vector.broadcast %lt3A_700 : i32 to vector<16xi32>
            %lt3A_702 = arith.cmpi ult, %sub3A_699, %lt3A_701 : vector<16xi32>
            tpu.vector_store_idx %arg5[%sub3A_699], %get3A_697 masked %lt3A_702 : memref<32768xf32, #tpu.memory_space<vmem>>[vector<16xi32>], vector<16xf32>, vector<16xi1>
            %mul3A_703 = arith.constant 128 : i32
            %mul3A_704 = arith.muli %scan3A_582, %mul3A_703 : i32
            %add3A_705 = arith.constant 112 : i32
            %add3A_706 = arith.addi %mul3A_704, %add3A_705 : i32
            %get3A_707 = arith.index_cast %add3A_706 : i32 to index
            %get3A_708 = tpu.vector_load %arg8[%get3A_707] {strides = array<i32>} : memref<2048xi32, #tpu.memory_space<vmem>>, vector<16xi32>,
            %mul3A_709 = arith.constant 128 : i32
            %mul3A_710 = arith.muli %scan3A_582, %mul3A_709 : i32
            %add3A_711 = arith.constant 112 : i32
            %add3A_712 = arith.addi %mul3A_710, %add3A_711 : i32
            %get3A_713 = arith.index_cast %add3A_712 : i32 to index
            %get3A_714 = tpu.vector_load %arg10[%get3A_713] {strides = array<i32>} : memref<2048xf32, #tpu.memory_space<vmem>>, vector<16xf32>,
            %sub3A_715 = vector.broadcast %mul3A_128 : i32 to vector<16xi32>
            %sub3A_716 = arith.subi %get3A_708, %sub3A_715 : vector<16xi32>
            %lt3A_717 = arith.constant 32768 : i32
            %lt3A_718 = vector.broadcast %lt3A_717 : i32 to vector<16xi32>
            %lt3A_719 = arith.cmpi ult, %sub3A_716, %lt3A_718 : vector<16xi32>
            tpu.vector_store_idx %arg5[%sub3A_716], %get3A_714 masked %lt3A_719 : memref<32768xf32, #tpu.memory_space<vmem>>[vector<16xi32>], vector<16xf32>, vector<16xi1>
            %scan3A_720 = arith.constant 0 : i32
            scf.yield %scan3A_720 : i32
          }
          %scan3A_581 = arith.constant 16 : i32
        } else {
        }
        %while3A_566 = arith.constant 0 : i32
        scf.yield %while3A_566 : i32
      }
      %while3A_313 = arith.constant 1 : i32
      %while3A_314 = scf.for %while3A_530 = %while3A_310 to %while3A_306 step %while3A_313 iter_args(%while3A_531 = %while3A_312) -> (i32)  : i32 {
        %mul3A_532 = arith.constant 2 : i32
        %mul3A_533 = arith.muli %mul3A_532, %while3A_530 : i32
        %add3A_534 = arith.constant 1 : i32
        %add3A_535 = arith.addi %mul3A_533, %add3A_534 : i32
        %lt3A = arith.cmpi slt, %add3A_535, %select_n3A_272 : i32
        %convert_element_type3A_536 = arith.extui %lt3A : i1 to i32
        %cond3A_537 = arith.constant 0 : i32
        %cond3A_538 = arith.cmpi ne, %convert_element_type3A_536, %cond3A_537 : i32
        scf.if %cond3A_538 {
          %mul3A_567 = arith.constant 2048 : i32
          %mul3A_568 = arith.muli %add3A_535, %mul3A_567 : i32
          %add3A_569 = arith.addi %mul3A_243, %mul3A_568 : i32
          %min3A_570 = arith.constant 25163776 : i32
          %min3A_571 = arith.minsi %add3A_569, %min3A_570 : i32
          %dma_start3A_572 = tpu.memref_slice %arg2[%min3A_571] : memref<25165824xi32, #tpu.memory_space<hbm>> -> memref<2048xi32, #tpu.memory_space<hbm>>
          %dma_start3A_573 = tpu.memref_slice %arg2[%min3A_571] : memref<25165824xi32, #tpu.memory_space<hbm>> -> memref<2048xi32, #tpu.memory_space<hbm>>
          tpu.enqueue_dma source(%dma_start3A_573 : memref<2048xi32, #tpu.memory_space<hbm>>) target(%arg8 : memref<2048xi32, #tpu.memory_space<vmem>>) target_semaphore(%arg15 : memref<!tpu.dma_semaphore, #tpu.memory_space<semaphore_mem>>)
          %mul3A_574 = arith.constant 2048 : i32
          %mul3A_575 = arith.muli %add3A_535, %mul3A_574 : i32
          %add3A_576 = arith.addi %mul3A_243, %mul3A_575 : i32
          %min3A_577 = arith.constant 25163776 : i32
          %min3A_578 = arith.minsi %add3A_576, %min3A_577 : i32
          %dma_start3A_579 = tpu.memref_slice %arg3[%min3A_578] : memref<25165824xf32, #tpu.memory_space<hbm>> -> memref<2048xf32, #tpu.memory_space<hbm>>
          %dma_start3A_580 = tpu.memref_slice %arg3[%min3A_578] : memref<25165824xf32, #tpu.memory_space<hbm>> -> memref<2048xf32, #tpu.memory_space<hbm>>
          tpu.enqueue_dma source(%dma_start3A_580 : memref<2048xf32, #tpu.memory_space<hbm>>) target(%arg10 : memref<2048xf32, #tpu.memory_space<vmem>>) target_semaphore(%arg15 : memref<!tpu.dma_semaphore, #tpu.memory_space<semaphore_mem>>)
        } else {
        }
        %dma_wait3A_539 = arith.constant 0 : i32
        %dma_wait3A_540 = tpu.memref_slice %arg2[%dma_wait3A_539] : memref<25165824xi32, #tpu.memory_space<hbm>> -> memref<2048xi32, #tpu.memory_space<hbm>>
        %dma_wait3A_541 = arith.constant 0 : i32
        %dma_wait3A_542 = tpu.memref_slice %arg2[%dma_wait3A_541] : memref<25165824xi32, #tpu.memory_space<hbm>> -> memref<2048xi32, #tpu.memory_space<hbm>>
        tpu.wait_dma2 semaphore(%arg14 : memref<!tpu.dma_semaphore, #tpu.memory_space<semaphore_mem>>) src(%dma_wait3A_542 : memref<2048xi32, #tpu.memory_space<hbm>>) dst(%arg7 : memref<2048xi32, #tpu.memory_space<vmem>>)
        %dma_wait3A_543 = arith.constant 0 : i32
        %dma_wait3A_544 = tpu.memref_slice %arg3[%dma_wait3A_543] : memref<25165824xf32, #tpu.memory_space<hbm>> -> memref<2048xf32, #tpu.memory_space<hbm>>
        %dma_wait3A_545 = arith.constant 0 : i32
        %dma_wait3A_546 = tpu.memref_slice %arg3[%dma_wait3A_545] : memref<25165824xf32, #tpu.memory_space<hbm>> -> memref<2048xf32, #tpu.memory_space<hbm>>
        tpu.wait_dma2 semaphore(%arg14 : memref<!tpu.dma_semaphore, #tpu.memory_space<semaphore_mem>>) src(%dma_wait3A_546 : memref<2048xf32, #tpu.memory_space<hbm>>) dst(%arg9 : memref<2048xf32, #tpu.memory_space<vmem>>)
        %scan3A_547 = arith.constant 0 : i32
        %scan3A_548 = arith.constant 0 : i32
        %scan3A_549 = arith.constant 16 : i32
        %scan3A_550 = arith.addi %scan3A_548, %scan3A_549 : i32
        %scan3A_551 = arith.constant 1 : i32
        %scan3A_552 = scf.for %scan3A_567 = %scan3A_548 to %scan3A_550 step %scan3A_551 iter_args(%scan3A_568 = %scan3A_547) -> (i32)  : i32 {
          %mul3A_569 = arith.constant 128 : i32
          %mul3A_570 = arith.muli %scan3A_567, %mul3A_569 : i32
          %add3A_571 = arith.constant 0 : i32
          %add3A_572 = arith.addi %mul3A_570, %add3A_571 : i32
          %get3A_573 = arith.index_cast %add3A_572 : i32 to index
          %get3A_574 = tpu.vector_load %arg7[%get3A_573] {strides = array<i32>} : memref<2048xi32, #tpu.memory_space<vmem>>, vector<16xi32>,
          %mul3A_575 = arith.constant 128 : i32
          %mul3A_576 = arith.muli %scan3A_567, %mul3A_575 : i32
          %add3A_577 = arith.constant 0 : i32
          %add3A_578 = arith.addi %mul3A_576, %add3A_577 : i32
          %get3A_579 = arith.index_cast %add3A_578 : i32 to index
          %get3A_580 = tpu.vector_load %arg9[%get3A_579] {strides = array<i32>} : memref<2048xf32, #tpu.memory_space<vmem>>, vector<16xf32>,
          %sub3A_581 = vector.broadcast %mul3A_128 : i32 to vector<16xi32>
          %sub3A_582 = arith.subi %get3A_574, %sub3A_581 : vector<16xi32>
          %lt3A_583 = arith.constant 32768 : i32
          %lt3A_584 = vector.broadcast %lt3A_583 : i32 to vector<16xi32>
          %lt3A_585 = arith.cmpi ult, %sub3A_582, %lt3A_584 : vector<16xi32>
          tpu.vector_store_idx %arg5[%sub3A_582], %get3A_580 masked %lt3A_585 : memref<32768xf32, #tpu.memory_space<vmem>>[vector<16xi32>], vector<16xf32>, vector<16xi1>
          %mul3A_586 = arith.constant 128 : i32
          %mul3A_587 = arith.muli %scan3A_567, %mul3A_586 : i32
          %add3A_588 = arith.constant 16 : i32
          %add3A_589 = arith.addi %mul3A_587, %add3A_588 : i32
          %get3A_590 = arith.index_cast %add3A_589 : i32 to index
          %get3A_591 = tpu.vector_load %arg7[%get3A_590] {strides = array<i32>} : memref<2048xi32, #tpu.memory_space<vmem>>, vector<16xi32>,
          %mul3A_592 = arith.constant 128 : i32
          %mul3A_593 = arith.muli %scan3A_567, %mul3A_592 : i32
          %add3A_594 = arith.constant 16 : i32
          %add3A_595 = arith.addi %mul3A_593, %add3A_594 : i32
          %get3A_596 = arith.index_cast %add3A_595 : i32 to index
          %get3A_597 = tpu.vector_load %arg9[%get3A_596] {strides = array<i32>} : memref<2048xf32, #tpu.memory_space<vmem>>, vector<16xf32>,
          %sub3A_598 = vector.broadcast %mul3A_128 : i32 to vector<16xi32>
          %sub3A_599 = arith.subi %get3A_591, %sub3A_598 : vector<16xi32>
          %lt3A_600 = arith.constant 32768 : i32
          %lt3A_601 = vector.broadcast %lt3A_600 : i32 to vector<16xi32>
          %lt3A_602 = arith.cmpi ult, %sub3A_599, %lt3A_601 : vector<16xi32>
          tpu.vector_store_idx %arg5[%sub3A_599], %get3A_597 masked %lt3A_602 : memref<32768xf32, #tpu.memory_space<vmem>>[vector<16xi32>], vector<16xf32>, vector<16xi1>
          %mul3A_603 = arith.constant 128 : i32
          %mul3A_604 = arith.muli %scan3A_567, %mul3A_603 : i32
          %add3A_605 = arith.constant 32 : i32
          %add3A_606 = arith.addi %mul3A_604, %add3A_605 : i32
          %get3A_607 = arith.index_cast %add3A_606 : i32 to index
          %get3A_608 = tpu.vector_load %arg7[%get3A_607] {strides = array<i32>} : memref<2048xi32, #tpu.memory_space<vmem>>, vector<16xi32>,
          %mul3A_609 = arith.constant 128 : i32
          %mul3A_610 = arith.muli %scan3A_567, %mul3A_609 : i32
          %add3A_611 = arith.constant 32 : i32
          %add3A_612 = arith.addi %mul3A_610, %add3A_611 : i32
          %get3A_613 = arith.index_cast %add3A_612 : i32 to index
          %get3A_614 = tpu.vector_load %arg9[%get3A_613] {strides = array<i32>} : memref<2048xf32, #tpu.memory_space<vmem>>, vector<16xf32>,
          %sub3A_615 = vector.broadcast %mul3A_128 : i32 to vector<16xi32>
          %sub3A_616 = arith.subi %get3A_608, %sub3A_615 : vector<16xi32>
          %lt3A_617 = arith.constant 32768 : i32
          %lt3A_618 = vector.broadcast %lt3A_617 : i32 to vector<16xi32>
          %lt3A_619 = arith.cmpi ult, %sub3A_616, %lt3A_618 : vector<16xi32>
          tpu.vector_store_idx %arg5[%sub3A_616], %get3A_614 masked %lt3A_619 : memref<32768xf32, #tpu.memory_space<vmem>>[vector<16xi32>], vector<16xf32>, vector<16xi1>
          %mul3A_620 = arith.constant 128 : i32
          %mul3A_621 = arith.muli %scan3A_567, %mul3A_620 : i32
          %add3A_622 = arith.constant 48 : i32
          %add3A_623 = arith.addi %mul3A_621, %add3A_622 : i32
          %get3A_624 = arith.index_cast %add3A_623 : i32 to index
          %get3A_625 = tpu.vector_load %arg7[%get3A_624] {strides = array<i32>} : memref<2048xi32, #tpu.memory_space<vmem>>, vector<16xi32>,
          %mul3A_626 = arith.constant 128 : i32
          %mul3A_627 = arith.muli %scan3A_567, %mul3A_626 : i32
          %add3A_628 = arith.constant 48 : i32
          %add3A_629 = arith.addi %mul3A_627, %add3A_628 : i32
          %get3A_630 = arith.index_cast %add3A_629 : i32 to index
          %get3A_631 = tpu.vector_load %arg9[%get3A_630] {strides = array<i32>} : memref<2048xf32, #tpu.memory_space<vmem>>, vector<16xf32>,
          %sub3A_632 = vector.broadcast %mul3A_128 : i32 to vector<16xi32>
          %sub3A_633 = arith.subi %get3A_625, %sub3A_632 : vector<16xi32>
          %lt3A_634 = arith.constant 32768 : i32
          %lt3A_635 = vector.broadcast %lt3A_634 : i32 to vector<16xi32>
          %lt3A_636 = arith.cmpi ult, %sub3A_633, %lt3A_635 : vector<16xi32>
          tpu.vector_store_idx %arg5[%sub3A_633], %get3A_631 masked %lt3A_636 : memref<32768xf32, #tpu.memory_space<vmem>>[vector<16xi32>], vector<16xf32>, vector<16xi1>
          %mul3A_637 = arith.constant 128 : i32
          %mul3A_638 = arith.muli %scan3A_567, %mul3A_637 : i32
          %add3A_639 = arith.constant 64 : i32
          %add3A_640 = arith.addi %mul3A_638, %add3A_639 : i32
          %get3A_641 = arith.index_cast %add3A_640 : i32 to index
          %get3A_642 = tpu.vector_load %arg7[%get3A_641] {strides = array<i32>} : memref<2048xi32, #tpu.memory_space<vmem>>, vector<16xi32>,
          %mul3A_643 = arith.constant 128 : i32
          %mul3A_644 = arith.muli %scan3A_567, %mul3A_643 : i32
          %add3A_645 = arith.constant 64 : i32
          %add3A_646 = arith.addi %mul3A_644, %add3A_645 : i32
          %get3A_647 = arith.index_cast %add3A_646 : i32 to index
          %get3A_648 = tpu.vector_load %arg9[%get3A_647] {strides = array<i32>} : memref<2048xf32, #tpu.memory_space<vmem>>, vector<16xf32>,
          %sub3A_649 = vector.broadcast %mul3A_128 : i32 to vector<16xi32>
          %sub3A_650 = arith.subi %get3A_642, %sub3A_649 : vector<16xi32>
          %lt3A_651 = arith.constant 32768 : i32
          %lt3A_652 = vector.broadcast %lt3A_651 : i32 to vector<16xi32>
          %lt3A_653 = arith.cmpi ult, %sub3A_650, %lt3A_652 : vector<16xi32>
          tpu.vector_store_idx %arg5[%sub3A_650], %get3A_648 masked %lt3A_653 : memref<32768xf32, #tpu.memory_space<vmem>>[vector<16xi32>], vector<16xf32>, vector<16xi1>
          %mul3A_654 = arith.constant 128 : i32
          %mul3A_655 = arith.muli %scan3A_567, %mul3A_654 : i32
          %add3A_656 = arith.constant 80 : i32
          %add3A_657 = arith.addi %mul3A_655, %add3A_656 : i32
          %get3A_658 = arith.index_cast %add3A_657 : i32 to index
          %get3A_659 = tpu.vector_load %arg7[%get3A_658] {strides = array<i32>} : memref<2048xi32, #tpu.memory_space<vmem>>, vector<16xi32>,
          %mul3A_660 = arith.constant 128 : i32
          %mul3A_661 = arith.muli %scan3A_567, %mul3A_660 : i32
          %add3A_662 = arith.constant 80 : i32
          %add3A_663 = arith.addi %mul3A_661, %add3A_662 : i32
          %get3A_664 = arith.index_cast %add3A_663 : i32 to index
          %get3A_665 = tpu.vector_load %arg9[%get3A_664] {strides = array<i32>} : memref<2048xf32, #tpu.memory_space<vmem>>, vector<16xf32>,
          %sub3A_666 = vector.broadcast %mul3A_128 : i32 to vector<16xi32>
          %sub3A_667 = arith.subi %get3A_659, %sub3A_666 : vector<16xi32>
          %lt3A_668 = arith.constant 32768 : i32
          %lt3A_669 = vector.broadcast %lt3A_668 : i32 to vector<16xi32>
          %lt3A_670 = arith.cmpi ult, %sub3A_667, %lt3A_669 : vector<16xi32>
          tpu.vector_store_idx %arg5[%sub3A_667], %get3A_665 masked %lt3A_670 : memref<32768xf32, #tpu.memory_space<vmem>>[vector<16xi32>], vector<16xf32>, vector<16xi1>
          %mul3A_671 = arith.constant 128 : i32
          %mul3A_672 = arith.muli %scan3A_567, %mul3A_671 : i32
          %add3A_673 = arith.constant 96 : i32
          %add3A_674 = arith.addi %mul3A_672, %add3A_673 : i32
          %get3A_675 = arith.index_cast %add3A_674 : i32 to index
          %get3A_676 = tpu.vector_load %arg7[%get3A_675] {strides = array<i32>} : memref<2048xi32, #tpu.memory_space<vmem>>, vector<16xi32>,
          %mul3A_677 = arith.constant 128 : i32
          %mul3A_678 = arith.muli %scan3A_567, %mul3A_677 : i32
          %add3A_679 = arith.constant 96 : i32
          %add3A_680 = arith.addi %mul3A_678, %add3A_679 : i32
          %get3A_681 = arith.index_cast %add3A_680 : i32 to index
          %get3A_682 = tpu.vector_load %arg9[%get3A_681] {strides = array<i32>} : memref<2048xf32, #tpu.memory_space<vmem>>, vector<16xf32>,
          %sub3A_683 = vector.broadcast %mul3A_128 : i32 to vector<16xi32>
          %sub3A_684 = arith.subi %get3A_676, %sub3A_683 : vector<16xi32>
          %lt3A_685 = arith.constant 32768 : i32
          %lt3A_686 = vector.broadcast %lt3A_685 : i32 to vector<16xi32>
          %lt3A_687 = arith.cmpi ult, %sub3A_684, %lt3A_686 : vector<16xi32>
          tpu.vector_store_idx %arg5[%sub3A_684], %get3A_682 masked %lt3A_687 : memref<32768xf32, #tpu.memory_space<vmem>>[vector<16xi32>], vector<16xf32>, vector<16xi1>
          %mul3A_688 = arith.constant 128 : i32
          %mul3A_689 = arith.muli %scan3A_567, %mul3A_688 : i32
          %add3A_690 = arith.constant 112 : i32
          %add3A_691 = arith.addi %mul3A_689, %add3A_690 : i32
          %get3A_692 = arith.index_cast %add3A_691 : i32 to index
          %get3A_693 = tpu.vector_load %arg7[%get3A_692] {strides = array<i32>} : memref<2048xi32, #tpu.memory_space<vmem>>, vector<16xi32>,
          %mul3A_694 = arith.constant 128 : i32
          %mul3A_695 = arith.muli %scan3A_567, %mul3A_694 : i32
          %add3A_696 = arith.constant 112 : i32
          %add3A_697 = arith.addi %mul3A_695, %add3A_696 : i32
          %get3A_698 = arith.index_cast %add3A_697 : i32 to index
          %get3A_699 = tpu.vector_load %arg9[%get3A_698] {strides = array<i32>} : memref<2048xf32, #tpu.memory_space<vmem>>, vector<16xf32>,
          %sub3A_700 = vector.broadcast %mul3A_128 : i32 to vector<16xi32>
          %sub3A_701 = arith.subi %get3A_693, %sub3A_700 : vector<16xi32>
          %lt3A_702 = arith.constant 32768 : i32
          %lt3A_703 = vector.broadcast %lt3A_702 : i32 to vector<16xi32>
          %lt3A_704 = arith.cmpi ult, %sub3A_701, %lt3A_703 : vector<16xi32>
          tpu.vector_store_idx %arg5[%sub3A_701], %get3A_699 masked %lt3A_704 : memref<32768xf32, #tpu.memory_space<vmem>>[vector<16xi32>], vector<16xf32>, vector<16xi1>
          %scan3A_705 = arith.constant 0 : i32
          scf.yield %scan3A_705 : i32
        }
        %scan3A_553 = arith.constant 16 : i32
        %mul3A_554 = arith.constant 2 : i32
        %mul3A_555 = arith.muli %mul3A_554, %while3A_530 : i32
        %add3A_556 = arith.constant 2 : i32
        %add3A_557 = arith.addi %mul3A_555, %add3A_556 : i32
        %lt3A_558 = arith.cmpi slt, %add3A_557, %select_n3A_272 : i32
        %convert_element_type3A_559 = arith.extui %lt3A_558 : i1 to i32
        %cond3A_560 = arith.constant 0 : i32
        %cond3A_561 = arith.cmpi ne, %convert_element_type3A_559, %cond3A_560 : i32
        scf.if %cond3A_561 {
          %mul3A_567 = arith.constant 2 : i32
          %mul3A_568 = arith.muli %mul3A_567, %while3A_530 : i32
          %add3A_569 = arith.constant 2 : i32
          %add3A_570 = arith.addi %mul3A_568, %add3A_569 : i32
          %mul3A_571 = arith.constant 2048 : i32
          %mul3A_572 = arith.muli %add3A_570, %mul3A_571 : i32
          %add3A_573 = arith.addi %mul3A_243, %mul3A_572 : i32
          %min3A_574 = arith.constant 25163776 : i32
          %min3A_575 = arith.minsi %add3A_573, %min3A_574 : i32
          %dma_start3A_576 = tpu.memref_slice %arg2[%min3A_575] : memref<25165824xi32, #tpu.memory_space<hbm>> -> memref<2048xi32, #tpu.memory_space<hbm>>
          %dma_start3A_577 = tpu.memref_slice %arg2[%min3A_575] : memref<25165824xi32, #tpu.memory_space<hbm>> -> memref<2048xi32, #tpu.memory_space<hbm>>
          tpu.enqueue_dma source(%dma_start3A_577 : memref<2048xi32, #tpu.memory_space<hbm>>) target(%arg7 : memref<2048xi32, #tpu.memory_space<vmem>>) target_semaphore(%arg14 : memref<!tpu.dma_semaphore, #tpu.memory_space<semaphore_mem>>)
          %mul3A_578 = arith.constant 2048 : i32
          %mul3A_579 = arith.muli %add3A_570, %mul3A_578 : i32
          %add3A_580 = arith.addi %mul3A_243, %mul3A_579 : i32
          %min3A_581 = arith.constant 25163776 : i32
          %min3A_582 = arith.minsi %add3A_580, %min3A_581 : i32
          %dma_start3A_583 = tpu.memref_slice %arg3[%min3A_582] : memref<25165824xf32, #tpu.memory_space<hbm>> -> memref<2048xf32, #tpu.memory_space<hbm>>
          %dma_start3A_584 = tpu.memref_slice %arg3[%min3A_582] : memref<25165824xf32, #tpu.memory_space<hbm>> -> memref<2048xf32, #tpu.memory_space<hbm>>
          tpu.enqueue_dma source(%dma_start3A_584 : memref<2048xf32, #tpu.memory_space<hbm>>) target(%arg9 : memref<2048xf32, #tpu.memory_space<vmem>>) target_semaphore(%arg14 : memref<!tpu.dma_semaphore, #tpu.memory_space<semaphore_mem>>)
        } else {
        }
        %lt3A_562 = arith.cmpi slt, %add3A_535, %select_n3A_272 : i32
        %convert_element_type3A_563 = arith.extui %lt3A_562 : i1 to i32
        %cond3A_564 = arith.constant 0 : i32
        %cond3A_565 = arith.cmpi ne, %convert_element_type3A_563, %cond3A_564 : i32
        scf.if %cond3A_565 {
          %dma_wait3A_567 = arith.constant 0 : i32
          %dma_wait3A_568 = tpu.memref_slice %arg2[%dma_wait3A_567] : memref<25165824xi32, #tpu.memory_space<hbm>> -> memref<2048xi32, #tpu.memory_space<hbm>>
          %dma_wait3A_569 = arith.constant 0 : i32
          %dma_wait3A_570 = tpu.memref_slice %arg2[%dma_wait3A_569] : memref<25165824xi32, #tpu.memory_space<hbm>> -> memref<2048xi32, #tpu.memory_space<hbm>>
          tpu.wait_dma2 semaphore(%arg15 : memref<!tpu.dma_semaphore, #tpu.memory_space<semaphore_mem>>) src(%dma_wait3A_570 : memref<2048xi32, #tpu.memory_space<hbm>>) dst(%arg8 : memref<2048xi32, #tpu.memory_space<vmem>>)
          %dma_wait3A_571 = arith.constant 0 : i32
          %dma_wait3A_572 = tpu.memref_slice %arg3[%dma_wait3A_571] : memref<25165824xf32, #tpu.memory_space<hbm>> -> memref<2048xf32, #tpu.memory_space<hbm>>
          %dma_wait3A_573 = arith.constant 0 : i32
          %dma_wait3A_574 = tpu.memref_slice %arg3[%dma_wait3A_573] : memref<25165824xf32, #tpu.memory_space<hbm>> -> memref<2048xf32, #tpu.memory_space<hbm>>
          tpu.wait_dma2 semaphore(%arg15 : memref<!tpu.dma_semaphore, #tpu.memory_space<semaphore_mem>>) src(%dma_wait3A_574 : memref<2048xf32, #tpu.memory_space<hbm>>) dst(%arg10 : memref<2048xf32, #tpu.memory_space<vmem>>)
          %scan3A_575 = arith.constant 0 : i32
          %scan3A_576 = arith.constant 0 : i32
          %scan3A_577 = arith.constant 16 : i32
          %scan3A_578 = arith.addi %scan3A_576, %scan3A_577 : i32
          %scan3A_579 = arith.constant 1 : i32
          %scan3A_580 = scf.for %scan3A_582 = %scan3A_576 to %scan3A_578 step %scan3A_579 iter_args(%scan3A_583 = %scan3A_575) -> (i32)  : i32 {
            %mul3A_584 = arith.constant 128 : i32
            %mul3A_585 = arith.muli %scan3A_582, %mul3A_584 : i32
            %add3A_586 = arith.constant 0 : i32
            %add3A_587 = arith.addi %mul3A_585, %add3A_586 : i32
            %get3A_588 = arith.index_cast %add3A_587 : i32 to index
            %get3A_589 = tpu.vector_load %arg8[%get3A_588] {strides = array<i32>} : memref<2048xi32, #tpu.memory_space<vmem>>, vector<16xi32>,
            %mul3A_590 = arith.constant 128 : i32
            %mul3A_591 = arith.muli %scan3A_582, %mul3A_590 : i32
            %add3A_592 = arith.constant 0 : i32
            %add3A_593 = arith.addi %mul3A_591, %add3A_592 : i32
            %get3A_594 = arith.index_cast %add3A_593 : i32 to index
            %get3A_595 = tpu.vector_load %arg10[%get3A_594] {strides = array<i32>} : memref<2048xf32, #tpu.memory_space<vmem>>, vector<16xf32>,
            %sub3A_596 = vector.broadcast %mul3A_128 : i32 to vector<16xi32>
            %sub3A_597 = arith.subi %get3A_589, %sub3A_596 : vector<16xi32>
            %lt3A_598 = arith.constant 32768 : i32
            %lt3A_599 = vector.broadcast %lt3A_598 : i32 to vector<16xi32>
            %lt3A_600 = arith.cmpi ult, %sub3A_597, %lt3A_599 : vector<16xi32>
            tpu.vector_store_idx %arg5[%sub3A_597], %get3A_595 masked %lt3A_600 : memref<32768xf32, #tpu.memory_space<vmem>>[vector<16xi32>], vector<16xf32>, vector<16xi1>
            %mul3A_601 = arith.constant 128 : i32
            %mul3A_602 = arith.muli %scan3A_582, %mul3A_601 : i32
            %add3A_603 = arith.constant 16 : i32
            %add3A_604 = arith.addi %mul3A_602, %add3A_603 : i32
            %get3A_605 = arith.index_cast %add3A_604 : i32 to index
            %get3A_606 = tpu.vector_load %arg8[%get3A_605] {strides = array<i32>} : memref<2048xi32, #tpu.memory_space<vmem>>, vector<16xi32>,
            %mul3A_607 = arith.constant 128 : i32
            %mul3A_608 = arith.muli %scan3A_582, %mul3A_607 : i32
            %add3A_609 = arith.constant 16 : i32
            %add3A_610 = arith.addi %mul3A_608, %add3A_609 : i32
            %get3A_611 = arith.index_cast %add3A_610 : i32 to index
            %get3A_612 = tpu.vector_load %arg10[%get3A_611] {strides = array<i32>} : memref<2048xf32, #tpu.memory_space<vmem>>, vector<16xf32>,
            %sub3A_613 = vector.broadcast %mul3A_128 : i32 to vector<16xi32>
            %sub3A_614 = arith.subi %get3A_606, %sub3A_613 : vector<16xi32>
            %lt3A_615 = arith.constant 32768 : i32
            %lt3A_616 = vector.broadcast %lt3A_615 : i32 to vector<16xi32>
            %lt3A_617 = arith.cmpi ult, %sub3A_614, %lt3A_616 : vector<16xi32>
            tpu.vector_store_idx %arg5[%sub3A_614], %get3A_612 masked %lt3A_617 : memref<32768xf32, #tpu.memory_space<vmem>>[vector<16xi32>], vector<16xf32>, vector<16xi1>
            %mul3A_618 = arith.constant 128 : i32
            %mul3A_619 = arith.muli %scan3A_582, %mul3A_618 : i32
            %add3A_620 = arith.constant 32 : i32
            %add3A_621 = arith.addi %mul3A_619, %add3A_620 : i32
            %get3A_622 = arith.index_cast %add3A_621 : i32 to index
            %get3A_623 = tpu.vector_load %arg8[%get3A_622] {strides = array<i32>} : memref<2048xi32, #tpu.memory_space<vmem>>, vector<16xi32>,
            %mul3A_624 = arith.constant 128 : i32
            %mul3A_625 = arith.muli %scan3A_582, %mul3A_624 : i32
            %add3A_626 = arith.constant 32 : i32
            %add3A_627 = arith.addi %mul3A_625, %add3A_626 : i32
            %get3A_628 = arith.index_cast %add3A_627 : i32 to index
            %get3A_629 = tpu.vector_load %arg10[%get3A_628] {strides = array<i32>} : memref<2048xf32, #tpu.memory_space<vmem>>, vector<16xf32>,
            %sub3A_630 = vector.broadcast %mul3A_128 : i32 to vector<16xi32>
            %sub3A_631 = arith.subi %get3A_623, %sub3A_630 : vector<16xi32>
            %lt3A_632 = arith.constant 32768 : i32
            %lt3A_633 = vector.broadcast %lt3A_632 : i32 to vector<16xi32>
            %lt3A_634 = arith.cmpi ult, %sub3A_631, %lt3A_633 : vector<16xi32>
            tpu.vector_store_idx %arg5[%sub3A_631], %get3A_629 masked %lt3A_634 : memref<32768xf32, #tpu.memory_space<vmem>>[vector<16xi32>], vector<16xf32>, vector<16xi1>
            %mul3A_635 = arith.constant 128 : i32
            %mul3A_636 = arith.muli %scan3A_582, %mul3A_635 : i32
            %add3A_637 = arith.constant 48 : i32
            %add3A_638 = arith.addi %mul3A_636, %add3A_637 : i32
            %get3A_639 = arith.index_cast %add3A_638 : i32 to index
            %get3A_640 = tpu.vector_load %arg8[%get3A_639] {strides = array<i32>} : memref<2048xi32, #tpu.memory_space<vmem>>, vector<16xi32>,
            %mul3A_641 = arith.constant 128 : i32
            %mul3A_642 = arith.muli %scan3A_582, %mul3A_641 : i32
            %add3A_643 = arith.constant 48 : i32
            %add3A_644 = arith.addi %mul3A_642, %add3A_643 : i32
            %get3A_645 = arith.index_cast %add3A_644 : i32 to index
            %get3A_646 = tpu.vector_load %arg10[%get3A_645] {strides = array<i32>} : memref<2048xf32, #tpu.memory_space<vmem>>, vector<16xf32>,
            %sub3A_647 = vector.broadcast %mul3A_128 : i32 to vector<16xi32>
            %sub3A_648 = arith.subi %get3A_640, %sub3A_647 : vector<16xi32>
            %lt3A_649 = arith.constant 32768 : i32
            %lt3A_650 = vector.broadcast %lt3A_649 : i32 to vector<16xi32>
            %lt3A_651 = arith.cmpi ult, %sub3A_648, %lt3A_650 : vector<16xi32>
            tpu.vector_store_idx %arg5[%sub3A_648], %get3A_646 masked %lt3A_651 : memref<32768xf32, #tpu.memory_space<vmem>>[vector<16xi32>], vector<16xf32>, vector<16xi1>
            %mul3A_652 = arith.constant 128 : i32
            %mul3A_653 = arith.muli %scan3A_582, %mul3A_652 : i32
            %add3A_654 = arith.constant 64 : i32
            %add3A_655 = arith.addi %mul3A_653, %add3A_654 : i32
            %get3A_656 = arith.index_cast %add3A_655 : i32 to index
            %get3A_657 = tpu.vector_load %arg8[%get3A_656] {strides = array<i32>} : memref<2048xi32, #tpu.memory_space<vmem>>, vector<16xi32>,
            %mul3A_658 = arith.constant 128 : i32
            %mul3A_659 = arith.muli %scan3A_582, %mul3A_658 : i32
            %add3A_660 = arith.constant 64 : i32
            %add3A_661 = arith.addi %mul3A_659, %add3A_660 : i32
            %get3A_662 = arith.index_cast %add3A_661 : i32 to index
            %get3A_663 = tpu.vector_load %arg10[%get3A_662] {strides = array<i32>} : memref<2048xf32, #tpu.memory_space<vmem>>, vector<16xf32>,
            %sub3A_664 = vector.broadcast %mul3A_128 : i32 to vector<16xi32>
            %sub3A_665 = arith.subi %get3A_657, %sub3A_664 : vector<16xi32>
            %lt3A_666 = arith.constant 32768 : i32
            %lt3A_667 = vector.broadcast %lt3A_666 : i32 to vector<16xi32>
            %lt3A_668 = arith.cmpi ult, %sub3A_665, %lt3A_667 : vector<16xi32>
            tpu.vector_store_idx %arg5[%sub3A_665], %get3A_663 masked %lt3A_668 : memref<32768xf32, #tpu.memory_space<vmem>>[vector<16xi32>], vector<16xf32>, vector<16xi1>
            %mul3A_669 = arith.constant 128 : i32
            %mul3A_670 = arith.muli %scan3A_582, %mul3A_669 : i32
            %add3A_671 = arith.constant 80 : i32
            %add3A_672 = arith.addi %mul3A_670, %add3A_671 : i32
            %get3A_673 = arith.index_cast %add3A_672 : i32 to index
            %get3A_674 = tpu.vector_load %arg8[%get3A_673] {strides = array<i32>} : memref<2048xi32, #tpu.memory_space<vmem>>, vector<16xi32>,
            %mul3A_675 = arith.constant 128 : i32
            %mul3A_676 = arith.muli %scan3A_582, %mul3A_675 : i32
            %add3A_677 = arith.constant 80 : i32
            %add3A_678 = arith.addi %mul3A_676, %add3A_677 : i32
            %get3A_679 = arith.index_cast %add3A_678 : i32 to index
            %get3A_680 = tpu.vector_load %arg10[%get3A_679] {strides = array<i32>} : memref<2048xf32, #tpu.memory_space<vmem>>, vector<16xf32>,
            %sub3A_681 = vector.broadcast %mul3A_128 : i32 to vector<16xi32>
            %sub3A_682 = arith.subi %get3A_674, %sub3A_681 : vector<16xi32>
            %lt3A_683 = arith.constant 32768 : i32
            %lt3A_684 = vector.broadcast %lt3A_683 : i32 to vector<16xi32>
            %lt3A_685 = arith.cmpi ult, %sub3A_682, %lt3A_684 : vector<16xi32>
            tpu.vector_store_idx %arg5[%sub3A_682], %get3A_680 masked %lt3A_685 : memref<32768xf32, #tpu.memory_space<vmem>>[vector<16xi32>], vector<16xf32>, vector<16xi1>
            %mul3A_686 = arith.constant 128 : i32
            %mul3A_687 = arith.muli %scan3A_582, %mul3A_686 : i32
            %add3A_688 = arith.constant 96 : i32
            %add3A_689 = arith.addi %mul3A_687, %add3A_688 : i32
            %get3A_690 = arith.index_cast %add3A_689 : i32 to index
            %get3A_691 = tpu.vector_load %arg8[%get3A_690] {strides = array<i32>} : memref<2048xi32, #tpu.memory_space<vmem>>, vector<16xi32>,
            %mul3A_692 = arith.constant 128 : i32
            %mul3A_693 = arith.muli %scan3A_582, %mul3A_692 : i32
            %add3A_694 = arith.constant 96 : i32
            %add3A_695 = arith.addi %mul3A_693, %add3A_694 : i32
            %get3A_696 = arith.index_cast %add3A_695 : i32 to index
            %get3A_697 = tpu.vector_load %arg10[%get3A_696] {strides = array<i32>} : memref<2048xf32, #tpu.memory_space<vmem>>, vector<16xf32>,
            %sub3A_698 = vector.broadcast %mul3A_128 : i32 to vector<16xi32>
            %sub3A_699 = arith.subi %get3A_691, %sub3A_698 : vector<16xi32>
            %lt3A_700 = arith.constant 32768 : i32
            %lt3A_701 = vector.broadcast %lt3A_700 : i32 to vector<16xi32>
            %lt3A_702 = arith.cmpi ult, %sub3A_699, %lt3A_701 : vector<16xi32>
            tpu.vector_store_idx %arg5[%sub3A_699], %get3A_697 masked %lt3A_702 : memref<32768xf32, #tpu.memory_space<vmem>>[vector<16xi32>], vector<16xf32>, vector<16xi1>
            %mul3A_703 = arith.constant 128 : i32
            %mul3A_704 = arith.muli %scan3A_582, %mul3A_703 : i32
            %add3A_705 = arith.constant 112 : i32
            %add3A_706 = arith.addi %mul3A_704, %add3A_705 : i32
            %get3A_707 = arith.index_cast %add3A_706 : i32 to index
            %get3A_708 = tpu.vector_load %arg8[%get3A_707] {strides = array<i32>} : memref<2048xi32, #tpu.memory_space<vmem>>, vector<16xi32>,
            %mul3A_709 = arith.constant 128 : i32
            %mul3A_710 = arith.muli %scan3A_582, %mul3A_709 : i32
            %add3A_711 = arith.constant 112 : i32
            %add3A_712 = arith.addi %mul3A_710, %add3A_711 : i32
            %get3A_713 = arith.index_cast %add3A_712 : i32 to index
            %get3A_714 = tpu.vector_load %arg10[%get3A_713] {strides = array<i32>} : memref<2048xf32, #tpu.memory_space<vmem>>, vector<16xf32>,
            %sub3A_715 = vector.broadcast %mul3A_128 : i32 to vector<16xi32>
            %sub3A_716 = arith.subi %get3A_708, %sub3A_715 : vector<16xi32>
            %lt3A_717 = arith.constant 32768 : i32
            %lt3A_718 = vector.broadcast %lt3A_717 : i32 to vector<16xi32>
            %lt3A_719 = arith.cmpi ult, %sub3A_716, %lt3A_718 : vector<16xi32>
            tpu.vector_store_idx %arg5[%sub3A_716], %get3A_714 masked %lt3A_719 : memref<32768xf32, #tpu.memory_space<vmem>>[vector<16xi32>], vector<16xf32>, vector<16xi1>
            %scan3A_720 = arith.constant 0 : i32
            scf.yield %scan3A_720 : i32
          }
          %scan3A_581 = arith.constant 16 : i32
        } else {
        }
        %while3A_566 = arith.constant 0 : i32
        scf.yield %while3A_566 : i32
      }
      %dma_start3A = tpu.memref_slice %arg4[%mul3A_128] : memref<100663296xf32, #tpu.memory_space<hbm>> -> memref<32768xf32, #tpu.memory_space<hbm>>
      %dma_start3A_315 = tpu.memref_slice %arg4[%mul3A_128] : memref<100663296xf32, #tpu.memory_space<hbm>> -> memref<32768xf32, #tpu.memory_space<hbm>>
      tpu.enqueue_dma source(%arg5 : memref<32768xf32, #tpu.memory_space<vmem>>) target(%dma_start3A_315 : memref<32768xf32, #tpu.memory_space<hbm>>) target_semaphore(%arg16 : memref<!tpu.dma_semaphore, #tpu.memory_space<semaphore_mem>>)
      %mul3A_316 = arith.constant 2 : i32
      %mul3A_317 = arith.muli %mul3A_316, %scan3A_119 : i32
      %add3A_318 = arith.constant 1 : i32
      %add3A_319 = arith.addi %mul3A_317, %add3A_318 : i32
      %gt3A_320 = arith.constant 0 : i32
      %gt3A_321 = arith.cmpi sgt, %scan3A_119, %gt3A_320 : i32
      %mul3A_322 = arith.constant 96 : i32
      %mul3A_323 = arith.muli %add3A, %mul3A_322 : i32
      %add3A_324 = arith.addi %mul3A_323, %add3A_319 : i32
      %mul3A_325 = arith.constant 32768 : i32
      %mul3A_326 = arith.muli %add3A_324, %mul3A_325 : i32
      %jit3A_327 = arith.constant 16 : i32
      %div3A_328 = arith.divsi %add3A_319, %jit3A_327 : i32
      %sign3A_329 = arith.constant 0 : i32
      %sign3A_330 = arith.cmpi sgt, %add3A_319, %sign3A_329 : i32
      %sign3A_331 = arith.extui %sign3A_330 : i1 to i32
      %sign3A_332 = arith.constant 0 : i32
      %sign3A_333 = arith.cmpi slt, %add3A_319, %sign3A_332 : i32
      %sign3A_334 = arith.extui %sign3A_333 : i1 to i32
      %sign3A_335 = arith.subi %sign3A_331, %sign3A_334 : i32
      %sign3A_336 = arith.constant 0 : i32
      %sign3A_337 = arith.cmpi sgt, %jit3A_327, %sign3A_336 : i32
      %sign3A_338 = arith.extui %sign3A_337 : i1 to i32
      %sign3A_339 = arith.constant 0 : i32
      %sign3A_340 = arith.cmpi slt, %jit3A_327, %sign3A_339 : i32
      %sign3A_341 = arith.extui %sign3A_340 : i1 to i32
      %sign3A_342 = arith.subi %sign3A_338, %sign3A_341 : i32
      %ne3A_343 = arith.cmpi ne, %sign3A_335, %sign3A_342 : i32
      %rem3A_344 = arith.remsi %add3A_319, %jit3A_327 : i32
      %ne3A_345 = arith.constant 0 : i32
      %ne3A_346 = arith.cmpi ne, %rem3A_344, %ne3A_345 : i32
      %and3A_347 = arith.andi %ne3A_343, %ne3A_346 : i1
      %sub3A_348 = arith.constant 1 : i32
      %sub3A_349 = arith.subi %div3A_328, %sub3A_348 : i32
      %select_n3A_350 = arith.select %and3A_347, %sub3A_349, %div3A_328 : i32
      %mul3A_351 = arith.constant 16 : i32
      %mul3A_352 = arith.muli %select_n3A_350, %mul3A_351 : i32
      %get3A_353 = arith.index_cast %mul3A_352 : i32 to index
      %get3A_354 = tpu.vector_load %arg13[%get3A_353] {strides = array<i32>} : memref<112xi32, #tpu.memory_space<vmem>>, vector<16xi32>,
      %sub3A_355 = arith.subi %add3A_319, %mul3A_352 : i32
      %iota3A_356 = tpu.iota {dimensions = array<i32: 0>} : vector<16xi32>
      %eq3A_357 = vector.broadcast %sub3A_355 : i32 to vector<16xi32>
      %eq3A_358 = arith.cmpi eq, %iota3A_356, %eq3A_357 : vector<16xi32>
      %jit3A_359 = arith.constant -2147483648 : i32
      %broadcast_in_dim3A_360 = vector.broadcast %jit3A_359 : i32 to vector<16xi32>
      %select_n3A_361 = arith.select %eq3A_358, %get3A_354, %broadcast_in_dim3A_360 : vector<16xi1>, vector<16xi32>
      %reduce_max3A_362 = arith.constant true
      %reduce_max3A_363 = vector.broadcast %reduce_max3A_362 : i1 to vector<16xi1>
      %reduce_max3A_364 = arith.constant -2147483648 : i32
      %reduce_max3A_365 = vector.broadcast %reduce_max3A_364 : i32 to vector<16xi32>
      %reduce_max3A_366 = arith.xori %select_n3A_361, %reduce_max3A_365 : vector<16xi32>
      %reduce_max3A_367 = tpu.scan <max>, %reduce_max3A_366 masked %reduce_max3A_363 : vector<16xi32>, vector<16xi1> -> vector<16xi32>
      %reduce_max3A_368 = arith.xori %reduce_max3A_367, %reduce_max3A_365 : vector<16xi32>
      %reduce_max3A_369 = vector.extract %reduce_max3A_368[15] : i32 from vector<16xi32>
      %add3A_370 = arith.constant 1 : i32
      %add3A_371 = arith.addi %add3A_319, %add3A_370 : i32
      %jit3A_372 = arith.constant 16 : i32
      %div3A_373 = arith.divsi %add3A_371, %jit3A_372 : i32
      %sign3A_374 = arith.constant 0 : i32
      %sign3A_375 = arith.cmpi sgt, %add3A_371, %sign3A_374 : i32
      %sign3A_376 = arith.extui %sign3A_375 : i1 to i32
      %sign3A_377 = arith.constant 0 : i32
      %sign3A_378 = arith.cmpi slt, %add3A_371, %sign3A_377 : i32
      %sign3A_379 = arith.extui %sign3A_378 : i1 to i32
      %sign3A_380 = arith.subi %sign3A_376, %sign3A_379 : i32
      %sign3A_381 = arith.constant 0 : i32
      %sign3A_382 = arith.cmpi sgt, %jit3A_372, %sign3A_381 : i32
      %sign3A_383 = arith.extui %sign3A_382 : i1 to i32
      %sign3A_384 = arith.constant 0 : i32
      %sign3A_385 = arith.cmpi slt, %jit3A_372, %sign3A_384 : i32
      %sign3A_386 = arith.extui %sign3A_385 : i1 to i32
      %sign3A_387 = arith.subi %sign3A_383, %sign3A_386 : i32
      %ne3A_388 = arith.cmpi ne, %sign3A_380, %sign3A_387 : i32
      %rem3A_389 = arith.remsi %add3A_371, %jit3A_372 : i32
      %ne3A_390 = arith.constant 0 : i32
      %ne3A_391 = arith.cmpi ne, %rem3A_389, %ne3A_390 : i32
      %and3A_392 = arith.andi %ne3A_388, %ne3A_391 : i1
      %sub3A_393 = arith.constant 1 : i32
      %sub3A_394 = arith.subi %div3A_373, %sub3A_393 : i32
      %select_n3A_395 = arith.select %and3A_392, %sub3A_394, %div3A_373 : i32
      %mul3A_396 = arith.constant 16 : i32
      %mul3A_397 = arith.muli %select_n3A_395, %mul3A_396 : i32
      %get3A_398 = arith.index_cast %mul3A_397 : i32 to index
      %get3A_399 = tpu.vector_load %arg13[%get3A_398] {strides = array<i32>} : memref<112xi32, #tpu.memory_space<vmem>>, vector<16xi32>,
      %add3A_400 = arith.constant 1 : i32
      %add3A_401 = arith.addi %add3A_319, %add3A_400 : i32
      %sub3A_402 = arith.subi %add3A_401, %mul3A_397 : i32
      %iota3A_403 = tpu.iota {dimensions = array<i32: 0>} : vector<16xi32>
      %eq3A_404 = vector.broadcast %sub3A_402 : i32 to vector<16xi32>
      %eq3A_405 = arith.cmpi eq, %iota3A_403, %eq3A_404 : vector<16xi32>
      %jit3A_406 = arith.constant -2147483648 : i32
      %broadcast_in_dim3A_407 = vector.broadcast %jit3A_406 : i32 to vector<16xi32>
      %select_n3A_408 = arith.select %eq3A_405, %get3A_399, %broadcast_in_dim3A_407 : vector<16xi1>, vector<16xi32>
      %reduce_max3A_409 = arith.constant true
      %reduce_max3A_410 = vector.broadcast %reduce_max3A_409 : i1 to vector<16xi1>
      %reduce_max3A_411 = arith.constant -2147483648 : i32
      %reduce_max3A_412 = vector.broadcast %reduce_max3A_411 : i32 to vector<16xi32>
      %reduce_max3A_413 = arith.xori %select_n3A_408, %reduce_max3A_412 : vector<16xi32>
      %reduce_max3A_414 = tpu.scan <max>, %reduce_max3A_413 masked %reduce_max3A_410 : vector<16xi32>, vector<16xi1> -> vector<16xi32>
      %reduce_max3A_415 = arith.xori %reduce_max3A_414, %reduce_max3A_412 : vector<16xi32>
      %reduce_max3A_416 = vector.extract %reduce_max3A_415[15] : i32 from vector<16xi32>
      %convert_element_type3A_417 = arith.extui %gt3A_321 : i1 to i32
      %cond3A_418 = arith.constant 0 : i32
      %cond3A_419 = arith.cmpi ne, %convert_element_type3A_417, %cond3A_418 : i32
      scf.if %cond3A_419 {
        %dma_wait3A_530 = arith.constant 0 : i32
        %dma_wait3A_531 = tpu.memref_slice %arg4[%dma_wait3A_530] : memref<100663296xf32, #tpu.memory_space<hbm>> -> memref<32768xf32, #tpu.memory_space<hbm>>
        %dma_wait3A_532 = arith.constant 0 : i32
        %dma_wait3A_533 = tpu.memref_slice %arg4[%dma_wait3A_532] : memref<100663296xf32, #tpu.memory_space<hbm>> -> memref<32768xf32, #tpu.memory_space<hbm>>
        tpu.wait_dma2 semaphore(%arg17 : memref<!tpu.dma_semaphore, #tpu.memory_space<semaphore_mem>>) src(%arg6 : memref<32768xf32, #tpu.memory_space<vmem>>) dst(%dma_wait3A_533 : memref<32768xf32, #tpu.memory_space<hbm>>)
      } else {
      }
      %broadcast_in_dim3A_420 = arith.constant 0.000000e+00 : f32
      %broadcast_in_dim3A_421 = vector.broadcast %broadcast_in_dim3A_420 : f32 to vector<16xf32>
      %scan3A_422 = arith.constant 0 : i32
      %scan3A_423 = arith.constant 0 : i32
      %scan3A_424 = arith.constant 256 : i32
      %scan3A_425 = arith.addi %scan3A_423, %scan3A_424 : i32
      %scan3A_426 = arith.constant 1 : i32
      %scan3A_427 = scf.for %scan3A_530 = %scan3A_423 to %scan3A_425 step %scan3A_426 iter_args(%scan3A_531 = %scan3A_422) -> (i32)  : i32 {
        %mul3A_532 = arith.constant 128 : i32
        %mul3A_533 = arith.muli %scan3A_530, %mul3A_532 : i32
        %add3A_534 = arith.constant 0 : i32
        %add3A_535 = arith.addi %mul3A_533, %add3A_534 : i32
        %swap3A_536 = arith.index_cast %add3A_535 : i32 to index
        %swap3A_537 = tpu.vector_load %arg6[%swap3A_536] {strides = array<i32>} : memref<32768xf32, #tpu.memory_space<vmem>>, vector<16xf32>,
        tpu.vector_store %arg6[%swap3A_536], %broadcast_in_dim3A_421 {strides = array<i32>} : memref<32768xf32, #tpu.memory_space<vmem>>, vector<16xf32>,
        %mul3A_538 = arith.constant 128 : i32
        %mul3A_539 = arith.muli %scan3A_530, %mul3A_538 : i32
        %add3A_540 = arith.constant 16 : i32
        %add3A_541 = arith.addi %mul3A_539, %add3A_540 : i32
        %swap3A_542 = arith.index_cast %add3A_541 : i32 to index
        %swap3A_543 = tpu.vector_load %arg6[%swap3A_542] {strides = array<i32>} : memref<32768xf32, #tpu.memory_space<vmem>>, vector<16xf32>,
        tpu.vector_store %arg6[%swap3A_542], %broadcast_in_dim3A_421 {strides = array<i32>} : memref<32768xf32, #tpu.memory_space<vmem>>, vector<16xf32>,
        %mul3A_544 = arith.constant 128 : i32
        %mul3A_545 = arith.muli %scan3A_530, %mul3A_544 : i32
        %add3A_546 = arith.constant 32 : i32
        %add3A_547 = arith.addi %mul3A_545, %add3A_546 : i32
        %swap3A_548 = arith.index_cast %add3A_547 : i32 to index
        %swap3A_549 = tpu.vector_load %arg6[%swap3A_548] {strides = array<i32>} : memref<32768xf32, #tpu.memory_space<vmem>>, vector<16xf32>,
        tpu.vector_store %arg6[%swap3A_548], %broadcast_in_dim3A_421 {strides = array<i32>} : memref<32768xf32, #tpu.memory_space<vmem>>, vector<16xf32>,
        %mul3A_550 = arith.constant 128 : i32
        %mul3A_551 = arith.muli %scan3A_530, %mul3A_550 : i32
        %add3A_552 = arith.constant 48 : i32
        %add3A_553 = arith.addi %mul3A_551, %add3A_552 : i32
        %swap3A_554 = arith.index_cast %add3A_553 : i32 to index
        %swap3A_555 = tpu.vector_load %arg6[%swap3A_554] {strides = array<i32>} : memref<32768xf32, #tpu.memory_space<vmem>>, vector<16xf32>,
        tpu.vector_store %arg6[%swap3A_554], %broadcast_in_dim3A_421 {strides = array<i32>} : memref<32768xf32, #tpu.memory_space<vmem>>, vector<16xf32>,
        %mul3A_556 = arith.constant 128 : i32
        %mul3A_557 = arith.muli %scan3A_530, %mul3A_556 : i32
        %add3A_558 = arith.constant 64 : i32
        %add3A_559 = arith.addi %mul3A_557, %add3A_558 : i32
        %swap3A_560 = arith.index_cast %add3A_559 : i32 to index
        %swap3A_561 = tpu.vector_load %arg6[%swap3A_560] {strides = array<i32>} : memref<32768xf32, #tpu.memory_space<vmem>>, vector<16xf32>,
        tpu.vector_store %arg6[%swap3A_560], %broadcast_in_dim3A_421 {strides = array<i32>} : memref<32768xf32, #tpu.memory_space<vmem>>, vector<16xf32>,
        %mul3A_562 = arith.constant 128 : i32
        %mul3A_563 = arith.muli %scan3A_530, %mul3A_562 : i32
        %add3A_564 = arith.constant 80 : i32
        %add3A_565 = arith.addi %mul3A_563, %add3A_564 : i32
        %swap3A_566 = arith.index_cast %add3A_565 : i32 to index
        %swap3A_567 = tpu.vector_load %arg6[%swap3A_566] {strides = array<i32>} : memref<32768xf32, #tpu.memory_space<vmem>>, vector<16xf32>,
        tpu.vector_store %arg6[%swap3A_566], %broadcast_in_dim3A_421 {strides = array<i32>} : memref<32768xf32, #tpu.memory_space<vmem>>, vector<16xf32>,
        %mul3A_568 = arith.constant 128 : i32
        %mul3A_569 = arith.muli %scan3A_530, %mul3A_568 : i32
        %add3A_570 = arith.constant 96 : i32
        %add3A_571 = arith.addi %mul3A_569, %add3A_570 : i32
        %swap3A_572 = arith.index_cast %add3A_571 : i32 to index
        %swap3A_573 = tpu.vector_load %arg6[%swap3A_572] {strides = array<i32>} : memref<32768xf32, #tpu.memory_space<vmem>>, vector<16xf32>,
        tpu.vector_store %arg6[%swap3A_572], %broadcast_in_dim3A_421 {strides = array<i32>} : memref<32768xf32, #tpu.memory_space<vmem>>, vector<16xf32>,
        %mul3A_574 = arith.constant 128 : i32
        %mul3A_575 = arith.muli %scan3A_530, %mul3A_574 : i32
        %add3A_576 = arith.constant 112 : i32
        %add3A_577 = arith.addi %mul3A_575, %add3A_576 : i32
        %swap3A_578 = arith.index_cast %add3A_577 : i32 to index
        %swap3A_579 = tpu.vector_load %arg6[%swap3A_578] {strides = array<i32>} : memref<32768xf32, #tpu.memory_space<vmem>>, vector<16xf32>,
        tpu.vector_store %arg6[%swap3A_578], %broadcast_in_dim3A_421 {strides = array<i32>} : memref<32768xf32, #tpu.memory_space<vmem>>, vector<16xf32>,
        %scan3A_580 = arith.constant 0 : i32
        scf.yield %scan3A_580 : i32
      }
      %scan3A_428 = arith.constant 256 : i32
      %jit3A_429 = arith.constant 8 : i32
      %div3A_430 = arith.divsi %reduce_max3A_369, %jit3A_429 : i32
      %sign3A_431 = arith.constant 0 : i32
      %sign3A_432 = arith.cmpi sgt, %reduce_max3A_369, %sign3A_431 : i32
      %sign3A_433 = arith.extui %sign3A_432 : i1 to i32
      %sign3A_434 = arith.constant 0 : i32
      %sign3A_435 = arith.cmpi slt, %reduce_max3A_369, %sign3A_434 : i32
      %sign3A_436 = arith.extui %sign3A_435 : i1 to i32
      %sign3A_437 = arith.subi %sign3A_433, %sign3A_436 : i32
      %sign3A_438 = arith.constant 0 : i32
      %sign3A_439 = arith.cmpi sgt, %jit3A_429, %sign3A_438 : i32
      %sign3A_440 = arith.extui %sign3A_439 : i1 to i32
      %sign3A_441 = arith.constant 0 : i32
      %sign3A_442 = arith.cmpi slt, %jit3A_429, %sign3A_441 : i32
      %sign3A_443 = arith.extui %sign3A_442 : i1 to i32
      %sign3A_444 = arith.subi %sign3A_440, %sign3A_443 : i32
      %ne3A_445 = arith.cmpi ne, %sign3A_437, %sign3A_444 : i32
      %rem3A_446 = arith.remsi %reduce_max3A_369, %jit3A_429 : i32
      %ne3A_447 = arith.constant 0 : i32
      %ne3A_448 = arith.cmpi ne, %rem3A_446, %ne3A_447 : i32
      %and3A_449 = arith.andi %ne3A_445, %ne3A_448 : i1
      %sub3A_450 = arith.constant 1 : i32
      %sub3A_451 = arith.subi %div3A_430, %sub3A_450 : i32
      %select_n3A_452 = arith.select %and3A_449, %sub3A_451, %div3A_430 : i32
      %mul3A_453 = arith.constant 8 : i32
      %mul3A_454 = arith.muli %select_n3A_452, %mul3A_453 : i32
      %sub3A_455 = arith.subi %reduce_max3A_416, %mul3A_454 : i32
      %add3A_456 = arith.constant 2048 : i32
      %add3A_457 = arith.addi %sub3A_455, %add3A_456 : i32
      %sub3A_458 = arith.constant 1 : i32
      %sub3A_459 = arith.subi %add3A_457, %sub3A_458 : i32
      %jit3A_460 = arith.constant 2048 : i32
      %div3A_461 = arith.divsi %sub3A_459, %jit3A_460 : i32
      %sign3A_462 = arith.constant 0 : i32
      %sign3A_463 = arith.cmpi sgt, %sub3A_459, %sign3A_462 : i32
      %sign3A_464 = arith.extui %sign3A_463 : i1 to i32
      %sign3A_465 = arith.constant 0 : i32
      %sign3A_466 = arith.cmpi slt, %sub3A_459, %sign3A_465 : i32
      %sign3A_467 = arith.extui %sign3A_466 : i1 to i32
      %sign3A_468 = arith.subi %sign3A_464, %sign3A_467 : i32
      %sign3A_469 = arith.constant 0 : i32
      %sign3A_470 = arith.cmpi sgt, %jit3A_460, %sign3A_469 : i32
      %sign3A_471 = arith.extui %sign3A_470 : i1 to i32
      %sign3A_472 = arith.constant 0 : i32
      %sign3A_473 = arith.cmpi slt, %jit3A_460, %sign3A_472 : i32
      %sign3A_474 = arith.extui %sign3A_473 : i1 to i32
      %sign3A_475 = arith.subi %sign3A_471, %sign3A_474 : i32
      %ne3A_476 = arith.cmpi ne, %sign3A_468, %sign3A_475 : i32
      %rem3A_477 = arith.remsi %sub3A_459, %jit3A_460 : i32
      %ne3A_478 = arith.constant 0 : i32
      %ne3A_479 = arith.cmpi ne, %rem3A_477, %ne3A_478 : i32
      %and3A_480 = arith.andi %ne3A_476, %ne3A_479 : i1
      %sub3A_481 = arith.constant 1 : i32
      %sub3A_482 = arith.subi %div3A_461, %sub3A_481 : i32
      %select_n3A_483 = arith.select %and3A_480, %sub3A_482, %div3A_461 : i32
      %add3A_484 = arith.constant 1 : i32
      %add3A_485 = arith.addi %select_n3A_483, %add3A_484 : i32
      %jit3A_486 = arith.constant 2 : i32
      %div3A_487 = arith.divsi %add3A_485, %jit3A_486 : i32
      %sign3A_488 = arith.constant 0 : i32
      %sign3A_489 = arith.cmpi sgt, %add3A_485, %sign3A_488 : i32
      %sign3A_490 = arith.extui %sign3A_489 : i1 to i32
      %sign3A_491 = arith.constant 0 : i32
      %sign3A_492 = arith.cmpi slt, %add3A_485, %sign3A_491 : i32
      %sign3A_493 = arith.extui %sign3A_492 : i1 to i32
      %sign3A_494 = arith.subi %sign3A_490, %sign3A_493 : i32
      %sign3A_495 = arith.constant 0 : i32
      %sign3A_496 = arith.cmpi sgt, %jit3A_486, %sign3A_495 : i32
      %sign3A_497 = arith.extui %sign3A_496 : i1 to i32
      %sign3A_498 = arith.constant 0 : i32
      %sign3A_499 = arith.cmpi slt, %jit3A_486, %sign3A_498 : i32
      %sign3A_500 = arith.extui %sign3A_499 : i1 to i32
      %sign3A_501 = arith.subi %sign3A_497, %sign3A_500 : i32
      %ne3A_502 = arith.cmpi ne, %sign3A_494, %sign3A_501 : i32
      %rem3A_503 = arith.remsi %add3A_485, %jit3A_486 : i32
      %ne3A_504 = arith.constant 0 : i32
      %ne3A_505 = arith.cmpi ne, %rem3A_503, %ne3A_504 : i32
      %and3A_506 = arith.andi %ne3A_502, %ne3A_505 : i1
      %sub3A_507 = arith.constant 1 : i32
      %sub3A_508 = arith.subi %div3A_487, %sub3A_507 : i32
      %select_n3A_509 = arith.select %and3A_506, %sub3A_508, %div3A_487 : i32
      %gt3A_510 = arith.constant 0 : i32
      %gt3A_511 = arith.cmpi sgt, %select_n3A_483, %gt3A_510 : i32
      %convert_element_type3A_512 = arith.extui %gt3A_511 : i1 to i32
      %cond3A_513 = arith.constant 0 : i32
      %cond3A_514 = arith.cmpi ne, %convert_element_type3A_512, %cond3A_513 : i32
      scf.if %cond3A_514 {
        %add3A_530 = arith.constant 0 : i32
        %add3A_531 = arith.addi %mul3A_454, %add3A_530 : i32
        %min3A_532 = arith.constant 25163776 : i32
        %min3A_533 = arith.minsi %add3A_531, %min3A_532 : i32
        %dma_start3A_534 = tpu.memref_slice %arg2[%min3A_533] : memref<25165824xi32, #tpu.memory_space<hbm>> -> memref<2048xi32, #tpu.memory_space<hbm>>
        %dma_start3A_535 = tpu.memref_slice %arg2[%min3A_533] : memref<25165824xi32, #tpu.memory_space<hbm>> -> memref<2048xi32, #tpu.memory_space<hbm>>
        tpu.enqueue_dma source(%dma_start3A_535 : memref<2048xi32, #tpu.memory_space<hbm>>) target(%arg7 : memref<2048xi32, #tpu.memory_space<vmem>>) target_semaphore(%arg14 : memref<!tpu.dma_semaphore, #tpu.memory_space<semaphore_mem>>)
        %add3A_536 = arith.constant 0 : i32
        %add3A_537 = arith.addi %mul3A_454, %add3A_536 : i32
        %min3A_538 = arith.constant 25163776 : i32
        %min3A_539 = arith.minsi %add3A_537, %min3A_538 : i32
        %dma_start3A_540 = tpu.memref_slice %arg3[%min3A_539] : memref<25165824xf32, #tpu.memory_space<hbm>> -> memref<2048xf32, #tpu.memory_space<hbm>>
        %dma_start3A_541 = tpu.memref_slice %arg3[%min3A_539] : memref<25165824xf32, #tpu.memory_space<hbm>> -> memref<2048xf32, #tpu.memory_space<hbm>>
        tpu.enqueue_dma source(%dma_start3A_541 : memref<2048xf32, #tpu.memory_space<hbm>>) target(%arg9 : memref<2048xf32, #tpu.memory_space<vmem>>) target_semaphore(%arg14 : memref<!tpu.dma_semaphore, #tpu.memory_space<semaphore_mem>>)
      } else {
      }
      %while3A_515 = arith.constant 0 : i32
      %while3A_516 = arith.constant 0 : i32
      %while3A_517 = arith.subi %select_n3A_509, %while3A_515 : i32
      %while3A_518 = arith.addi %while3A_515, %while3A_517 : i32
      %while3A_519 = arith.constant 1 : i32
      %while3A_520 = arith.divsi %while3A_517, %while3A_519 : i32
      %while3A_521 = arith.muli %while3A_520, %while3A_519 : i32
      %while3A_522 = arith.addi %while3A_515, %while3A_521 : i32
      %while3A_523 = arith.constant 1 : i32
      %while3A_524 = scf.for %while3A_530 = %while3A_515 to %while3A_522 step %while3A_523 iter_args(%while3A_531 = %while3A_516) -> (i32)  : i32 {
        %mul3A_532 = arith.constant 2 : i32
        %mul3A_533 = arith.muli %mul3A_532, %while3A_530 : i32
        %add3A_534 = arith.constant 1 : i32
        %add3A_535 = arith.addi %mul3A_533, %add3A_534 : i32
        %lt3A = arith.cmpi slt, %add3A_535, %select_n3A_483 : i32
        %convert_element_type3A_536 = arith.extui %lt3A : i1 to i32
        %cond3A_537 = arith.constant 0 : i32
        %cond3A_538 = arith.cmpi ne, %convert_element_type3A_536, %cond3A_537 : i32
        scf.if %cond3A_538 {
          %mul3A_567 = arith.constant 2048 : i32
          %mul3A_568 = arith.muli %add3A_535, %mul3A_567 : i32
          %add3A_569 = arith.addi %mul3A_454, %mul3A_568 : i32
          %min3A_570 = arith.constant 25163776 : i32
          %min3A_571 = arith.minsi %add3A_569, %min3A_570 : i32
          %dma_start3A_572 = tpu.memref_slice %arg2[%min3A_571] : memref<25165824xi32, #tpu.memory_space<hbm>> -> memref<2048xi32, #tpu.memory_space<hbm>>
          %dma_start3A_573 = tpu.memref_slice %arg2[%min3A_571] : memref<25165824xi32, #tpu.memory_space<hbm>> -> memref<2048xi32, #tpu.memory_space<hbm>>
          tpu.enqueue_dma source(%dma_start3A_573 : memref<2048xi32, #tpu.memory_space<hbm>>) target(%arg8 : memref<2048xi32, #tpu.memory_space<vmem>>) target_semaphore(%arg15 : memref<!tpu.dma_semaphore, #tpu.memory_space<semaphore_mem>>)
          %mul3A_574 = arith.constant 2048 : i32
          %mul3A_575 = arith.muli %add3A_535, %mul3A_574 : i32
          %add3A_576 = arith.addi %mul3A_454, %mul3A_575 : i32
          %min3A_577 = arith.constant 25163776 : i32
          %min3A_578 = arith.minsi %add3A_576, %min3A_577 : i32
          %dma_start3A_579 = tpu.memref_slice %arg3[%min3A_578] : memref<25165824xf32, #tpu.memory_space<hbm>> -> memref<2048xf32, #tpu.memory_space<hbm>>
          %dma_start3A_580 = tpu.memref_slice %arg3[%min3A_578] : memref<25165824xf32, #tpu.memory_space<hbm>> -> memref<2048xf32, #tpu.memory_space<hbm>>
          tpu.enqueue_dma source(%dma_start3A_580 : memref<2048xf32, #tpu.memory_space<hbm>>) target(%arg10 : memref<2048xf32, #tpu.memory_space<vmem>>) target_semaphore(%arg15 : memref<!tpu.dma_semaphore, #tpu.memory_space<semaphore_mem>>)
        } else {
        }
        %dma_wait3A_539 = arith.constant 0 : i32
        %dma_wait3A_540 = tpu.memref_slice %arg2[%dma_wait3A_539] : memref<25165824xi32, #tpu.memory_space<hbm>> -> memref<2048xi32, #tpu.memory_space<hbm>>
        %dma_wait3A_541 = arith.constant 0 : i32
        %dma_wait3A_542 = tpu.memref_slice %arg2[%dma_wait3A_541] : memref<25165824xi32, #tpu.memory_space<hbm>> -> memref<2048xi32, #tpu.memory_space<hbm>>
        tpu.wait_dma2 semaphore(%arg14 : memref<!tpu.dma_semaphore, #tpu.memory_space<semaphore_mem>>) src(%dma_wait3A_542 : memref<2048xi32, #tpu.memory_space<hbm>>) dst(%arg7 : memref<2048xi32, #tpu.memory_space<vmem>>)
        %dma_wait3A_543 = arith.constant 0 : i32
        %dma_wait3A_544 = tpu.memref_slice %arg3[%dma_wait3A_543] : memref<25165824xf32, #tpu.memory_space<hbm>> -> memref<2048xf32, #tpu.memory_space<hbm>>
        %dma_wait3A_545 = arith.constant 0 : i32
        %dma_wait3A_546 = tpu.memref_slice %arg3[%dma_wait3A_545] : memref<25165824xf32, #tpu.memory_space<hbm>> -> memref<2048xf32, #tpu.memory_space<hbm>>
        tpu.wait_dma2 semaphore(%arg14 : memref<!tpu.dma_semaphore, #tpu.memory_space<semaphore_mem>>) src(%dma_wait3A_546 : memref<2048xf32, #tpu.memory_space<hbm>>) dst(%arg9 : memref<2048xf32, #tpu.memory_space<vmem>>)
        %scan3A_547 = arith.constant 0 : i32
        %scan3A_548 = arith.constant 0 : i32
        %scan3A_549 = arith.constant 16 : i32
        %scan3A_550 = arith.addi %scan3A_548, %scan3A_549 : i32
        %scan3A_551 = arith.constant 1 : i32
        %scan3A_552 = scf.for %scan3A_567 = %scan3A_548 to %scan3A_550 step %scan3A_551 iter_args(%scan3A_568 = %scan3A_547) -> (i32)  : i32 {
          %mul3A_569 = arith.constant 128 : i32
          %mul3A_570 = arith.muli %scan3A_567, %mul3A_569 : i32
          %add3A_571 = arith.constant 0 : i32
          %add3A_572 = arith.addi %mul3A_570, %add3A_571 : i32
          %get3A_573 = arith.index_cast %add3A_572 : i32 to index
          %get3A_574 = tpu.vector_load %arg7[%get3A_573] {strides = array<i32>} : memref<2048xi32, #tpu.memory_space<vmem>>, vector<16xi32>,
          %mul3A_575 = arith.constant 128 : i32
          %mul3A_576 = arith.muli %scan3A_567, %mul3A_575 : i32
          %add3A_577 = arith.constant 0 : i32
          %add3A_578 = arith.addi %mul3A_576, %add3A_577 : i32
          %get3A_579 = arith.index_cast %add3A_578 : i32 to index
          %get3A_580 = tpu.vector_load %arg9[%get3A_579] {strides = array<i32>} : memref<2048xf32, #tpu.memory_space<vmem>>, vector<16xf32>,
          %sub3A_581 = vector.broadcast %mul3A_326 : i32 to vector<16xi32>
          %sub3A_582 = arith.subi %get3A_574, %sub3A_581 : vector<16xi32>
          %lt3A_583 = arith.constant 32768 : i32
          %lt3A_584 = vector.broadcast %lt3A_583 : i32 to vector<16xi32>
          %lt3A_585 = arith.cmpi ult, %sub3A_582, %lt3A_584 : vector<16xi32>
          tpu.vector_store_idx %arg6[%sub3A_582], %get3A_580 masked %lt3A_585 : memref<32768xf32, #tpu.memory_space<vmem>>[vector<16xi32>], vector<16xf32>, vector<16xi1>
          %mul3A_586 = arith.constant 128 : i32
          %mul3A_587 = arith.muli %scan3A_567, %mul3A_586 : i32
          %add3A_588 = arith.constant 16 : i32
          %add3A_589 = arith.addi %mul3A_587, %add3A_588 : i32
          %get3A_590 = arith.index_cast %add3A_589 : i32 to index
          %get3A_591 = tpu.vector_load %arg7[%get3A_590] {strides = array<i32>} : memref<2048xi32, #tpu.memory_space<vmem>>, vector<16xi32>,
          %mul3A_592 = arith.constant 128 : i32
          %mul3A_593 = arith.muli %scan3A_567, %mul3A_592 : i32
          %add3A_594 = arith.constant 16 : i32
          %add3A_595 = arith.addi %mul3A_593, %add3A_594 : i32
          %get3A_596 = arith.index_cast %add3A_595 : i32 to index
          %get3A_597 = tpu.vector_load %arg9[%get3A_596] {strides = array<i32>} : memref<2048xf32, #tpu.memory_space<vmem>>, vector<16xf32>,
          %sub3A_598 = vector.broadcast %mul3A_326 : i32 to vector<16xi32>
          %sub3A_599 = arith.subi %get3A_591, %sub3A_598 : vector<16xi32>
          %lt3A_600 = arith.constant 32768 : i32
          %lt3A_601 = vector.broadcast %lt3A_600 : i32 to vector<16xi32>
          %lt3A_602 = arith.cmpi ult, %sub3A_599, %lt3A_601 : vector<16xi32>
          tpu.vector_store_idx %arg6[%sub3A_599], %get3A_597 masked %lt3A_602 : memref<32768xf32, #tpu.memory_space<vmem>>[vector<16xi32>], vector<16xf32>, vector<16xi1>
          %mul3A_603 = arith.constant 128 : i32
          %mul3A_604 = arith.muli %scan3A_567, %mul3A_603 : i32
          %add3A_605 = arith.constant 32 : i32
          %add3A_606 = arith.addi %mul3A_604, %add3A_605 : i32
          %get3A_607 = arith.index_cast %add3A_606 : i32 to index
          %get3A_608 = tpu.vector_load %arg7[%get3A_607] {strides = array<i32>} : memref<2048xi32, #tpu.memory_space<vmem>>, vector<16xi32>,
          %mul3A_609 = arith.constant 128 : i32
          %mul3A_610 = arith.muli %scan3A_567, %mul3A_609 : i32
          %add3A_611 = arith.constant 32 : i32
          %add3A_612 = arith.addi %mul3A_610, %add3A_611 : i32
          %get3A_613 = arith.index_cast %add3A_612 : i32 to index
          %get3A_614 = tpu.vector_load %arg9[%get3A_613] {strides = array<i32>} : memref<2048xf32, #tpu.memory_space<vmem>>, vector<16xf32>,
          %sub3A_615 = vector.broadcast %mul3A_326 : i32 to vector<16xi32>
          %sub3A_616 = arith.subi %get3A_608, %sub3A_615 : vector<16xi32>
          %lt3A_617 = arith.constant 32768 : i32
          %lt3A_618 = vector.broadcast %lt3A_617 : i32 to vector<16xi32>
          %lt3A_619 = arith.cmpi ult, %sub3A_616, %lt3A_618 : vector<16xi32>
          tpu.vector_store_idx %arg6[%sub3A_616], %get3A_614 masked %lt3A_619 : memref<32768xf32, #tpu.memory_space<vmem>>[vector<16xi32>], vector<16xf32>, vector<16xi1>
          %mul3A_620 = arith.constant 128 : i32
          %mul3A_621 = arith.muli %scan3A_567, %mul3A_620 : i32
          %add3A_622 = arith.constant 48 : i32
          %add3A_623 = arith.addi %mul3A_621, %add3A_622 : i32
          %get3A_624 = arith.index_cast %add3A_623 : i32 to index
          %get3A_625 = tpu.vector_load %arg7[%get3A_624] {strides = array<i32>} : memref<2048xi32, #tpu.memory_space<vmem>>, vector<16xi32>,
          %mul3A_626 = arith.constant 128 : i32
          %mul3A_627 = arith.muli %scan3A_567, %mul3A_626 : i32
          %add3A_628 = arith.constant 48 : i32
          %add3A_629 = arith.addi %mul3A_627, %add3A_628 : i32
          %get3A_630 = arith.index_cast %add3A_629 : i32 to index
          %get3A_631 = tpu.vector_load %arg9[%get3A_630] {strides = array<i32>} : memref<2048xf32, #tpu.memory_space<vmem>>, vector<16xf32>,
          %sub3A_632 = vector.broadcast %mul3A_326 : i32 to vector<16xi32>
          %sub3A_633 = arith.subi %get3A_625, %sub3A_632 : vector<16xi32>
          %lt3A_634 = arith.constant 32768 : i32
          %lt3A_635 = vector.broadcast %lt3A_634 : i32 to vector<16xi32>
          %lt3A_636 = arith.cmpi ult, %sub3A_633, %lt3A_635 : vector<16xi32>
          tpu.vector_store_idx %arg6[%sub3A_633], %get3A_631 masked %lt3A_636 : memref<32768xf32, #tpu.memory_space<vmem>>[vector<16xi32>], vector<16xf32>, vector<16xi1>
          %mul3A_637 = arith.constant 128 : i32
          %mul3A_638 = arith.muli %scan3A_567, %mul3A_637 : i32
          %add3A_639 = arith.constant 64 : i32
          %add3A_640 = arith.addi %mul3A_638, %add3A_639 : i32
          %get3A_641 = arith.index_cast %add3A_640 : i32 to index
          %get3A_642 = tpu.vector_load %arg7[%get3A_641] {strides = array<i32>} : memref<2048xi32, #tpu.memory_space<vmem>>, vector<16xi32>,
          %mul3A_643 = arith.constant 128 : i32
          %mul3A_644 = arith.muli %scan3A_567, %mul3A_643 : i32
          %add3A_645 = arith.constant 64 : i32
          %add3A_646 = arith.addi %mul3A_644, %add3A_645 : i32
          %get3A_647 = arith.index_cast %add3A_646 : i32 to index
          %get3A_648 = tpu.vector_load %arg9[%get3A_647] {strides = array<i32>} : memref<2048xf32, #tpu.memory_space<vmem>>, vector<16xf32>,
          %sub3A_649 = vector.broadcast %mul3A_326 : i32 to vector<16xi32>
          %sub3A_650 = arith.subi %get3A_642, %sub3A_649 : vector<16xi32>
          %lt3A_651 = arith.constant 32768 : i32
          %lt3A_652 = vector.broadcast %lt3A_651 : i32 to vector<16xi32>
          %lt3A_653 = arith.cmpi ult, %sub3A_650, %lt3A_652 : vector<16xi32>
          tpu.vector_store_idx %arg6[%sub3A_650], %get3A_648 masked %lt3A_653 : memref<32768xf32, #tpu.memory_space<vmem>>[vector<16xi32>], vector<16xf32>, vector<16xi1>
          %mul3A_654 = arith.constant 128 : i32
          %mul3A_655 = arith.muli %scan3A_567, %mul3A_654 : i32
          %add3A_656 = arith.constant 80 : i32
          %add3A_657 = arith.addi %mul3A_655, %add3A_656 : i32
          %get3A_658 = arith.index_cast %add3A_657 : i32 to index
          %get3A_659 = tpu.vector_load %arg7[%get3A_658] {strides = array<i32>} : memref<2048xi32, #tpu.memory_space<vmem>>, vector<16xi32>,
          %mul3A_660 = arith.constant 128 : i32
          %mul3A_661 = arith.muli %scan3A_567, %mul3A_660 : i32
          %add3A_662 = arith.constant 80 : i32
          %add3A_663 = arith.addi %mul3A_661, %add3A_662 : i32
          %get3A_664 = arith.index_cast %add3A_663 : i32 to index
          %get3A_665 = tpu.vector_load %arg9[%get3A_664] {strides = array<i32>} : memref<2048xf32, #tpu.memory_space<vmem>>, vector<16xf32>,
          %sub3A_666 = vector.broadcast %mul3A_326 : i32 to vector<16xi32>
          %sub3A_667 = arith.subi %get3A_659, %sub3A_666 : vector<16xi32>
          %lt3A_668 = arith.constant 32768 : i32
          %lt3A_669 = vector.broadcast %lt3A_668 : i32 to vector<16xi32>
          %lt3A_670 = arith.cmpi ult, %sub3A_667, %lt3A_669 : vector<16xi32>
          tpu.vector_store_idx %arg6[%sub3A_667], %get3A_665 masked %lt3A_670 : memref<32768xf32, #tpu.memory_space<vmem>>[vector<16xi32>], vector<16xf32>, vector<16xi1>
          %mul3A_671 = arith.constant 128 : i32
          %mul3A_672 = arith.muli %scan3A_567, %mul3A_671 : i32
          %add3A_673 = arith.constant 96 : i32
          %add3A_674 = arith.addi %mul3A_672, %add3A_673 : i32
          %get3A_675 = arith.index_cast %add3A_674 : i32 to index
          %get3A_676 = tpu.vector_load %arg7[%get3A_675] {strides = array<i32>} : memref<2048xi32, #tpu.memory_space<vmem>>, vector<16xi32>,
          %mul3A_677 = arith.constant 128 : i32
          %mul3A_678 = arith.muli %scan3A_567, %mul3A_677 : i32
          %add3A_679 = arith.constant 96 : i32
          %add3A_680 = arith.addi %mul3A_678, %add3A_679 : i32
          %get3A_681 = arith.index_cast %add3A_680 : i32 to index
          %get3A_682 = tpu.vector_load %arg9[%get3A_681] {strides = array<i32>} : memref<2048xf32, #tpu.memory_space<vmem>>, vector<16xf32>,
          %sub3A_683 = vector.broadcast %mul3A_326 : i32 to vector<16xi32>
          %sub3A_684 = arith.subi %get3A_676, %sub3A_683 : vector<16xi32>
          %lt3A_685 = arith.constant 32768 : i32
          %lt3A_686 = vector.broadcast %lt3A_685 : i32 to vector<16xi32>
          %lt3A_687 = arith.cmpi ult, %sub3A_684, %lt3A_686 : vector<16xi32>
          tpu.vector_store_idx %arg6[%sub3A_684], %get3A_682 masked %lt3A_687 : memref<32768xf32, #tpu.memory_space<vmem>>[vector<16xi32>], vector<16xf32>, vector<16xi1>
          %mul3A_688 = arith.constant 128 : i32
          %mul3A_689 = arith.muli %scan3A_567, %mul3A_688 : i32
          %add3A_690 = arith.constant 112 : i32
          %add3A_691 = arith.addi %mul3A_689, %add3A_690 : i32
          %get3A_692 = arith.index_cast %add3A_691 : i32 to index
          %get3A_693 = tpu.vector_load %arg7[%get3A_692] {strides = array<i32>} : memref<2048xi32, #tpu.memory_space<vmem>>, vector<16xi32>,
          %mul3A_694 = arith.constant 128 : i32
          %mul3A_695 = arith.muli %scan3A_567, %mul3A_694 : i32
          %add3A_696 = arith.constant 112 : i32
          %add3A_697 = arith.addi %mul3A_695, %add3A_696 : i32
          %get3A_698 = arith.index_cast %add3A_697 : i32 to index
          %get3A_699 = tpu.vector_load %arg9[%get3A_698] {strides = array<i32>} : memref<2048xf32, #tpu.memory_space<vmem>>, vector<16xf32>,
          %sub3A_700 = vector.broadcast %mul3A_326 : i32 to vector<16xi32>
          %sub3A_701 = arith.subi %get3A_693, %sub3A_700 : vector<16xi32>
          %lt3A_702 = arith.constant 32768 : i32
          %lt3A_703 = vector.broadcast %lt3A_702 : i32 to vector<16xi32>
          %lt3A_704 = arith.cmpi ult, %sub3A_701, %lt3A_703 : vector<16xi32>
          tpu.vector_store_idx %arg6[%sub3A_701], %get3A_699 masked %lt3A_704 : memref<32768xf32, #tpu.memory_space<vmem>>[vector<16xi32>], vector<16xf32>, vector<16xi1>
          %scan3A_705 = arith.constant 0 : i32
          scf.yield %scan3A_705 : i32
        }
        %scan3A_553 = arith.constant 16 : i32
        %mul3A_554 = arith.constant 2 : i32
        %mul3A_555 = arith.muli %mul3A_554, %while3A_530 : i32
        %add3A_556 = arith.constant 2 : i32
        %add3A_557 = arith.addi %mul3A_555, %add3A_556 : i32
        %lt3A_558 = arith.cmpi slt, %add3A_557, %select_n3A_483 : i32
        %convert_element_type3A_559 = arith.extui %lt3A_558 : i1 to i32
        %cond3A_560 = arith.constant 0 : i32
        %cond3A_561 = arith.cmpi ne, %convert_element_type3A_559, %cond3A_560 : i32
        scf.if %cond3A_561 {
          %mul3A_567 = arith.constant 2 : i32
          %mul3A_568 = arith.muli %mul3A_567, %while3A_530 : i32
          %add3A_569 = arith.constant 2 : i32
          %add3A_570 = arith.addi %mul3A_568, %add3A_569 : i32
          %mul3A_571 = arith.constant 2048 : i32
          %mul3A_572 = arith.muli %add3A_570, %mul3A_571 : i32
          %add3A_573 = arith.addi %mul3A_454, %mul3A_572 : i32
          %min3A_574 = arith.constant 25163776 : i32
          %min3A_575 = arith.minsi %add3A_573, %min3A_574 : i32
          %dma_start3A_576 = tpu.memref_slice %arg2[%min3A_575] : memref<25165824xi32, #tpu.memory_space<hbm>> -> memref<2048xi32, #tpu.memory_space<hbm>>
          %dma_start3A_577 = tpu.memref_slice %arg2[%min3A_575] : memref<25165824xi32, #tpu.memory_space<hbm>> -> memref<2048xi32, #tpu.memory_space<hbm>>
          tpu.enqueue_dma source(%dma_start3A_577 : memref<2048xi32, #tpu.memory_space<hbm>>) target(%arg7 : memref<2048xi32, #tpu.memory_space<vmem>>) target_semaphore(%arg14 : memref<!tpu.dma_semaphore, #tpu.memory_space<semaphore_mem>>)
          %mul3A_578 = arith.constant 2048 : i32
          %mul3A_579 = arith.muli %add3A_570, %mul3A_578 : i32
          %add3A_580 = arith.addi %mul3A_454, %mul3A_579 : i32
          %min3A_581 = arith.constant 25163776 : i32
          %min3A_582 = arith.minsi %add3A_580, %min3A_581 : i32
          %dma_start3A_583 = tpu.memref_slice %arg3[%min3A_582] : memref<25165824xf32, #tpu.memory_space<hbm>> -> memref<2048xf32, #tpu.memory_space<hbm>>
          %dma_start3A_584 = tpu.memref_slice %arg3[%min3A_582] : memref<25165824xf32, #tpu.memory_space<hbm>> -> memref<2048xf32, #tpu.memory_space<hbm>>
          tpu.enqueue_dma source(%dma_start3A_584 : memref<2048xf32, #tpu.memory_space<hbm>>) target(%arg9 : memref<2048xf32, #tpu.memory_space<vmem>>) target_semaphore(%arg14 : memref<!tpu.dma_semaphore, #tpu.memory_space<semaphore_mem>>)
        } else {
        }
        %lt3A_562 = arith.cmpi slt, %add3A_535, %select_n3A_483 : i32
        %convert_element_type3A_563 = arith.extui %lt3A_562 : i1 to i32
        %cond3A_564 = arith.constant 0 : i32
        %cond3A_565 = arith.cmpi ne, %convert_element_type3A_563, %cond3A_564 : i32
        scf.if %cond3A_565 {
          %dma_wait3A_567 = arith.constant 0 : i32
          %dma_wait3A_568 = tpu.memref_slice %arg2[%dma_wait3A_567] : memref<25165824xi32, #tpu.memory_space<hbm>> -> memref<2048xi32, #tpu.memory_space<hbm>>
          %dma_wait3A_569 = arith.constant 0 : i32
          %dma_wait3A_570 = tpu.memref_slice %arg2[%dma_wait3A_569] : memref<25165824xi32, #tpu.memory_space<hbm>> -> memref<2048xi32, #tpu.memory_space<hbm>>
          tpu.wait_dma2 semaphore(%arg15 : memref<!tpu.dma_semaphore, #tpu.memory_space<semaphore_mem>>) src(%dma_wait3A_570 : memref<2048xi32, #tpu.memory_space<hbm>>) dst(%arg8 : memref<2048xi32, #tpu.memory_space<vmem>>)
          %dma_wait3A_571 = arith.constant 0 : i32
          %dma_wait3A_572 = tpu.memref_slice %arg3[%dma_wait3A_571] : memref<25165824xf32, #tpu.memory_space<hbm>> -> memref<2048xf32, #tpu.memory_space<hbm>>
          %dma_wait3A_573 = arith.constant 0 : i32
          %dma_wait3A_574 = tpu.memref_slice %arg3[%dma_wait3A_573] : memref<25165824xf32, #tpu.memory_space<hbm>> -> memref<2048xf32, #tpu.memory_space<hbm>>
          tpu.wait_dma2 semaphore(%arg15 : memref<!tpu.dma_semaphore, #tpu.memory_space<semaphore_mem>>) src(%dma_wait3A_574 : memref<2048xf32, #tpu.memory_space<hbm>>) dst(%arg10 : memref<2048xf32, #tpu.memory_space<vmem>>)
          %scan3A_575 = arith.constant 0 : i32
          %scan3A_576 = arith.constant 0 : i32
          %scan3A_577 = arith.constant 16 : i32
          %scan3A_578 = arith.addi %scan3A_576, %scan3A_577 : i32
          %scan3A_579 = arith.constant 1 : i32
          %scan3A_580 = scf.for %scan3A_582 = %scan3A_576 to %scan3A_578 step %scan3A_579 iter_args(%scan3A_583 = %scan3A_575) -> (i32)  : i32 {
            %mul3A_584 = arith.constant 128 : i32
            %mul3A_585 = arith.muli %scan3A_582, %mul3A_584 : i32
            %add3A_586 = arith.constant 0 : i32
            %add3A_587 = arith.addi %mul3A_585, %add3A_586 : i32
            %get3A_588 = arith.index_cast %add3A_587 : i32 to index
            %get3A_589 = tpu.vector_load %arg8[%get3A_588] {strides = array<i32>} : memref<2048xi32, #tpu.memory_space<vmem>>, vector<16xi32>,
            %mul3A_590 = arith.constant 128 : i32
            %mul3A_591 = arith.muli %scan3A_582, %mul3A_590 : i32
            %add3A_592 = arith.constant 0 : i32
            %add3A_593 = arith.addi %mul3A_591, %add3A_592 : i32
            %get3A_594 = arith.index_cast %add3A_593 : i32 to index
            %get3A_595 = tpu.vector_load %arg10[%get3A_594] {strides = array<i32>} : memref<2048xf32, #tpu.memory_space<vmem>>, vector<16xf32>,
            %sub3A_596 = vector.broadcast %mul3A_326 : i32 to vector<16xi32>
            %sub3A_597 = arith.subi %get3A_589, %sub3A_596 : vector<16xi32>
            %lt3A_598 = arith.constant 32768 : i32
            %lt3A_599 = vector.broadcast %lt3A_598 : i32 to vector<16xi32>
            %lt3A_600 = arith.cmpi ult, %sub3A_597, %lt3A_599 : vector<16xi32>
            tpu.vector_store_idx %arg6[%sub3A_597], %get3A_595 masked %lt3A_600 : memref<32768xf32, #tpu.memory_space<vmem>>[vector<16xi32>], vector<16xf32>, vector<16xi1>
            %mul3A_601 = arith.constant 128 : i32
            %mul3A_602 = arith.muli %scan3A_582, %mul3A_601 : i32
            %add3A_603 = arith.constant 16 : i32
            %add3A_604 = arith.addi %mul3A_602, %add3A_603 : i32
            %get3A_605 = arith.index_cast %add3A_604 : i32 to index
            %get3A_606 = tpu.vector_load %arg8[%get3A_605] {strides = array<i32>} : memref<2048xi32, #tpu.memory_space<vmem>>, vector<16xi32>,
            %mul3A_607 = arith.constant 128 : i32
            %mul3A_608 = arith.muli %scan3A_582, %mul3A_607 : i32
            %add3A_609 = arith.constant 16 : i32
            %add3A_610 = arith.addi %mul3A_608, %add3A_609 : i32
            %get3A_611 = arith.index_cast %add3A_610 : i32 to index
            %get3A_612 = tpu.vector_load %arg10[%get3A_611] {strides = array<i32>} : memref<2048xf32, #tpu.memory_space<vmem>>, vector<16xf32>,
            %sub3A_613 = vector.broadcast %mul3A_326 : i32 to vector<16xi32>
            %sub3A_614 = arith.subi %get3A_606, %sub3A_613 : vector<16xi32>
            %lt3A_615 = arith.constant 32768 : i32
            %lt3A_616 = vector.broadcast %lt3A_615 : i32 to vector<16xi32>
            %lt3A_617 = arith.cmpi ult, %sub3A_614, %lt3A_616 : vector<16xi32>
            tpu.vector_store_idx %arg6[%sub3A_614], %get3A_612 masked %lt3A_617 : memref<32768xf32, #tpu.memory_space<vmem>>[vector<16xi32>], vector<16xf32>, vector<16xi1>
            %mul3A_618 = arith.constant 128 : i32
            %mul3A_619 = arith.muli %scan3A_582, %mul3A_618 : i32
            %add3A_620 = arith.constant 32 : i32
            %add3A_621 = arith.addi %mul3A_619, %add3A_620 : i32
            %get3A_622 = arith.index_cast %add3A_621 : i32 to index
            %get3A_623 = tpu.vector_load %arg8[%get3A_622] {strides = array<i32>} : memref<2048xi32, #tpu.memory_space<vmem>>, vector<16xi32>,
            %mul3A_624 = arith.constant 128 : i32
            %mul3A_625 = arith.muli %scan3A_582, %mul3A_624 : i32
            %add3A_626 = arith.constant 32 : i32
            %add3A_627 = arith.addi %mul3A_625, %add3A_626 : i32
            %get3A_628 = arith.index_cast %add3A_627 : i32 to index
            %get3A_629 = tpu.vector_load %arg10[%get3A_628] {strides = array<i32>} : memref<2048xf32, #tpu.memory_space<vmem>>, vector<16xf32>,
            %sub3A_630 = vector.broadcast %mul3A_326 : i32 to vector<16xi32>
            %sub3A_631 = arith.subi %get3A_623, %sub3A_630 : vector<16xi32>
            %lt3A_632 = arith.constant 32768 : i32
            %lt3A_633 = vector.broadcast %lt3A_632 : i32 to vector<16xi32>
            %lt3A_634 = arith.cmpi ult, %sub3A_631, %lt3A_633 : vector<16xi32>
            tpu.vector_store_idx %arg6[%sub3A_631], %get3A_629 masked %lt3A_634 : memref<32768xf32, #tpu.memory_space<vmem>>[vector<16xi32>], vector<16xf32>, vector<16xi1>
            %mul3A_635 = arith.constant 128 : i32
            %mul3A_636 = arith.muli %scan3A_582, %mul3A_635 : i32
            %add3A_637 = arith.constant 48 : i32
            %add3A_638 = arith.addi %mul3A_636, %add3A_637 : i32
            %get3A_639 = arith.index_cast %add3A_638 : i32 to index
            %get3A_640 = tpu.vector_load %arg8[%get3A_639] {strides = array<i32>} : memref<2048xi32, #tpu.memory_space<vmem>>, vector<16xi32>,
            %mul3A_641 = arith.constant 128 : i32
            %mul3A_642 = arith.muli %scan3A_582, %mul3A_641 : i32
            %add3A_643 = arith.constant 48 : i32
            %add3A_644 = arith.addi %mul3A_642, %add3A_643 : i32
            %get3A_645 = arith.index_cast %add3A_644 : i32 to index
            %get3A_646 = tpu.vector_load %arg10[%get3A_645] {strides = array<i32>} : memref<2048xf32, #tpu.memory_space<vmem>>, vector<16xf32>,
            %sub3A_647 = vector.broadcast %mul3A_326 : i32 to vector<16xi32>
            %sub3A_648 = arith.subi %get3A_640, %sub3A_647 : vector<16xi32>
            %lt3A_649 = arith.constant 32768 : i32
            %lt3A_650 = vector.broadcast %lt3A_649 : i32 to vector<16xi32>
            %lt3A_651 = arith.cmpi ult, %sub3A_648, %lt3A_650 : vector<16xi32>
            tpu.vector_store_idx %arg6[%sub3A_648], %get3A_646 masked %lt3A_651 : memref<32768xf32, #tpu.memory_space<vmem>>[vector<16xi32>], vector<16xf32>, vector<16xi1>
            %mul3A_652 = arith.constant 128 : i32
            %mul3A_653 = arith.muli %scan3A_582, %mul3A_652 : i32
            %add3A_654 = arith.constant 64 : i32
            %add3A_655 = arith.addi %mul3A_653, %add3A_654 : i32
            %get3A_656 = arith.index_cast %add3A_655 : i32 to index
            %get3A_657 = tpu.vector_load %arg8[%get3A_656] {strides = array<i32>} : memref<2048xi32, #tpu.memory_space<vmem>>, vector<16xi32>,
            %mul3A_658 = arith.constant 128 : i32
            %mul3A_659 = arith.muli %scan3A_582, %mul3A_658 : i32
            %add3A_660 = arith.constant 64 : i32
            %add3A_661 = arith.addi %mul3A_659, %add3A_660 : i32
            %get3A_662 = arith.index_cast %add3A_661 : i32 to index
            %get3A_663 = tpu.vector_load %arg10[%get3A_662] {strides = array<i32>} : memref<2048xf32, #tpu.memory_space<vmem>>, vector<16xf32>,
            %sub3A_664 = vector.broadcast %mul3A_326 : i32 to vector<16xi32>
            %sub3A_665 = arith.subi %get3A_657, %sub3A_664 : vector<16xi32>
            %lt3A_666 = arith.constant 32768 : i32
            %lt3A_667 = vector.broadcast %lt3A_666 : i32 to vector<16xi32>
            %lt3A_668 = arith.cmpi ult, %sub3A_665, %lt3A_667 : vector<16xi32>
            tpu.vector_store_idx %arg6[%sub3A_665], %get3A_663 masked %lt3A_668 : memref<32768xf32, #tpu.memory_space<vmem>>[vector<16xi32>], vector<16xf32>, vector<16xi1>
            %mul3A_669 = arith.constant 128 : i32
            %mul3A_670 = arith.muli %scan3A_582, %mul3A_669 : i32
            %add3A_671 = arith.constant 80 : i32
            %add3A_672 = arith.addi %mul3A_670, %add3A_671 : i32
            %get3A_673 = arith.index_cast %add3A_672 : i32 to index
            %get3A_674 = tpu.vector_load %arg8[%get3A_673] {strides = array<i32>} : memref<2048xi32, #tpu.memory_space<vmem>>, vector<16xi32>,
            %mul3A_675 = arith.constant 128 : i32
            %mul3A_676 = arith.muli %scan3A_582, %mul3A_675 : i32
            %add3A_677 = arith.constant 80 : i32
            %add3A_678 = arith.addi %mul3A_676, %add3A_677 : i32
            %get3A_679 = arith.index_cast %add3A_678 : i32 to index
            %get3A_680 = tpu.vector_load %arg10[%get3A_679] {strides = array<i32>} : memref<2048xf32, #tpu.memory_space<vmem>>, vector<16xf32>,
            %sub3A_681 = vector.broadcast %mul3A_326 : i32 to vector<16xi32>
            %sub3A_682 = arith.subi %get3A_674, %sub3A_681 : vector<16xi32>
            %lt3A_683 = arith.constant 32768 : i32
            %lt3A_684 = vector.broadcast %lt3A_683 : i32 to vector<16xi32>
            %lt3A_685 = arith.cmpi ult, %sub3A_682, %lt3A_684 : vector<16xi32>
            tpu.vector_store_idx %arg6[%sub3A_682], %get3A_680 masked %lt3A_685 : memref<32768xf32, #tpu.memory_space<vmem>>[vector<16xi32>], vector<16xf32>, vector<16xi1>
            %mul3A_686 = arith.constant 128 : i32
            %mul3A_687 = arith.muli %scan3A_582, %mul3A_686 : i32
            %add3A_688 = arith.constant 96 : i32
            %add3A_689 = arith.addi %mul3A_687, %add3A_688 : i32
            %get3A_690 = arith.index_cast %add3A_689 : i32 to index
            %get3A_691 = tpu.vector_load %arg8[%get3A_690] {strides = array<i32>} : memref<2048xi32, #tpu.memory_space<vmem>>, vector<16xi32>,
            %mul3A_692 = arith.constant 128 : i32
            %mul3A_693 = arith.muli %scan3A_582, %mul3A_692 : i32
            %add3A_694 = arith.constant 96 : i32
            %add3A_695 = arith.addi %mul3A_693, %add3A_694 : i32
            %get3A_696 = arith.index_cast %add3A_695 : i32 to index
            %get3A_697 = tpu.vector_load %arg10[%get3A_696] {strides = array<i32>} : memref<2048xf32, #tpu.memory_space<vmem>>, vector<16xf32>,
            %sub3A_698 = vector.broadcast %mul3A_326 : i32 to vector<16xi32>
            %sub3A_699 = arith.subi %get3A_691, %sub3A_698 : vector<16xi32>
            %lt3A_700 = arith.constant 32768 : i32
            %lt3A_701 = vector.broadcast %lt3A_700 : i32 to vector<16xi32>
            %lt3A_702 = arith.cmpi ult, %sub3A_699, %lt3A_701 : vector<16xi32>
            tpu.vector_store_idx %arg6[%sub3A_699], %get3A_697 masked %lt3A_702 : memref<32768xf32, #tpu.memory_space<vmem>>[vector<16xi32>], vector<16xf32>, vector<16xi1>
            %mul3A_703 = arith.constant 128 : i32
            %mul3A_704 = arith.muli %scan3A_582, %mul3A_703 : i32
            %add3A_705 = arith.constant 112 : i32
            %add3A_706 = arith.addi %mul3A_704, %add3A_705 : i32
            %get3A_707 = arith.index_cast %add3A_706 : i32 to index
            %get3A_708 = tpu.vector_load %arg8[%get3A_707] {strides = array<i32>} : memref<2048xi32, #tpu.memory_space<vmem>>, vector<16xi32>,
            %mul3A_709 = arith.constant 128 : i32
            %mul3A_710 = arith.muli %scan3A_582, %mul3A_709 : i32
            %add3A_711 = arith.constant 112 : i32
            %add3A_712 = arith.addi %mul3A_710, %add3A_711 : i32
            %get3A_713 = arith.index_cast %add3A_712 : i32 to index
            %get3A_714 = tpu.vector_load %arg10[%get3A_713] {strides = array<i32>} : memref<2048xf32, #tpu.memory_space<vmem>>, vector<16xf32>,
            %sub3A_715 = vector.broadcast %mul3A_326 : i32 to vector<16xi32>
            %sub3A_716 = arith.subi %get3A_708, %sub3A_715 : vector<16xi32>
            %lt3A_717 = arith.constant 32768 : i32
            %lt3A_718 = vector.broadcast %lt3A_717 : i32 to vector<16xi32>
            %lt3A_719 = arith.cmpi ult, %sub3A_716, %lt3A_718 : vector<16xi32>
            tpu.vector_store_idx %arg6[%sub3A_716], %get3A_714 masked %lt3A_719 : memref<32768xf32, #tpu.memory_space<vmem>>[vector<16xi32>], vector<16xf32>, vector<16xi1>
            %scan3A_720 = arith.constant 0 : i32
            scf.yield %scan3A_720 : i32
          }
          %scan3A_581 = arith.constant 16 : i32
        } else {
        }
        %while3A_566 = arith.constant 0 : i32
        scf.yield %while3A_566 : i32
      }
      %while3A_525 = arith.constant 1 : i32
      %while3A_526 = scf.for %while3A_530 = %while3A_522 to %while3A_518 step %while3A_525 iter_args(%while3A_531 = %while3A_524) -> (i32)  : i32 {
        %mul3A_532 = arith.constant 2 : i32
        %mul3A_533 = arith.muli %mul3A_532, %while3A_530 : i32
        %add3A_534 = arith.constant 1 : i32
        %add3A_535 = arith.addi %mul3A_533, %add3A_534 : i32
        %lt3A = arith.cmpi slt, %add3A_535, %select_n3A_483 : i32
        %convert_element_type3A_536 = arith.extui %lt3A : i1 to i32
        %cond3A_537 = arith.constant 0 : i32
        %cond3A_538 = arith.cmpi ne, %convert_element_type3A_536, %cond3A_537 : i32
        scf.if %cond3A_538 {
          %mul3A_567 = arith.constant 2048 : i32
          %mul3A_568 = arith.muli %add3A_535, %mul3A_567 : i32
          %add3A_569 = arith.addi %mul3A_454, %mul3A_568 : i32
          %min3A_570 = arith.constant 25163776 : i32
          %min3A_571 = arith.minsi %add3A_569, %min3A_570 : i32
          %dma_start3A_572 = tpu.memref_slice %arg2[%min3A_571] : memref<25165824xi32, #tpu.memory_space<hbm>> -> memref<2048xi32, #tpu.memory_space<hbm>>
          %dma_start3A_573 = tpu.memref_slice %arg2[%min3A_571] : memref<25165824xi32, #tpu.memory_space<hbm>> -> memref<2048xi32, #tpu.memory_space<hbm>>
          tpu.enqueue_dma source(%dma_start3A_573 : memref<2048xi32, #tpu.memory_space<hbm>>) target(%arg8 : memref<2048xi32, #tpu.memory_space<vmem>>) target_semaphore(%arg15 : memref<!tpu.dma_semaphore, #tpu.memory_space<semaphore_mem>>)
          %mul3A_574 = arith.constant 2048 : i32
          %mul3A_575 = arith.muli %add3A_535, %mul3A_574 : i32
          %add3A_576 = arith.addi %mul3A_454, %mul3A_575 : i32
          %min3A_577 = arith.constant 25163776 : i32
          %min3A_578 = arith.minsi %add3A_576, %min3A_577 : i32
          %dma_start3A_579 = tpu.memref_slice %arg3[%min3A_578] : memref<25165824xf32, #tpu.memory_space<hbm>> -> memref<2048xf32, #tpu.memory_space<hbm>>
          %dma_start3A_580 = tpu.memref_slice %arg3[%min3A_578] : memref<25165824xf32, #tpu.memory_space<hbm>> -> memref<2048xf32, #tpu.memory_space<hbm>>
          tpu.enqueue_dma source(%dma_start3A_580 : memref<2048xf32, #tpu.memory_space<hbm>>) target(%arg10 : memref<2048xf32, #tpu.memory_space<vmem>>) target_semaphore(%arg15 : memref<!tpu.dma_semaphore, #tpu.memory_space<semaphore_mem>>)
        } else {
        }
        %dma_wait3A_539 = arith.constant 0 : i32
        %dma_wait3A_540 = tpu.memref_slice %arg2[%dma_wait3A_539] : memref<25165824xi32, #tpu.memory_space<hbm>> -> memref<2048xi32, #tpu.memory_space<hbm>>
        %dma_wait3A_541 = arith.constant 0 : i32
        %dma_wait3A_542 = tpu.memref_slice %arg2[%dma_wait3A_541] : memref<25165824xi32, #tpu.memory_space<hbm>> -> memref<2048xi32, #tpu.memory_space<hbm>>
        tpu.wait_dma2 semaphore(%arg14 : memref<!tpu.dma_semaphore, #tpu.memory_space<semaphore_mem>>) src(%dma_wait3A_542 : memref<2048xi32, #tpu.memory_space<hbm>>) dst(%arg7 : memref<2048xi32, #tpu.memory_space<vmem>>)
        %dma_wait3A_543 = arith.constant 0 : i32
        %dma_wait3A_544 = tpu.memref_slice %arg3[%dma_wait3A_543] : memref<25165824xf32, #tpu.memory_space<hbm>> -> memref<2048xf32, #tpu.memory_space<hbm>>
        %dma_wait3A_545 = arith.constant 0 : i32
        %dma_wait3A_546 = tpu.memref_slice %arg3[%dma_wait3A_545] : memref<25165824xf32, #tpu.memory_space<hbm>> -> memref<2048xf32, #tpu.memory_space<hbm>>
        tpu.wait_dma2 semaphore(%arg14 : memref<!tpu.dma_semaphore, #tpu.memory_space<semaphore_mem>>) src(%dma_wait3A_546 : memref<2048xf32, #tpu.memory_space<hbm>>) dst(%arg9 : memref<2048xf32, #tpu.memory_space<vmem>>)
        %scan3A_547 = arith.constant 0 : i32
        %scan3A_548 = arith.constant 0 : i32
        %scan3A_549 = arith.constant 16 : i32
        %scan3A_550 = arith.addi %scan3A_548, %scan3A_549 : i32
        %scan3A_551 = arith.constant 1 : i32
        %scan3A_552 = scf.for %scan3A_567 = %scan3A_548 to %scan3A_550 step %scan3A_551 iter_args(%scan3A_568 = %scan3A_547) -> (i32)  : i32 {
          %mul3A_569 = arith.constant 128 : i32
          %mul3A_570 = arith.muli %scan3A_567, %mul3A_569 : i32
          %add3A_571 = arith.constant 0 : i32
          %add3A_572 = arith.addi %mul3A_570, %add3A_571 : i32
          %get3A_573 = arith.index_cast %add3A_572 : i32 to index
          %get3A_574 = tpu.vector_load %arg7[%get3A_573] {strides = array<i32>} : memref<2048xi32, #tpu.memory_space<vmem>>, vector<16xi32>,
          %mul3A_575 = arith.constant 128 : i32
          %mul3A_576 = arith.muli %scan3A_567, %mul3A_575 : i32
          %add3A_577 = arith.constant 0 : i32
          %add3A_578 = arith.addi %mul3A_576, %add3A_577 : i32
          %get3A_579 = arith.index_cast %add3A_578 : i32 to index
          %get3A_580 = tpu.vector_load %arg9[%get3A_579] {strides = array<i32>} : memref<2048xf32, #tpu.memory_space<vmem>>, vector<16xf32>,
          %sub3A_581 = vector.broadcast %mul3A_326 : i32 to vector<16xi32>
          %sub3A_582 = arith.subi %get3A_574, %sub3A_581 : vector<16xi32>
          %lt3A_583 = arith.constant 32768 : i32
          %lt3A_584 = vector.broadcast %lt3A_583 : i32 to vector<16xi32>
          %lt3A_585 = arith.cmpi ult, %sub3A_582, %lt3A_584 : vector<16xi32>
          tpu.vector_store_idx %arg6[%sub3A_582], %get3A_580 masked %lt3A_585 : memref<32768xf32, #tpu.memory_space<vmem>>[vector<16xi32>], vector<16xf32>, vector<16xi1>
          %mul3A_586 = arith.constant 128 : i32
          %mul3A_587 = arith.muli %scan3A_567, %mul3A_586 : i32
          %add3A_588 = arith.constant 16 : i32
          %add3A_589 = arith.addi %mul3A_587, %add3A_588 : i32
          %get3A_590 = arith.index_cast %add3A_589 : i32 to index
          %get3A_591 = tpu.vector_load %arg7[%get3A_590] {strides = array<i32>} : memref<2048xi32, #tpu.memory_space<vmem>>, vector<16xi32>,
          %mul3A_592 = arith.constant 128 : i32
          %mul3A_593 = arith.muli %scan3A_567, %mul3A_592 : i32
          %add3A_594 = arith.constant 16 : i32
          %add3A_595 = arith.addi %mul3A_593, %add3A_594 : i32
          %get3A_596 = arith.index_cast %add3A_595 : i32 to index
          %get3A_597 = tpu.vector_load %arg9[%get3A_596] {strides = array<i32>} : memref<2048xf32, #tpu.memory_space<vmem>>, vector<16xf32>,
          %sub3A_598 = vector.broadcast %mul3A_326 : i32 to vector<16xi32>
          %sub3A_599 = arith.subi %get3A_591, %sub3A_598 : vector<16xi32>
          %lt3A_600 = arith.constant 32768 : i32
          %lt3A_601 = vector.broadcast %lt3A_600 : i32 to vector<16xi32>
          %lt3A_602 = arith.cmpi ult, %sub3A_599, %lt3A_601 : vector<16xi32>
          tpu.vector_store_idx %arg6[%sub3A_599], %get3A_597 masked %lt3A_602 : memref<32768xf32, #tpu.memory_space<vmem>>[vector<16xi32>], vector<16xf32>, vector<16xi1>
          %mul3A_603 = arith.constant 128 : i32
          %mul3A_604 = arith.muli %scan3A_567, %mul3A_603 : i32
          %add3A_605 = arith.constant 32 : i32
          %add3A_606 = arith.addi %mul3A_604, %add3A_605 : i32
          %get3A_607 = arith.index_cast %add3A_606 : i32 to index
          %get3A_608 = tpu.vector_load %arg7[%get3A_607] {strides = array<i32>} : memref<2048xi32, #tpu.memory_space<vmem>>, vector<16xi32>,
          %mul3A_609 = arith.constant 128 : i32
          %mul3A_610 = arith.muli %scan3A_567, %mul3A_609 : i32
          %add3A_611 = arith.constant 32 : i32
          %add3A_612 = arith.addi %mul3A_610, %add3A_611 : i32
          %get3A_613 = arith.index_cast %add3A_612 : i32 to index
          %get3A_614 = tpu.vector_load %arg9[%get3A_613] {strides = array<i32>} : memref<2048xf32, #tpu.memory_space<vmem>>, vector<16xf32>,
          %sub3A_615 = vector.broadcast %mul3A_326 : i32 to vector<16xi32>
          %sub3A_616 = arith.subi %get3A_608, %sub3A_615 : vector<16xi32>
          %lt3A_617 = arith.constant 32768 : i32
          %lt3A_618 = vector.broadcast %lt3A_617 : i32 to vector<16xi32>
          %lt3A_619 = arith.cmpi ult, %sub3A_616, %lt3A_618 : vector<16xi32>
          tpu.vector_store_idx %arg6[%sub3A_616], %get3A_614 masked %lt3A_619 : memref<32768xf32, #tpu.memory_space<vmem>>[vector<16xi32>], vector<16xf32>, vector<16xi1>
          %mul3A_620 = arith.constant 128 : i32
          %mul3A_621 = arith.muli %scan3A_567, %mul3A_620 : i32
          %add3A_622 = arith.constant 48 : i32
          %add3A_623 = arith.addi %mul3A_621, %add3A_622 : i32
          %get3A_624 = arith.index_cast %add3A_623 : i32 to index
          %get3A_625 = tpu.vector_load %arg7[%get3A_624] {strides = array<i32>} : memref<2048xi32, #tpu.memory_space<vmem>>, vector<16xi32>,
          %mul3A_626 = arith.constant 128 : i32
          %mul3A_627 = arith.muli %scan3A_567, %mul3A_626 : i32
          %add3A_628 = arith.constant 48 : i32
          %add3A_629 = arith.addi %mul3A_627, %add3A_628 : i32
          %get3A_630 = arith.index_cast %add3A_629 : i32 to index
          %get3A_631 = tpu.vector_load %arg9[%get3A_630] {strides = array<i32>} : memref<2048xf32, #tpu.memory_space<vmem>>, vector<16xf32>,
          %sub3A_632 = vector.broadcast %mul3A_326 : i32 to vector<16xi32>
          %sub3A_633 = arith.subi %get3A_625, %sub3A_632 : vector<16xi32>
          %lt3A_634 = arith.constant 32768 : i32
          %lt3A_635 = vector.broadcast %lt3A_634 : i32 to vector<16xi32>
          %lt3A_636 = arith.cmpi ult, %sub3A_633, %lt3A_635 : vector<16xi32>
          tpu.vector_store_idx %arg6[%sub3A_633], %get3A_631 masked %lt3A_636 : memref<32768xf32, #tpu.memory_space<vmem>>[vector<16xi32>], vector<16xf32>, vector<16xi1>
          %mul3A_637 = arith.constant 128 : i32
          %mul3A_638 = arith.muli %scan3A_567, %mul3A_637 : i32
          %add3A_639 = arith.constant 64 : i32
          %add3A_640 = arith.addi %mul3A_638, %add3A_639 : i32
          %get3A_641 = arith.index_cast %add3A_640 : i32 to index
          %get3A_642 = tpu.vector_load %arg7[%get3A_641] {strides = array<i32>} : memref<2048xi32, #tpu.memory_space<vmem>>, vector<16xi32>,
          %mul3A_643 = arith.constant 128 : i32
          %mul3A_644 = arith.muli %scan3A_567, %mul3A_643 : i32
          %add3A_645 = arith.constant 64 : i32
          %add3A_646 = arith.addi %mul3A_644, %add3A_645 : i32
          %get3A_647 = arith.index_cast %add3A_646 : i32 to index
          %get3A_648 = tpu.vector_load %arg9[%get3A_647] {strides = array<i32>} : memref<2048xf32, #tpu.memory_space<vmem>>, vector<16xf32>,
          %sub3A_649 = vector.broadcast %mul3A_326 : i32 to vector<16xi32>
          %sub3A_650 = arith.subi %get3A_642, %sub3A_649 : vector<16xi32>
          %lt3A_651 = arith.constant 32768 : i32
          %lt3A_652 = vector.broadcast %lt3A_651 : i32 to vector<16xi32>
          %lt3A_653 = arith.cmpi ult, %sub3A_650, %lt3A_652 : vector<16xi32>
          tpu.vector_store_idx %arg6[%sub3A_650], %get3A_648 masked %lt3A_653 : memref<32768xf32, #tpu.memory_space<vmem>>[vector<16xi32>], vector<16xf32>, vector<16xi1>
          %mul3A_654 = arith.constant 128 : i32
          %mul3A_655 = arith.muli %scan3A_567, %mul3A_654 : i32
          %add3A_656 = arith.constant 80 : i32
          %add3A_657 = arith.addi %mul3A_655, %add3A_656 : i32
          %get3A_658 = arith.index_cast %add3A_657 : i32 to index
          %get3A_659 = tpu.vector_load %arg7[%get3A_658] {strides = array<i32>} : memref<2048xi32, #tpu.memory_space<vmem>>, vector<16xi32>,
          %mul3A_660 = arith.constant 128 : i32
          %mul3A_661 = arith.muli %scan3A_567, %mul3A_660 : i32
          %add3A_662 = arith.constant 80 : i32
          %add3A_663 = arith.addi %mul3A_661, %add3A_662 : i32
          %get3A_664 = arith.index_cast %add3A_663 : i32 to index
          %get3A_665 = tpu.vector_load %arg9[%get3A_664] {strides = array<i32>} : memref<2048xf32, #tpu.memory_space<vmem>>, vector<16xf32>,
          %sub3A_666 = vector.broadcast %mul3A_326 : i32 to vector<16xi32>
          %sub3A_667 = arith.subi %get3A_659, %sub3A_666 : vector<16xi32>
          %lt3A_668 = arith.constant 32768 : i32
          %lt3A_669 = vector.broadcast %lt3A_668 : i32 to vector<16xi32>
          %lt3A_670 = arith.cmpi ult, %sub3A_667, %lt3A_669 : vector<16xi32>
          tpu.vector_store_idx %arg6[%sub3A_667], %get3A_665 masked %lt3A_670 : memref<32768xf32, #tpu.memory_space<vmem>>[vector<16xi32>], vector<16xf32>, vector<16xi1>
          %mul3A_671 = arith.constant 128 : i32
          %mul3A_672 = arith.muli %scan3A_567, %mul3A_671 : i32
          %add3A_673 = arith.constant 96 : i32
          %add3A_674 = arith.addi %mul3A_672, %add3A_673 : i32
          %get3A_675 = arith.index_cast %add3A_674 : i32 to index
          %get3A_676 = tpu.vector_load %arg7[%get3A_675] {strides = array<i32>} : memref<2048xi32, #tpu.memory_space<vmem>>, vector<16xi32>,
          %mul3A_677 = arith.constant 128 : i32
          %mul3A_678 = arith.muli %scan3A_567, %mul3A_677 : i32
          %add3A_679 = arith.constant 96 : i32
          %add3A_680 = arith.addi %mul3A_678, %add3A_679 : i32
          %get3A_681 = arith.index_cast %add3A_680 : i32 to index
          %get3A_682 = tpu.vector_load %arg9[%get3A_681] {strides = array<i32>} : memref<2048xf32, #tpu.memory_space<vmem>>, vector<16xf32>,
          %sub3A_683 = vector.broadcast %mul3A_326 : i32 to vector<16xi32>
          %sub3A_684 = arith.subi %get3A_676, %sub3A_683 : vector<16xi32>
          %lt3A_685 = arith.constant 32768 : i32
          %lt3A_686 = vector.broadcast %lt3A_685 : i32 to vector<16xi32>
          %lt3A_687 = arith.cmpi ult, %sub3A_684, %lt3A_686 : vector<16xi32>
          tpu.vector_store_idx %arg6[%sub3A_684], %get3A_682 masked %lt3A_687 : memref<32768xf32, #tpu.memory_space<vmem>>[vector<16xi32>], vector<16xf32>, vector<16xi1>
          %mul3A_688 = arith.constant 128 : i32
          %mul3A_689 = arith.muli %scan3A_567, %mul3A_688 : i32
          %add3A_690 = arith.constant 112 : i32
          %add3A_691 = arith.addi %mul3A_689, %add3A_690 : i32
          %get3A_692 = arith.index_cast %add3A_691 : i32 to index
          %get3A_693 = tpu.vector_load %arg7[%get3A_692] {strides = array<i32>} : memref<2048xi32, #tpu.memory_space<vmem>>, vector<16xi32>,
          %mul3A_694 = arith.constant 128 : i32
          %mul3A_695 = arith.muli %scan3A_567, %mul3A_694 : i32
          %add3A_696 = arith.constant 112 : i32
          %add3A_697 = arith.addi %mul3A_695, %add3A_696 : i32
          %get3A_698 = arith.index_cast %add3A_697 : i32 to index
          %get3A_699 = tpu.vector_load %arg9[%get3A_698] {strides = array<i32>} : memref<2048xf32, #tpu.memory_space<vmem>>, vector<16xf32>,
          %sub3A_700 = vector.broadcast %mul3A_326 : i32 to vector<16xi32>
          %sub3A_701 = arith.subi %get3A_693, %sub3A_700 : vector<16xi32>
          %lt3A_702 = arith.constant 32768 : i32
          %lt3A_703 = vector.broadcast %lt3A_702 : i32 to vector<16xi32>
          %lt3A_704 = arith.cmpi ult, %sub3A_701, %lt3A_703 : vector<16xi32>
          tpu.vector_store_idx %arg6[%sub3A_701], %get3A_699 masked %lt3A_704 : memref<32768xf32, #tpu.memory_space<vmem>>[vector<16xi32>], vector<16xf32>, vector<16xi1>
          %scan3A_705 = arith.constant 0 : i32
          scf.yield %scan3A_705 : i32
        }
        %scan3A_553 = arith.constant 16 : i32
        %mul3A_554 = arith.constant 2 : i32
        %mul3A_555 = arith.muli %mul3A_554, %while3A_530 : i32
        %add3A_556 = arith.constant 2 : i32
        %add3A_557 = arith.addi %mul3A_555, %add3A_556 : i32
        %lt3A_558 = arith.cmpi slt, %add3A_557, %select_n3A_483 : i32
        %convert_element_type3A_559 = arith.extui %lt3A_558 : i1 to i32
        %cond3A_560 = arith.constant 0 : i32
        %cond3A_561 = arith.cmpi ne, %convert_element_type3A_559, %cond3A_560 : i32
        scf.if %cond3A_561 {
          %mul3A_567 = arith.constant 2 : i32
          %mul3A_568 = arith.muli %mul3A_567, %while3A_530 : i32
          %add3A_569 = arith.constant 2 : i32
          %add3A_570 = arith.addi %mul3A_568, %add3A_569 : i32
          %mul3A_571 = arith.constant 2048 : i32
          %mul3A_572 = arith.muli %add3A_570, %mul3A_571 : i32
          %add3A_573 = arith.addi %mul3A_454, %mul3A_572 : i32
          %min3A_574 = arith.constant 25163776 : i32
          %min3A_575 = arith.minsi %add3A_573, %min3A_574 : i32
          %dma_start3A_576 = tpu.memref_slice %arg2[%min3A_575] : memref<25165824xi32, #tpu.memory_space<hbm>> -> memref<2048xi32, #tpu.memory_space<hbm>>
          %dma_start3A_577 = tpu.memref_slice %arg2[%min3A_575] : memref<25165824xi32, #tpu.memory_space<hbm>> -> memref<2048xi32, #tpu.memory_space<hbm>>
          tpu.enqueue_dma source(%dma_start3A_577 : memref<2048xi32, #tpu.memory_space<hbm>>) target(%arg7 : memref<2048xi32, #tpu.memory_space<vmem>>) target_semaphore(%arg14 : memref<!tpu.dma_semaphore, #tpu.memory_space<semaphore_mem>>)
          %mul3A_578 = arith.constant 2048 : i32
          %mul3A_579 = arith.muli %add3A_570, %mul3A_578 : i32
          %add3A_580 = arith.addi %mul3A_454, %mul3A_579 : i32
          %min3A_581 = arith.constant 25163776 : i32
          %min3A_582 = arith.minsi %add3A_580, %min3A_581 : i32
          %dma_start3A_583 = tpu.memref_slice %arg3[%min3A_582] : memref<25165824xf32, #tpu.memory_space<hbm>> -> memref<2048xf32, #tpu.memory_space<hbm>>
          %dma_start3A_584 = tpu.memref_slice %arg3[%min3A_582] : memref<25165824xf32, #tpu.memory_space<hbm>> -> memref<2048xf32, #tpu.memory_space<hbm>>
          tpu.enqueue_dma source(%dma_start3A_584 : memref<2048xf32, #tpu.memory_space<hbm>>) target(%arg9 : memref<2048xf32, #tpu.memory_space<vmem>>) target_semaphore(%arg14 : memref<!tpu.dma_semaphore, #tpu.memory_space<semaphore_mem>>)
        } else {
        }
        %lt3A_562 = arith.cmpi slt, %add3A_535, %select_n3A_483 : i32
        %convert_element_type3A_563 = arith.extui %lt3A_562 : i1 to i32
        %cond3A_564 = arith.constant 0 : i32
        %cond3A_565 = arith.cmpi ne, %convert_element_type3A_563, %cond3A_564 : i32
        scf.if %cond3A_565 {
          %dma_wait3A_567 = arith.constant 0 : i32
          %dma_wait3A_568 = tpu.memref_slice %arg2[%dma_wait3A_567] : memref<25165824xi32, #tpu.memory_space<hbm>> -> memref<2048xi32, #tpu.memory_space<hbm>>
          %dma_wait3A_569 = arith.constant 0 : i32
          %dma_wait3A_570 = tpu.memref_slice %arg2[%dma_wait3A_569] : memref<25165824xi32, #tpu.memory_space<hbm>> -> memref<2048xi32, #tpu.memory_space<hbm>>
          tpu.wait_dma2 semaphore(%arg15 : memref<!tpu.dma_semaphore, #tpu.memory_space<semaphore_mem>>) src(%dma_wait3A_570 : memref<2048xi32, #tpu.memory_space<hbm>>) dst(%arg8 : memref<2048xi32, #tpu.memory_space<vmem>>)
          %dma_wait3A_571 = arith.constant 0 : i32
          %dma_wait3A_572 = tpu.memref_slice %arg3[%dma_wait3A_571] : memref<25165824xf32, #tpu.memory_space<hbm>> -> memref<2048xf32, #tpu.memory_space<hbm>>
          %dma_wait3A_573 = arith.constant 0 : i32
          %dma_wait3A_574 = tpu.memref_slice %arg3[%dma_wait3A_573] : memref<25165824xf32, #tpu.memory_space<hbm>> -> memref<2048xf32, #tpu.memory_space<hbm>>
          tpu.wait_dma2 semaphore(%arg15 : memref<!tpu.dma_semaphore, #tpu.memory_space<semaphore_mem>>) src(%dma_wait3A_574 : memref<2048xf32, #tpu.memory_space<hbm>>) dst(%arg10 : memref<2048xf32, #tpu.memory_space<vmem>>)
          %scan3A_575 = arith.constant 0 : i32
          %scan3A_576 = arith.constant 0 : i32
          %scan3A_577 = arith.constant 16 : i32
          %scan3A_578 = arith.addi %scan3A_576, %scan3A_577 : i32
          %scan3A_579 = arith.constant 1 : i32
          %scan3A_580 = scf.for %scan3A_582 = %scan3A_576 to %scan3A_578 step %scan3A_579 iter_args(%scan3A_583 = %scan3A_575) -> (i32)  : i32 {
            %mul3A_584 = arith.constant 128 : i32
            %mul3A_585 = arith.muli %scan3A_582, %mul3A_584 : i32
            %add3A_586 = arith.constant 0 : i32
            %add3A_587 = arith.addi %mul3A_585, %add3A_586 : i32
            %get3A_588 = arith.index_cast %add3A_587 : i32 to index
            %get3A_589 = tpu.vector_load %arg8[%get3A_588] {strides = array<i32>} : memref<2048xi32, #tpu.memory_space<vmem>>, vector<16xi32>,
            %mul3A_590 = arith.constant 128 : i32
            %mul3A_591 = arith.muli %scan3A_582, %mul3A_590 : i32
            %add3A_592 = arith.constant 0 : i32
            %add3A_593 = arith.addi %mul3A_591, %add3A_592 : i32
            %get3A_594 = arith.index_cast %add3A_593 : i32 to index
            %get3A_595 = tpu.vector_load %arg10[%get3A_594] {strides = array<i32>} : memref<2048xf32, #tpu.memory_space<vmem>>, vector<16xf32>,
            %sub3A_596 = vector.broadcast %mul3A_326 : i32 to vector<16xi32>
            %sub3A_597 = arith.subi %get3A_589, %sub3A_596 : vector<16xi32>
            %lt3A_598 = arith.constant 32768 : i32
            %lt3A_599 = vector.broadcast %lt3A_598 : i32 to vector<16xi32>
            %lt3A_600 = arith.cmpi ult, %sub3A_597, %lt3A_599 : vector<16xi32>
            tpu.vector_store_idx %arg6[%sub3A_597], %get3A_595 masked %lt3A_600 : memref<32768xf32, #tpu.memory_space<vmem>>[vector<16xi32>], vector<16xf32>, vector<16xi1>
            %mul3A_601 = arith.constant 128 : i32
            %mul3A_602 = arith.muli %scan3A_582, %mul3A_601 : i32
            %add3A_603 = arith.constant 16 : i32
            %add3A_604 = arith.addi %mul3A_602, %add3A_603 : i32
            %get3A_605 = arith.index_cast %add3A_604 : i32 to index
            %get3A_606 = tpu.vector_load %arg8[%get3A_605] {strides = array<i32>} : memref<2048xi32, #tpu.memory_space<vmem>>, vector<16xi32>,
            %mul3A_607 = arith.constant 128 : i32
            %mul3A_608 = arith.muli %scan3A_582, %mul3A_607 : i32
            %add3A_609 = arith.constant 16 : i32
            %add3A_610 = arith.addi %mul3A_608, %add3A_609 : i32
            %get3A_611 = arith.index_cast %add3A_610 : i32 to index
            %get3A_612 = tpu.vector_load %arg10[%get3A_611] {strides = array<i32>} : memref<2048xf32, #tpu.memory_space<vmem>>, vector<16xf32>,
            %sub3A_613 = vector.broadcast %mul3A_326 : i32 to vector<16xi32>
            %sub3A_614 = arith.subi %get3A_606, %sub3A_613 : vector<16xi32>
            %lt3A_615 = arith.constant 32768 : i32
            %lt3A_616 = vector.broadcast %lt3A_615 : i32 to vector<16xi32>
            %lt3A_617 = arith.cmpi ult, %sub3A_614, %lt3A_616 : vector<16xi32>
            tpu.vector_store_idx %arg6[%sub3A_614], %get3A_612 masked %lt3A_617 : memref<32768xf32, #tpu.memory_space<vmem>>[vector<16xi32>], vector<16xf32>, vector<16xi1>
            %mul3A_618 = arith.constant 128 : i32
            %mul3A_619 = arith.muli %scan3A_582, %mul3A_618 : i32
            %add3A_620 = arith.constant 32 : i32
            %add3A_621 = arith.addi %mul3A_619, %add3A_620 : i32
            %get3A_622 = arith.index_cast %add3A_621 : i32 to index
            %get3A_623 = tpu.vector_load %arg8[%get3A_622] {strides = array<i32>} : memref<2048xi32, #tpu.memory_space<vmem>>, vector<16xi32>,
            %mul3A_624 = arith.constant 128 : i32
            %mul3A_625 = arith.muli %scan3A_582, %mul3A_624 : i32
            %add3A_626 = arith.constant 32 : i32
            %add3A_627 = arith.addi %mul3A_625, %add3A_626 : i32
            %get3A_628 = arith.index_cast %add3A_627 : i32 to index
            %get3A_629 = tpu.vector_load %arg10[%get3A_628] {strides = array<i32>} : memref<2048xf32, #tpu.memory_space<vmem>>, vector<16xf32>,
            %sub3A_630 = vector.broadcast %mul3A_326 : i32 to vector<16xi32>
            %sub3A_631 = arith.subi %get3A_623, %sub3A_630 : vector<16xi32>
            %lt3A_632 = arith.constant 32768 : i32
            %lt3A_633 = vector.broadcast %lt3A_632 : i32 to vector<16xi32>
            %lt3A_634 = arith.cmpi ult, %sub3A_631, %lt3A_633 : vector<16xi32>
            tpu.vector_store_idx %arg6[%sub3A_631], %get3A_629 masked %lt3A_634 : memref<32768xf32, #tpu.memory_space<vmem>>[vector<16xi32>], vector<16xf32>, vector<16xi1>
            %mul3A_635 = arith.constant 128 : i32
            %mul3A_636 = arith.muli %scan3A_582, %mul3A_635 : i32
            %add3A_637 = arith.constant 48 : i32
            %add3A_638 = arith.addi %mul3A_636, %add3A_637 : i32
            %get3A_639 = arith.index_cast %add3A_638 : i32 to index
            %get3A_640 = tpu.vector_load %arg8[%get3A_639] {strides = array<i32>} : memref<2048xi32, #tpu.memory_space<vmem>>, vector<16xi32>,
            %mul3A_641 = arith.constant 128 : i32
            %mul3A_642 = arith.muli %scan3A_582, %mul3A_641 : i32
            %add3A_643 = arith.constant 48 : i32
            %add3A_644 = arith.addi %mul3A_642, %add3A_643 : i32
            %get3A_645 = arith.index_cast %add3A_644 : i32 to index
            %get3A_646 = tpu.vector_load %arg10[%get3A_645] {strides = array<i32>} : memref<2048xf32, #tpu.memory_space<vmem>>, vector<16xf32>,
            %sub3A_647 = vector.broadcast %mul3A_326 : i32 to vector<16xi32>
            %sub3A_648 = arith.subi %get3A_640, %sub3A_647 : vector<16xi32>
            %lt3A_649 = arith.constant 32768 : i32
            %lt3A_650 = vector.broadcast %lt3A_649 : i32 to vector<16xi32>
            %lt3A_651 = arith.cmpi ult, %sub3A_648, %lt3A_650 : vector<16xi32>
            tpu.vector_store_idx %arg6[%sub3A_648], %get3A_646 masked %lt3A_651 : memref<32768xf32, #tpu.memory_space<vmem>>[vector<16xi32>], vector<16xf32>, vector<16xi1>
            %mul3A_652 = arith.constant 128 : i32
            %mul3A_653 = arith.muli %scan3A_582, %mul3A_652 : i32
            %add3A_654 = arith.constant 64 : i32
            %add3A_655 = arith.addi %mul3A_653, %add3A_654 : i32
            %get3A_656 = arith.index_cast %add3A_655 : i32 to index
            %get3A_657 = tpu.vector_load %arg8[%get3A_656] {strides = array<i32>} : memref<2048xi32, #tpu.memory_space<vmem>>, vector<16xi32>,
            %mul3A_658 = arith.constant 128 : i32
            %mul3A_659 = arith.muli %scan3A_582, %mul3A_658 : i32
            %add3A_660 = arith.constant 64 : i32
            %add3A_661 = arith.addi %mul3A_659, %add3A_660 : i32
            %get3A_662 = arith.index_cast %add3A_661 : i32 to index
            %get3A_663 = tpu.vector_load %arg10[%get3A_662] {strides = array<i32>} : memref<2048xf32, #tpu.memory_space<vmem>>, vector<16xf32>,
            %sub3A_664 = vector.broadcast %mul3A_326 : i32 to vector<16xi32>
            %sub3A_665 = arith.subi %get3A_657, %sub3A_664 : vector<16xi32>
            %lt3A_666 = arith.constant 32768 : i32
            %lt3A_667 = vector.broadcast %lt3A_666 : i32 to vector<16xi32>
            %lt3A_668 = arith.cmpi ult, %sub3A_665, %lt3A_667 : vector<16xi32>
            tpu.vector_store_idx %arg6[%sub3A_665], %get3A_663 masked %lt3A_668 : memref<32768xf32, #tpu.memory_space<vmem>>[vector<16xi32>], vector<16xf32>, vector<16xi1>
            %mul3A_669 = arith.constant 128 : i32
            %mul3A_670 = arith.muli %scan3A_582, %mul3A_669 : i32
            %add3A_671 = arith.constant 80 : i32
            %add3A_672 = arith.addi %mul3A_670, %add3A_671 : i32
            %get3A_673 = arith.index_cast %add3A_672 : i32 to index
            %get3A_674 = tpu.vector_load %arg8[%get3A_673] {strides = array<i32>} : memref<2048xi32, #tpu.memory_space<vmem>>, vector<16xi32>,
            %mul3A_675 = arith.constant 128 : i32
            %mul3A_676 = arith.muli %scan3A_582, %mul3A_675 : i32
            %add3A_677 = arith.constant 80 : i32
            %add3A_678 = arith.addi %mul3A_676, %add3A_677 : i32
            %get3A_679 = arith.index_cast %add3A_678 : i32 to index
            %get3A_680 = tpu.vector_load %arg10[%get3A_679] {strides = array<i32>} : memref<2048xf32, #tpu.memory_space<vmem>>, vector<16xf32>,
            %sub3A_681 = vector.broadcast %mul3A_326 : i32 to vector<16xi32>
            %sub3A_682 = arith.subi %get3A_674, %sub3A_681 : vector<16xi32>
            %lt3A_683 = arith.constant 32768 : i32
            %lt3A_684 = vector.broadcast %lt3A_683 : i32 to vector<16xi32>
            %lt3A_685 = arith.cmpi ult, %sub3A_682, %lt3A_684 : vector<16xi32>
            tpu.vector_store_idx %arg6[%sub3A_682], %get3A_680 masked %lt3A_685 : memref<32768xf32, #tpu.memory_space<vmem>>[vector<16xi32>], vector<16xf32>, vector<16xi1>
            %mul3A_686 = arith.constant 128 : i32
            %mul3A_687 = arith.muli %scan3A_582, %mul3A_686 : i32
            %add3A_688 = arith.constant 96 : i32
            %add3A_689 = arith.addi %mul3A_687, %add3A_688 : i32
            %get3A_690 = arith.index_cast %add3A_689 : i32 to index
            %get3A_691 = tpu.vector_load %arg8[%get3A_690] {strides = array<i32>} : memref<2048xi32, #tpu.memory_space<vmem>>, vector<16xi32>,
            %mul3A_692 = arith.constant 128 : i32
            %mul3A_693 = arith.muli %scan3A_582, %mul3A_692 : i32
            %add3A_694 = arith.constant 96 : i32
            %add3A_695 = arith.addi %mul3A_693, %add3A_694 : i32
            %get3A_696 = arith.index_cast %add3A_695 : i32 to index
            %get3A_697 = tpu.vector_load %arg10[%get3A_696] {strides = array<i32>} : memref<2048xf32, #tpu.memory_space<vmem>>, vector<16xf32>,
            %sub3A_698 = vector.broadcast %mul3A_326 : i32 to vector<16xi32>
            %sub3A_699 = arith.subi %get3A_691, %sub3A_698 : vector<16xi32>
            %lt3A_700 = arith.constant 32768 : i32
            %lt3A_701 = vector.broadcast %lt3A_700 : i32 to vector<16xi32>
            %lt3A_702 = arith.cmpi ult, %sub3A_699, %lt3A_701 : vector<16xi32>
            tpu.vector_store_idx %arg6[%sub3A_699], %get3A_697 masked %lt3A_702 : memref<32768xf32, #tpu.memory_space<vmem>>[vector<16xi32>], vector<16xf32>, vector<16xi1>
            %mul3A_703 = arith.constant 128 : i32
            %mul3A_704 = arith.muli %scan3A_582, %mul3A_703 : i32
            %add3A_705 = arith.constant 112 : i32
            %add3A_706 = arith.addi %mul3A_704, %add3A_705 : i32
            %get3A_707 = arith.index_cast %add3A_706 : i32 to index
            %get3A_708 = tpu.vector_load %arg8[%get3A_707] {strides = array<i32>} : memref<2048xi32, #tpu.memory_space<vmem>>, vector<16xi32>,
            %mul3A_709 = arith.constant 128 : i32
            %mul3A_710 = arith.muli %scan3A_582, %mul3A_709 : i32
            %add3A_711 = arith.constant 112 : i32
            %add3A_712 = arith.addi %mul3A_710, %add3A_711 : i32
            %get3A_713 = arith.index_cast %add3A_712 : i32 to index
            %get3A_714 = tpu.vector_load %arg10[%get3A_713] {strides = array<i32>} : memref<2048xf32, #tpu.memory_space<vmem>>, vector<16xf32>,
            %sub3A_715 = vector.broadcast %mul3A_326 : i32 to vector<16xi32>
            %sub3A_716 = arith.subi %get3A_708, %sub3A_715 : vector<16xi32>
            %lt3A_717 = arith.constant 32768 : i32
            %lt3A_718 = vector.broadcast %lt3A_717 : i32 to vector<16xi32>
            %lt3A_719 = arith.cmpi ult, %sub3A_716, %lt3A_718 : vector<16xi32>
            tpu.vector_store_idx %arg6[%sub3A_716], %get3A_714 masked %lt3A_719 : memref<32768xf32, #tpu.memory_space<vmem>>[vector<16xi32>], vector<16xf32>, vector<16xi1>
            %scan3A_720 = arith.constant 0 : i32
            scf.yield %scan3A_720 : i32
          }
          %scan3A_581 = arith.constant 16 : i32
        } else {
        }
        %while3A_566 = arith.constant 0 : i32
        scf.yield %while3A_566 : i32
      }
      %dma_start3A_527 = tpu.memref_slice %arg4[%mul3A_326] : memref<100663296xf32, #tpu.memory_space<hbm>> -> memref<32768xf32, #tpu.memory_space<hbm>>
      %dma_start3A_528 = tpu.memref_slice %arg4[%mul3A_326] : memref<100663296xf32, #tpu.memory_space<hbm>> -> memref<32768xf32, #tpu.memory_space<hbm>>
      tpu.enqueue_dma source(%arg6 : memref<32768xf32, #tpu.memory_space<vmem>>) target(%dma_start3A_528 : memref<32768xf32, #tpu.memory_space<hbm>>) target_semaphore(%arg17 : memref<!tpu.dma_semaphore, #tpu.memory_space<semaphore_mem>>)
      %scan3A_529 = arith.constant 0 : i32
      scf.yield %scan3A_529 : i32
    }
    %scan3A_111 = arith.constant 48 : i32
    %dma_wait3A = arith.constant 0 : i32
    %dma_wait3A_112 = tpu.memref_slice %arg4[%dma_wait3A] : memref<100663296xf32, #tpu.memory_space<hbm>> -> memref<32768xf32, #tpu.memory_space<hbm>>
    %dma_wait3A_113 = arith.constant 0 : i32
    %dma_wait3A_114 = tpu.memref_slice %arg4[%dma_wait3A_113] : memref<100663296xf32, #tpu.memory_space<hbm>> -> memref<32768xf32, #tpu.memory_space<hbm>>
    tpu.wait_dma2 semaphore(%arg16 : memref<!tpu.dma_semaphore, #tpu.memory_space<semaphore_mem>>) src(%arg5 : memref<32768xf32, #tpu.memory_space<vmem>>) dst(%dma_wait3A_114 : memref<32768xf32, #tpu.memory_space<hbm>>)
    %dma_wait3A_115 = arith.constant 0 : i32
    %dma_wait3A_116 = tpu.memref_slice %arg4[%dma_wait3A_115] : memref<100663296xf32, #tpu.memory_space<hbm>> -> memref<32768xf32, #tpu.memory_space<hbm>>
    %dma_wait3A_117 = arith.constant 0 : i32
    %dma_wait3A_118 = tpu.memref_slice %arg4[%dma_wait3A_117] : memref<100663296xf32, #tpu.memory_space<hbm>> -> memref<32768xf32, #tpu.memory_space<hbm>>
    tpu.wait_dma2 semaphore(%arg17 : memref<!tpu.dma_semaphore, #tpu.memory_space<semaphore_mem>>) src(%arg6 : memref<32768xf32, #tpu.memory_space<vmem>>) dst(%dma_wait3A_118 : memref<32768xf32, #tpu.memory_space<hbm>>)
    return
  }
}

</mosaic_0001>

<sc_bundles>
// kernel: kernel.3.cloned.1.call-start
scs
__scs_entry_jumppad:
0x0: {  	(pc) =	sbr.rel $0x88, $3  }
0x1: {  	(tag) =	ssettag $0x0;
	lr =	simm.s32 $0x1  }
0x2: {  	[smem:$0x3F9F] =	sst lr;
	_ =	strace $0xD0000000  }
0x3: {  	_ = 	snop  }
0x4: {  	_ = 	snop  }
0x5: {  	_ = 	snop  }
0x6: {  	_ = 	snop  }
0x7: {  	_ = 	snop  }
__scs_overlays_trampoline_lowered:
0x8: {  	[smem:$0x3FAE] =	sst s0  }
0x9: {  	[smem:$0x3FAF] =	sst s1  }
0xa: {  	[smem:$0x3FB0] =	sst s2  }
0xb: {  	[smem:$0x3FB1] =	sst s3  }
0xc: {  	[smem:$0x3FB2] =	sst s4  }
0xd: {  	[smem:$0x3FB3] =	sst s5  }
0xe: {  	[smem:$0x3FB4] =	sst s6  }
0xf: {  	[smem:$0x3FB5] =	sst s7  }
0x10: {  	[smem:$0x3FB6] =	sst s8  }
0x11: {  	[smem:$0x3FB7] =	sst s9;
	s0 =	simm.s32 @!p0 $0x0  }
0x12: {  	s1 =	sld [smem:$0x3F9D];
	s0 =	simm.s32 @p0 $0x1  }
0x13: {  	[smem:$0x3FB8] =	sst s0;
	s0 =	simm.s32 @!p1 $0x0  }
0x14: {  	s2 =	sld [smem:$0x3F9C];
	s0 =	simm.s32 @p1 $0x1  }
0x15: {  	[smem:$0x3FB9] =	sst s0;
	s0 =	simm.s32 @!p2 $0x0  }
0x16: {  	s3 =	sld [smem:$0x3FDB];
	s0 =	simm.s32 @p2 $0x1  }
0x17: {  	s4 =	simm.s32 $0x1BF5;
	[smem:$0x3FBB] =	sst s0  }
0x18: {  	s0 =	sld [smem:$0x3F9E];
	_ =	swait.ge [sflag:s4], $0x0  }
0x19: {  	s7 =	sld [smem:$0x3F9F]  }
0x1a: {  	s8 =	sadd.s32 $0xFFFFE003, lr  }
0x1b: {  	s9 =	sadd.s32 $0xFFFFFEF7, lr;
	s5 =	simm.s32 $0xFFFFFFFF;
	p2 =	slt.u32 s8, $0xFFFFF086  }
0x1c: {  	p1 =	slt.u32 s9, $0xF7A;
	s5 =	simm.s32 @!p2 $0x0  }
0x1d: {  	s5 =	simm.s32 @p1 $0x1;
	p0 =	seq.s32 s7, s2  }
0x1e: {  	s7 =	smul.u32 @!p0 $0xF7A, s2;
	p2 =	seq.s32 @!p0 s5, $0x0  }
0x1f: {  	s9 =	smul.u32 $0xF7A, s1;
	s8 =	simm.s32 @!p0 $0x1BF5;
	p2 =	por !p2, p0  }
0x20: {  	[sflag:s8] =	ssyncset.s32 @!p0 $0xFFFFF086;
	s6 =	sadd.s32 @!p0 s3, s7;
	s7 =	simm.s32 @!p0 $0x108  }
0x21: {  	s3 =	sadd.s32 s3, s9;
	s6 =	sadd.s32 @!p0 $0x88, s6;
	s7 =	simm.s32 @p2 $0x1082  }
0x22: {  	[simem:s7], [sflag:s8] =	dma.local @!p0 [hbm:s6], $0xF7A  }
0x23: {  	s9 =	sor.u32 $0xD0000000, s2;
	s6 =	simm.s32 $0x108;
	_ =	swait.ge @!p0 [sflag:s8], $0x0  }
0x24: {  	s3 =	sadd.s32 $0x88, s3;
	s6 =	simm.s32 @!p1 $0x1082;
	[sflag:s4] =	ssyncset.s32 $0xFFFFF086  }
0x25: {  	[simem:s6], [sflag:s4] =	dma.local [hbm:s3], $0xF7A  }
0x26: {  	[smem:$0x3F9F] =	sst s1;
	(tag) =	ssettag s2;
	_ =	strace s9  }
0x27: {  	s1 =	sld [smem:$0x3FAF]  }
0x28: {  	s2 =	sld [smem:$0x3FB0]  }
0x29: {  	s4 =	sld [smem:$0x3FB2]  }
0x2a: {  	p0 =	seq.s32 s5, $0x0;
	s5 =	sld [smem:$0x3FB3]  }
0x2b: {  	s6 =	sld [smem:$0x3FB4]  }
0x2c: {  	s7 =	sld [smem:$0x3FB5]  }
0x2d: {  	s3 =	simm.s32 $0x108;
	s8 =	sld [smem:$0x3FB6]  }
0x2e: {  	s3 =	simm.s32 @!p0 $0x1082;
	s9 =	sld [smem:$0x3FB7]  }
0x2f: {  	lr =	sadd.s32 s0, s3;
	s0 =	sld [smem:$0x3FAE]  }
0x30: {  	s3 =	sld [smem:$0x3FB1]  }
0x31: {  	[smem:$0x3FBA] =	sst s10  }
0x32: {  	s10 =	sld [smem:$0x3FB8];
	_ =	sdelay $0x3  }
0x33: {  	p0 =	seq.s32 s10, $0x1;
	s10 =	sld [smem:$0x3FBA];
	_ =	sdelay $0x3  }
0x34: {  	[smem:$0x3FBA] =	sst s10  }
0x35: {  	s10 =	sld [smem:$0x3FB9];
	_ =	sdelay $0x3  }
0x36: {  	p1 =	seq.s32 s10, $0x1;
	s10 =	sld [smem:$0x3FBA];
	_ =	sdelay $0x3  }
0x37: {  	[smem:$0x3FBA] =	sst s10  }
0x38: {  	s10 =	sld [smem:$0x3FBB]  }
0x39: {  	_ = 	snop;
	(pc) =	sbr.ind lr, $3  }
0x3a: {  	_ = 	snop  }
0x3b: {  	_ = 	snop  }
0x3c: {  	p2 =	seq.s32 s10, $0x1;
	s10 =	sld [smem:$0x3FBA]  }
0x3d: {  	_ =	shalt  }
0x3e: {  	_ =	shalt  }
0x3f: {  	_ =	shalt  }
0x40: {  	_ =	shalt  }
0x41: {  	_ =	shalt  }
0x42: {  	_ =	shalt  }
0x43: {  	_ =	shalt  }
0x44: {  	_ =	shalt  }
0x45: {  	_ =	shalt  }
0x46: {  	_ =	shalt  }
0x47: {  	_ =	shalt  }
0x48: {  	_ =	shalt  }
0x49: {  	_ =	shalt  }
0x4a: {  	_ =	shalt  }
0x4b: {  	_ =	shalt  }
0x4c: {  	_ =	shalt  }
0x4d: {  	_ =	shalt  }
0x4e: {  	_ =	shalt  }
0x4f: {  	_ =	shalt  }
0x50: {  	_ =	shalt  }
0x51: {  	_ =	shalt  }
0x52: {  	_ =	shalt  }
0x53: {  	_ =	shalt  }
0x54: {  	_ =	shalt  }
0x55: {  	_ =	shalt  }
0x56: {  	_ =	shalt  }
0x57: {  	_ =	shalt  }
0x58: {  	_ =	shalt  }
0x59: {  	_ =	shalt  }
0x5a: {  	_ =	shalt  }
0x5b: {  	_ =	shalt  }
0x5c: {  	_ =	shalt  }
0x5d: {  	_ =	shalt  }
0x5e: {  	_ =	shalt  }
0x5f: {  	_ =	shalt  }
0x60: {  	_ =	shalt  }
0x61: {  	_ =	shalt  }
0x62: {  	_ =	shalt  }
0x63: {  	_ =	shalt  }
0x64: {  	_ =	shalt  }
0x65: {  	_ =	shalt  }
0x66: {  	_ =	shalt  }
0x67: {  	_ =	shalt  }
0x68: {  	_ =	shalt  }
0x69: {  	_ =	shalt  }
0x6a: {  	_ =	shalt  }
0x6b: {  	_ =	shalt  }
0x6c: {  	_ =	shalt  }
0x6d: {  	_ =	shalt  }
0x6e: {  	_ =	shalt  }
0x6f: {  	_ =	shalt  }
0x70: {  	_ =	shalt  }
0x71: {  	_ =	shalt  }
0x72: {  	_ =	shalt  }
0x73: {  	_ =	shalt  }
0x74: {  	_ =	shalt  }
0x75: {  	_ =	shalt  }
0x76: {  	_ =	shalt  }
0x77: {  	_ =	shalt  }
0x78: {  	_ =	shalt  }
0x79: {  	_ =	shalt  }
0x7a: {  	_ =	shalt  }
0x7b: {  	_ =	shalt  }
0x7c: {  	_ =	shalt  }
0x7d: {  	_ =	shalt  }
0x7e: {  	_ =	shalt  }
0x7f: {  	_ =	shalt  }
0x80: {  	_ =	shalt  }
0x81: {  	_ =	shalt  }
0x82: {  	_ =	shalt  }
0x83: {  	_ =	shalt  }
0x84: {  	_ =	shalt  }
0x85: {  	_ =	shalt  }
0x86: {  	_ =	shalt  }
0x87: {  	_ =	shalt  }
.Lfunc_end0:
.L_simem_size_0:
called_computation.3_lowered:
.L_overlay_start_0:
0x88: {  	s2 =	sld [smem:$0x3FD9]  }
0x89: {  	s3 =	sld [smem:$0x3FFE];
	_ =	sdelay $0x1  }
0x8a: {  	s1 =	srdreg.scid  }
0x8b: {  	s0 =	sand.u32 $0x1, s1  }
0x8c: {  	s17 =	sshll.u32 s0, $0xA;
	s2 =	sadd.s32 s3, s2  }
0x8d: {  	s2 =	sadd.s32 s2, s17  }
0x8e: {  	[smem:$0x3FC6] =	sst s2  }
0x8f: {  	_ = 	snop  }
0x90: {  	s2 =	sld [smem:$0x3FD0];
	(tm) =	ssettm $0x1  }
0x91: {  	s18 =	sld [smem:$0x3FFB];
	_ =	sdelay $0x3  }
0x92: {  	_ =	strace s18  }
0x93: {  	s3 =	sld [smem:$0x3FFC];
	_ =	sdelay $0x3  }
0x94: {  	_ =	strace s3  }
0x95: {  	s3 =	sld [smem:$0x3FFD];
	_ =	sdelay $0x3  }
0x96: {  	_ =	strace s3  }
0x97: {  	_ =	strace $0x8FFFFFFF  }
0x98: {  	s19 =	sld [smem:$0x3FDB];
	_ =	sdelay $0x1  }
0x99: {  	s4 =	simm.s32 $_scs_section_size  }
0x9a: {  	s5 =	simm.s32 $_size__tile_overlayer_lowered;
	s6 =	simm.s32 $_tile_overlayer_lowered  }
0x9b: {  	s22 =	simm.s32 $0x1BFF;
	s21 =	sshll.u32 s6, $0x1;
	s3 =	sadd.s32 s4, s19  }
0x9c: {  	s7 =	simm.s32 $0x0;
	s20 =	sshll.u32 s5, $0x1;
	s5 =	sadd.s32 s21, s3  }
0x9d: {  	[timem:s7], [sflag:s22] =	dma.local [hbm:s5], s20  }
0x9e: {  	_ =	swait.ge [sflag:s22], s20  }
0x9f: {  	s4 =	ssub.s32 $0x0, s20;
	[sflag:s22] =	ssyncset.done $0x0  }
0xa0: {  	[sflag:s22] =	ssyncadd.s32 s4;
	_ =	sdelay $0x1  }
0xa1: {  	s23 =	simm.s32 $0x1B8B  }
0xa2: {  	_ =	swait.ge [sflag:s23], $0x1  }
0xa3: {  	[sflag:s23] =	ssyncset.done $0x0  }
0xa4: {  	s25 =	simm.s32 $0x1B8E;
	s24 =	sld [smem:$0x3FFE];
	[sflag:s23] =	ssyncadd.s32 $0xFFFFFFFF  }
0xa5: {  	s26 =	simm.s32 $execute0_lowered;
	[smem:$0x3FD2] =	sst s25  }
0xa6: {  	s5 =	sshll.u32 s26, $0x1;
	_ =	strace $0x8000004F;
	[dreg:$0x1] =	wrdreg $0xFFFFFFFF  }
0xa7: {  	s28 =	simm.s32 $_size_execute0_lowered;
	s3 =	sadd.s32 s3, s5;
	[dreg:$0x0] =	wrdreg $0x0  }
0xa8: {  	s5 =	sshll.u32 s28, $0x1;
	[dreg:$0x2] =	wrdreg s3  }
0xa9: {  	[dreg:$0x3] =	wrdreg s5  }
0xaa: {  	[dreg:$0x4] =	wrdreg $0xC0  }
0xab: {  	_ =	task [dreg:s7], $0x5FFFF  }
0xac: {  	[dreg:$0x1] =	wrdreg $0xFFFFFFFF  }
0xad: {  	[dreg:$0x0] =	wrdreg $0x60  }
0xae: {  	[dreg:$0x2] =	wrdreg s2  }
0xaf: {  	[dreg:$0x3] =	wrdreg s24  }
0xb0: {  	[dreg:$0x4] =	wrdreg $0x9  }
0xb1: {  	_ =	task.clear_ibuf [dreg:s7], $0x5FFFF;
	_ =	strace $0x9000004F  }
0xb2: {  	s29 =	simm.s32 $0x9;
	_ =	strace $0x80000051  }
0xb3: {  	_ =	swait.ge [sflag:s29], $0x1  }
0xb4: {  	[sflag:s29] =	ssyncadd.s32 $0xFFFFFFFF  }
0xb5: {  	_ =	strace $0x90000051  }
0xb6: {  	_ =	sfence  }
0xb7: {  	s30 =	sld [smem:$0x0];
	_ =	sdelay $0x2  }
0xb8: {  	s31 =	sshll.u32 s1, $0xD;
	s1 =	sshrl.u32 s1, $0x2  }
0xb9: {  	s3 =	sand.u32 $0x4000, s31;
	s1 =	sadd.s32 s1, s30  }
0xba: {  	s0 =	sor.u32 s3, s0;
	s1 =	sshll.u32 s1, $0x11  }
0xbb: {  	s0 =	sor.u32 s1, s0  }
0xbc: {  	s0 =	sadd.s32 $0x8F2B, s0  }
0xbd: {  	[sflag:s0] =	ssyncadd.remote.s32 $0x1  }
0xbe: {  	_ =	sfence.sel $0xFFFF  }
0xbf: {  	[dreg:$0x0] =	wrdreg $0xFFFFFFFF;
	(pc) =	sbr.abs _section_cstart, $3  }
0xc0: {  	[dreg:$0x1] =	wrdreg $0xFFFFFFFF  }
0xc1: {  	_ =	task.clear_ibuf [dreg:s7], $0x2FFFF;
	_ =	strace $0x9FFFFFFF  }
0xc2: {  	(tm) =	ssettm $0x7FFFFFFF  }
0xc3: {  	_ =	shalt  }
tec
execute0_lowered:
.L_overlay_start_1:
0x0: {  	(tag) =	ssettag $0x1  }
0x1: {  	s1 =	srdreg.scid;
	s0 =	stileid.u32  }
0x2: {  	s5 =	sand.u32 $0x1, s1;
	s26 =	sshll.u32 s0, $0x1  }
0x3: {  	s1 =	sor.u32 s5, s26  }
0x4: {  	s1 =	smul.u32 $0x60, s1  }
0x5: {  	v0 =	vlaneseq.u32  }
0x6: {  	s2 =	rddreg [dreg:$0x0];
	v8 =	vimm.s32 $0x0;
	s3 =	sor.u32 $0x10, s1;
	v1 =	vor.u32 s1, v0  }
0x7: {  	v9 =	vimm.f32 $0.0e+00;
	s28 =	sadd.s32 $0x20, s1;
	s7 =	sadd.s32 $0x30, s1;
	s29 =	sadd.s32 $0x40, s1;
	v2 =	vor.u32 s3, v0;
	v1 =	vmin.u32 v1, $0xC00  }
0x8: {  	s6 =	rddreg [dreg:$0x1];
	s9 =	sadd.s32 $0x50, s1;
	s31 =	sadd.s32 $0x60, s1;
	v3 =	vor.u32 s28, v0;
	v4 =	vor.u32 s7, v0;
	v5 =	vor.u32 s29, v0  }
0x9: {  	s4 =	simm.s32 $0x0;
	s10 =	simm.s32 $0x12080;
	s11 =	simm.s32 $0x5;
	v6 =	vor.u32 s9, v0;
	v7 =	vor.u32 s31, v0;
	vm0 =	vlt.s32 v2, $0xC00  }
0xa: {  	s12 =	simm.s32 $0x1;
	s13 =	simm.s32 $0x2;
	s14 =	simm.s32 $0x8000;
	v1 =	vshll.u32 v1, $0xF;
	vm11 =	vlt.s32 v3, $0xC00;
	vm12 =	vlt.s32 v4, $0xC00  }
.Ltmp0:
0xb: {  	s15 =	simm.s32 $0x3;
	s16 =	simm.s32 $0x4;
	vm13 =	vlt.s32 v5, $0xC00;
	vm14 =	vlt.s32 v6, $0xC00;
	vm15 =	vlt.s32 v7, $0xC00;
	(pc) =	sbr.rel .LBB2_1-.Ltmp0, $4  }
0xc: {  	s17 =	simm.s32 $0x0;
	[smem:$0x7FF] =	sst s4;
	s8 =	ssub.s32 $0x2, s5;
	v2 =	vnsel vm0, $0xC00, v2;
	v3 =	vnsel vm11, $0xC00, v3;
	v4 =	vnsel vm12, $0xC00, v4  }
0xd: {  	s5 =	sadd.s32 $0xA00, s6;
	s6 =	sadd.s32 $0x300A00, s6;
	s30 =	sshrl.u32 s8, $0x1;
	v5 =	vnsel vm13, $0xC00, v5;
	v6 =	vnsel vm14, $0xC00, v6;
	v7 =	vnsel vm15, $0xC00, v7  }
0xe: {  	s3 =	rddreg [dreg:$0x2];
	_ =	strace $0x80000050;
	s7 =	ssub.s32 s8, s30;
	v2 =	vshll.u32 v2, $0xF;
	v3 =	vshll.u32 v3, $0xF;
	v4 =	vshll.u32 v4, $0xF  }
0xf: {  	s8 =	simm.s32 $0x70;
	s9 =	simm.s32 $0x12000;
	s7 =	smax.u32 s7, $0x1;
	v5 =	vshll.u32 v5, $0xF;
	v6 =	vshll.u32 v6, $0xF;
	v7 =	vshll.u32 v7, $0xF  }
.LBB2_25:
0x10: {  	s17 =	sadd.s32 $0x1, s17  }
0x11: {  	_ =	swait.ge [sflag:s15], $0x8000;
	p0 =	sne.s32 s17, s7  }
.Ltmp1:
0x12: {  	[sflag:s15] =	ssyncset.done $0x0;
	(pc) =	sbr.rel @!p0 .LBB2_26-.Ltmp1, $4  }
0x13: {  	[sflag:s15] =	ssyncadd.s32 $0xFFFF8000  }
0x14: {  	_ =	swait.ge [sflag:s16], $0x8000  }
0x15: {  	[sflag:s16] =	ssyncset.done $0x0  }
0x16: {  	[sflag:s16] =	ssyncadd.s32 $0xFFFF8000  }
.LBB2_1:
0x17: {  	v11 =	vimm.s32 $0x1800000  }
0x18: {  	v10 =	vadd.s32 v8, v11  }
0x19: {  	v12 =	vand.u32 $0x1, v10  }
0x1a: {  	v13 =	vshrl.u32 v10, $0x1F;
	vm0 =	vlt.s32 v10, $0x1;
	vm1 =	veq.s32 v12, $0x1  }
0x1b: {  	v10 =	vadd.s32 v13, v10;
	vm0 =	vmand vm0, vm1  }
0x1c: {  	v10 =	vshra.s32 v10, $0x1;
	v12 =	vsel vm0, $0xFFFFFFFF, v8  }
0x1d: {  	v10 =	vadd.s32 v12, v10  }
0x1e: {  	[tilespmem:$0x12000] =	vst v10  }
0x1f: {  	[tilespmem:$0x12050] =	vst v10  }
0x20: {  	[tilespmem:$0x12040] =	vst v10  }
0x21: {  	[tilespmem:$0x12060] =	vst v10  }
0x22: {  	[tilespmem:$0x12020] =	vst v10  }
0x23: {  	[tilespmem:$0x12030] =	vst v10  }
0x24: {  	[tilespmem:$0x12010] =	vst v10  }
0x25: {  	[tilespmem:s10], [sflag:$0x5] =	stream.indirect.gather [hbm4b:s2+s8], $0x1, s9, s8, $0xb8;
	[tilespmem:$0x12180] =	vst v63  }
0x26: {  	_ =	swait.ge [sflag:s11], $0x70  }
0x27: {  	[sflag:s11] =	ssyncset.done $0x0  }
0x28: {  	[sflag:s11] =	ssyncadd.s32 $0xFFFFFF90  }
0x29: {  	v26 =	vld [tilespmem:$0x12050]  }
0x2a: {  	v16 =	vimm.s32 $0x0;
	v18 =	vimm.s32 $0x1800000;
	v24 =	vld [tilespmem:$0x120D0]  }
0x2b: {  	v14 =	vimm.s32 $0x0;
	v19 =	vimm.s32 $0x1800000;
	v20 =	vimm.s32 $0x1800000;
	v28 =	vld [tilespmem:$0x12000]  }
0x2c: {  	v15 =	vimm.s32 $0x0;
	v21 =	vimm.s32 $0x1800000;
	v17 =	vimm.s32 $0x0;
	v30 =	vld [tilespmem:$0x12080]  }
0x2d: {  	v22 =	vimm.s32 $0x1800000;
	v23 =	vimm.s32 $0x1800000;
	v13 =	vimm.s32 $0x0;
	v27 =	vld [tilespmem:$0x12040]  }
0x2e: {  	s18 =	simm.s32 $0x18;
	v12 =	vimm.s32 $0x0;
	v10 =	vimm.s32 $0x0;
	v29 =	vld [tilespmem:$0x120C0];
	v25 =	vadd.s32 $0x1, v26  }
.LBB2_2:
0x2f: {  	p0 =	sne.s32 s18, $0x1;
	s18 =	sadd.s32 $0xFFFFFFFF, s18;
	v31 =	vld [tilespmem:$0x12020]  }
0x30: {  	v32 =	vadd.s32 $0x1, v28;
	v33 =	vld [tilespmem:$0x120A0]  }
0x31: {  	vm0 =	vlt.s32 v30, v1;
	v30 =	vld [tilespmem:$0x12060]  }
0x32: {  	v16 =	vsel vm0, v32, v16;
	v11 =	vsel vm0, v11, v28;
	v28 =	vld [tilespmem:$0x120E0]  }
0x33: {  	v32 =	vld [tilespmem:$0x12030];
	vm0 =	vlt.s32 v29, v5;
	v29 =	vadd.s32 $0x1, v27  }
0x34: {  	v34 =	vld [tilespmem:$0x120B0];
	v12 =	vsel vm0, v29, v12;
	v18 =	vsel vm0, v18, v27  }
0x35: {  	v29 =	vadd.s32 $0x1, v31;
	v27 =	vld [tilespmem:$0x12010];
	vm0 =	vlt.s32 v33, v3  }
0x36: {  	v33 =	vld [tilespmem:$0x12090];
	v14 =	vsel vm0, v29, v14;
	v19 =	vsel vm0, v19, v31;
	v29 =	vadd.s32 $0x1, v30  }
0x37: {  	vm0 =	vlt.s32 v28, v7  }
0x38: {  	v28 =	vadd.s32 $0x1, v32;
	v10 =	vsel vm0, v29, v10;
	v20 =	vsel vm0, v20, v30  }
0x39: {  	vm0 =	vlt.s32 v24, v6;
	vm1 =	vlt.s32 v34, v4  }
0x3a: {  	v13 =	vsel vm0, v25, v13;
	v21 =	vsel vm0, v21, v26;
	v15 =	vsel vm1, v28, v15  }
0x3b: {  	v24 =	vadd.s32 v13, v21;
	v25 =	vadd.s32 $0x1, v27;
	vm2 =	vlt.s32 v33, v2  }
0x3c: {  	v26 =	vshrl.u32 v24, $0x1F;
	vm0 =	vlt.s32 v24, $0x1;
	v17 =	vsel vm2, v25, v17  }
0x3d: {  	v28 =	vadd.s32 v12, v18;
	v25 =	vadd.s32 v16, v11;
	v22 =	vsel vm2, v22, v27  }
0x3e: {  	v23 =	vsel vm1, v23, v32;
	v26 =	vadd.s32 v26, v24;
	vm3 =	vlt.s32 v25, $0x1  }
0x3f: {  	vm2 =	vlt.s32 v28, $0x1;
	v24 =	vand.u32 $0x1, v24;
	v27 =	vshrl.u32 v25, $0x1F  }
0x40: {  	v29 =	vadd.s32 v14, v19;
	vm1 =	veq.s32 v24, $0x1;
	v24 =	vadd.s32 v10, v20  }
0x41: {  	v30 =	vshrl.u32 v29, $0x1F;
	v31 =	vadd.s32 v15, v23;
	vm4 =	vlt.s32 v24, $0x1  }
0x42: {  	v32 =	vshrl.u32 v31, $0x1F;
	vm5 =	vlt.s32 v31, $0x1;
	v33 =	vand.u32 $0x1, v24  }
0x43: {  	v35 =	vand.u32 $0x1, v31;
	v34 =	vand.u32 $0x1, v25;
	v36 =	vshrl.u32 v24, $0x1F  }
0x44: {  	vm7 =	veq.s32 v35, $0x1;
	vm6 =	veq.s32 v34, $0x1;
	vm8 =	veq.s32 v33, $0x1  }
0x45: {  	v25 =	vadd.s32 v27, v25;
	vm5 =	vmand vm5, vm7;
	vm3 =	vmand vm3, vm6  }
0x46: {  	v25 =	vshra.s32 v25, $0x1;
	v24 =	vadd.s32 v36, v24;
	v27 =	vsel vm3, $0xFFFFFFFF, v8  }
0x47: {  	vm3 =	vmand vm4, vm8;
	v25 =	vadd.s32 v27, v25;
	v27 =	vand.u32 $0x1, v28  }
0x48: {  	v33 =	vshrl.u32 v28, $0x1F;
	v24 =	vshra.s32 v24, $0x1;
	vm4 =	veq.s32 v27, $0x1  }
0x49: {  	v28 =	vadd.s32 v33, v28;
	v27 =	vadd.s32 v32, v31;
	vm2 =	vmand vm2, vm4  }
0x4a: {  	v31 =	vsel vm5, $0xFFFFFFFF, v8;
	v28 =	vshra.s32 v28, $0x1;
	v32 =	vsel vm2, $0xFFFFFFFF, v8  }
0x4b: {  	vm0 =	vmand vm0, vm1;
	v27 =	vshra.s32 v27, $0x1;
	v28 =	vadd.s32 v32, v28  }
0x4c: {  	v26 =	vshra.s32 v26, $0x1;
	v33 =	vsel vm3, $0xFFFFFFFF, v8;
	v32 =	vsel vm0, $0xFFFFFFFF, v8  }
0x4d: {  	v34 =	vand.u32 $0x1, v29;
	v24 =	vadd.s32 v33, v24;
	v26 =	vadd.s32 v32, v26  }
0x4e: {  	v30 =	vadd.s32 v30, v29;
	vm1 =	veq.s32 v34, $0x1;
	vm0 =	vlt.s32 v29, $0x1  }
0x4f: {  	v29 =	vshra.s32 v30, $0x1;
	vm0 =	vmand vm0, vm1;
	[tilespmem:$0x12000] =	vst v25;
	v25 =	vadd.s32 v17, v22  }
0x50: {  	v33 =	vsel vm0, $0xFFFFFFFF, v8;
	v30 =	vshrl.u32 v25, $0x1F;
	v32 =	vand.u32 $0x1, v25;
	[tilespmem:$0x12050] =	vst v26  }
0x51: {  	vm0 =	vlt.s32 v25, $0x1;
	v26 =	vadd.s32 v30, v25;
	vm1 =	veq.s32 v32, $0x1;
	[tilespmem:$0x12040] =	vst v28  }
0x52: {  	v25 =	vshra.s32 v26, $0x1;
	vm0 =	vmand vm0, vm1;
	v26 =	vadd.s32 v33, v29;
	[tilespmem:$0x12060] =	vst v24  }
0x53: {  	v24 =	vsel vm0, $0xFFFFFFFF, v8;
	[tilespmem:$0x12020] =	vst v26;
	v26 =	vadd.s32 v31, v27  }
0x54: {  	v24 =	vadd.s32 v24, v25;
	[tilespmem:$0x12030] =	vst v26  }
0x55: {  	[tilespmem:$0x12010] =	vst v24  }
0x56: {  	[tilespmem:s10], [sflag:$0x5] =	stream.indirect.gather [hbm4b:s2+s8], $0x1, s9, s8, $0xb8;
	[tilespmem:$0x12180] =	vst v63  }
0x57: {  	_ =	swait.ge [sflag:s11], $0x70  }
0x58: {  	[sflag:s11] =	ssyncset.done $0x0  }
0x59: {  	[sflag:s11] =	ssyncadd.s32 $0xFFFFFF90  }
0x5a: {  	v26 =	vld [tilespmem:$0x12050]  }
.Ltmp2:
0x5b: {  	v24 =	vld [tilespmem:$0x120D0];
	(pc) =	sbr.rel @p0 .LBB2_2-.Ltmp2, $4  }
0x5c: {  	v28 =	vld [tilespmem:$0x12000]  }
0x5d: {  	v30 =	vld [tilespmem:$0x12080]  }
0x5e: {  	v27 =	vld [tilespmem:$0x12040]  }
0x5f: {  	v29 =	vld [tilespmem:$0x120C0];
	v25 =	vadd.s32 $0x1, v26  }
0x60: {  	v11 =	vld [tilespmem:$0x12020]  }
0x61: {  	v18 =	vld [tilespmem:$0x120A0]  }
0x62: {  	v19 =	vld [tilespmem:$0x12010]  }
0x63: {  	v20 =	vld [tilespmem:$0x12090]  }
0x64: {  	v21 =	vld [tilespmem:$0x12030]  }
0x65: {  	v22 =	vld [tilespmem:$0x120B0]  }
0x66: {  	v26 =	vld [tilespmem:$0x12060]  }
0x67: {  	v60 =	vld [tilespmem:$0x120E0];
	vm14 =	vlt.s32 v24, v6  }
0x68: {  	v23 =	vadd.s32 $0x1, v28;
	v13 =	vsel vm14, v25, v13;
	vm0 =	vlt.s32 v30, v1  }
0x69: {  	[tilespmem:$0x12150] =	vst v13;
	v16 =	vsel vm0, v23, v16;
	vm11 =	vlt.s32 v20, v2;
	v19 =	vadd.s32 $0x1, v19  }
0x6a: {  	[tilespmem:$0x12100] =	vst v16;
	vm1 =	vlt.s32 v18, v3;
	v11 =	vadd.s32 $0x1, v11;
	v17 =	vsel vm11, v19, v17  }
.Ltmp3:
0x6b: {  	v61 =	vadd.s32 $0x1, v21;
	vm12 =	vlt.s32 v22, v4;
	v11 =	vsel vm1, v11, v14;
	[tilespmem:$0x12110] =	vst v17;
	(pc) =	sbr.rel .LBB2_4-.Ltmp3, $4  }
0x6c: {  	v63 =	vadd.s32 $0x1, v26;
	vm15 =	vlt.s32 v60, v7;
	v14 =	vsel vm12, v61, v15;
	[tilespmem:$0x12120] =	vst v11  }
0x6d: {  	v62 =	vadd.s32 $0x1, v27;
	vm13 =	vlt.s32 v29, v5;
	v10 =	vsel vm15, v63, v10;
	[tilespmem:$0x12130] =	vst v14  }
0x6e: {  	v11 =	vsel vm13, v62, v12;
	[tilespmem:$0x12160] =	vst v10  }
0x6f: {  	s18 =	simm.s32 $0x0;
	[tilespmem:$0x12140] =	vst v11  }
.LBB2_24:
0x70: {  	s18 =	sadd.s32 $0x1, s18  }
0x71: {  	p0 =	sne.s32 s18, $0x30  }
.Ltmp4:
0x72: {  	_ = 	snop;
	(pc) =	sbr.rel @!p0 .LBB2_25-.Ltmp4, $4  }
0x73: {  	_ = 	snop  }
0x74: {  	s19 =	sshll.u32 s19, $0xC  }
0x75: {  	s19 =	sadd.s32 s6, s19  }
0x76: {  	[hbm4b:s19+s4] =	stream.linear.scatter [tilespmem:s14], [sflag:$0x4], $0x8000, $0x38;
	[tilespmem:$0x12180] =	vst v63  }
.LBB2_4:
0x77: {  	s20 =	sshll.u32 s18, $0x1  }
0x78: {  	s21 =	sand.u32 $0x70, s20  }
0x79: {  	v10 =	vld [tilespmem:s21+$0x12100];
	_ =	sdelay $0x2  }
0x7a: {  	s19 =	sshllo.u32 s18, $0x1;
	s22 =	sand.u32 $0xE, s20  }
0x7b: {  	v11 =	vmov s22;
	s31 =	ssub.s32 s19, s21  }
0x7c: {  	vm0 =	veq.s32 v11, v0;
	v11 =	vmov s31;
	v10 =	vxor.u32 $0x80000000, v10  }
0x7d: {  	v12 =	vnsel vm0, $0x0, v10;
	vm0 =	veq.s32 v11, v0  }
0x7e: {  	(xrf0) =	vmax.scan.msk.u32 $0xffff, v12;
	v10 =	vnsel vm0, $0x0, v10  }
0x7f: {  	(xrf0) =	vmax.scan.msk.u32 $0xffff, v10;
	_ =	sdelay $0x4  }
0x80: {  	v10, _, _ =	vpop (xrf0)  }
0x81: {  	(v2sf) =	vpush v10, $0xF;
	v10, _, _ =	vpop (xrf0)  }
0x82: {  	(v2sf) =	vpush v10, $0xF;
	_ =	sdelay $0xd  }
0x83: {  	p0 =	seq.s32 s18, $0x0;
	s23 =	spop (v2sf)  }
0x84: {  	s25 =	simm.s32 @!p0 $0x3;
	s24 =	spop (v2sf)  }
0x85: {  	s29 =	simm.s32 $0x200;
	s22 =	sadd.s32 s1, s20;
	_ =	swait.ge @!p0 [sflag:s25], $0x8000  }
0x86: {  	s26 =	sshll.u32 s22, $0xF;
	s28 =	sxor.u32 $0x80000000, s23;
	[sflag:s25] =	ssyncset.done @!p0 $0x0  }
0x87: {  	s24 =	sxor.u32 $0x80000000, s24;
	[sflag:s25] =	ssyncadd.s32 @!p0 $0xFFFF8000;
	s25 =	simm.s32 $0x0  }
.LBB2_5:
0x88: {  	p1 =	sne.s32 s29, $0x1FE00;
	[tilespmem:s25+$0x70] =	vst v9  }
0x89: {  	[tilespmem:s25+$0x0] =	vst v9  }
0x8a: {  	[tilespmem:s25+$0x10] =	vst v9  }
.Ltmp5:
0x8b: {  	[tilespmem:s25+$0x20] =	vst v9;
	(pc) =	sbr.rel @p1 .LBB2_5-.Ltmp5, $4  }
0x8c: {  	[tilespmem:s25+$0x30] =	vst v9  }
0x8d: {  	[tilespmem:s25+$0x40] =	vst v9  }
0x8e: {  	[tilespmem:s25+$0x50] =	vst v9  }
0x8f: {  	[tilespmem:s25+$0x60] =	vst v9;
	s25 =	sshra.s32 s29, $0x2;
	s29 =	sadd.s32 $0x200, s29  }
0x90: {  	p1 =	slt.s32 s28, $0x1;
	p2 =	sgt.s32 s23, $0xFFFFFFFF;
	s31 =	sand.u32 $0x7, s23  }
0x91: {  	s29 =	sshra.s32 s28, $0x1F;
	p1 =	por p2, p1;
	p3 =	sne.s32 s31, $0x0  }
0x92: {  	s29 =	sshrl.u32 s29, $0x1D;
	p1 =	por !p3, !p1  }
0x93: {  	s23 =	sadd.s32 s29, s28;
	s28 =	simm.s32 $0x1;
	p1 =	por !p1, !p1  }
0x94: {  	s23 =	sshrl.u32 s23, $0x3;
	s28 =	simm.s32 @!p1 $0x0  }
0x95: {  	s23 =	ssub.s32 s23, s28  }
0x96: {  	s23 =	sshll.u32 s23, $0x3  }
0x97: {  	s24 =	ssub.s32 s24, s23  }
0x98: {  	s24 =	sadd.s32 $0x7FF, s24  }
0x99: {  	s30 =	sand.u32 $0x7FF, s24  }
0x9a: {  	s31 =	sshra.s32 s24, $0x1F;
	p4 =	slt.s32 s24, $0x1;
	p5 =	sne.s32 s30, $0x0  }
0x9b: {  	s30 =	sshrl.u32 s31, $0x15;
	p1 =	por !p4, !p5  }
0x9c: {  	s28 =	simm.s32 $0x1;
	s24 =	sadd.s32 s30, s24;
	p1 =	por !p1, !p1  }
0x9d: {  	[tilespmem:s25+$0x70] =	vst v9;
	s24 =	sshra.s32 s24, $0xB;
	s28 =	simm.s32 @!p1 $0x0  }
0x9e: {  	[tilespmem:s25+$0x0] =	vst v9;
	s24 =	ssub.s32 s24, s28  }
0x9f: {  	[tilespmem:s25+$0x10] =	vst v9;
	p1 =	slt.s32 s24, $0x1  }
0xa0: {  	[tilespmem:s25+$0x20] =	vst v9;
	p2 =	slt.s32 @!p1 s23, $0x17FF800  }
0xa1: {  	[tilespmem:s25+$0x30] =	vst v9;
	s29 =	smov.u32 s23;
	p2 =	por !p2, p1  }
0xa2: {  	[tilespmem:s25+$0x40] =	vst v9;
	s28 =	sadd.s32 $0x1, s24;
	p6 =	slt.s32 s24, $0x0;
	s29 =	simm.s32 @p2 $0x17FF800  }
0xa3: {  	[tilespmem:s25+$0x50] =	vst v9;
	s30 =	sand.u32 $0x1, s28;
	s31 =	simm.s32 @!p1 $0x10000;
	s29 =	sshrl.u32 @!p1 s29, $0x3  }
0xa4: {  	[tilespmem:s25+$0x60] =	vst v9;
	p3 =	seq.s32 s30, $0x1;
	s30 =	simm.s32 @!p1 $0x0;
	s25 =	sadd.s32 @!p1 s2, s29  }
0xa5: {  	[tilespmem:s31], [sflag:$0x1] =	stream.linear.gather @!p1 [hbm4b:s25+s30], $0x800, $0x38;
	[tilespmem:$0x12180] =	vst v63  }
0xa6: {  	p2 =	por !p6, !p3;
	s31 =	sshrl.u32 s28, $0x1F  }
0xa7: {  	p2 =	por !p2, !p2;
	s25 =	sadd.s32 s31, s28;
	s28 =	simm.s32 $0x1  }
0xa8: {  	s25 =	sshra.s32 s25, $0x1;
	s28 =	simm.s32 @!p2 $0x0  }
0xa9: {  	s25 =	ssub.s32 s25, s28;
	s28 =	sadd.s32 @!p1 s5, s29;
	s29 =	simm.s32 @!p1 $0x11000  }
0xaa: {  	[tilespmem:s29], [sflag:$0x1] =	stream.linear.gather @!p1 [hbm4b:s28+s30], $0x800, $0x38;
	[tilespmem:$0x12180] =	vst v63  }
0xab: {  	p1 =	slt.s32 s25, $0x1  }
.Ltmp6:
0xac: {  	_ = 	snop;
	(pc) =	sbr.rel @p1 .LBB2_14-.Ltmp6, $1  }
0xad: {  	_ =	sdelay $0x3  }
.Ltmp7:
0xae: {  	(pc) =	sbr.rel .LBB2_8-.Ltmp7, $2  }
0xaf: {  	_ =	sdelay $0x2  }
0xb0: {  	v10 =	vmov s26;
	s26 =	simm.s32 $0x0  }
.LBB2_13:
0xb1: {  	s26 =	sadd.s32 $0x1, s26  }
0xb2: {  	p1 =	sne.s32 s26, s25  }
.Ltmp8:
0xb3: {  	_ = 	snop;
	(pc) =	sbr.rel @!p1 .LBB2_14-.Ltmp8, $1  }
0xb4: {  	_ =	sdelay $0x3  }
.LBB2_8:
0xb5: {  	s28 =	sshllo.u32 s26, $0x1  }
0xb6: {  	p1 =	sge.s32 s28, s24  }
0xb7: {  	s28 =	sshll.u32 @!p1 s28, $0xB  }
0xb8: {  	s28 =	sadd.s32 @!p1 s23, s28  }
0xb9: {  	p2 =	slt.s32 @!p1 s28, $0x17FF800  }
0xba: {  	p2 =	por !p2, p1  }
0xbb: {  	s28 =	simm.s32 @p2 $0x17FF800  }
0xbc: {  	s28 =	sshrl.u32 @!p1 s28, $0x3  }
0xbd: {  	s30 =	simm.s32 @!p1 $0x0;
	s31 =	simm.s32 @!p1 $0x10800;
	s29 =	sadd.s32 @!p1 s2, s28  }
0xbe: {  	[tilespmem:s31], [sflag:$0x2] =	stream.linear.gather @!p1 [hbm4b:s29+s30], $0x800, $0x38;
	[tilespmem:$0x12180] =	vst v63  }
0xbf: {  	s28 =	sadd.s32 @!p1 s5, s28;
	s29 =	simm.s32 @!p1 $0x11800  }
0xc0: {  	[tilespmem:s29], [sflag:$0x2] =	stream.linear.gather @!p1 [hbm4b:s28+s30], $0x800, $0x38;
	[tilespmem:$0x12180] =	vst v63  }
0xc1: {  	_ =	swait.ge [sflag:s12], $0x800  }
0xc2: {  	[sflag:s12] =	ssyncset.done $0x0  }
0xc3: {  	[sflag:s12] =	ssyncadd.s32 $0xFFFFF800  }
0xc4: {  	_ =	swait.ge [sflag:s12], $0x800  }
0xc5: {  	[sflag:s12] =	ssyncset.done $0x0  }
0xc6: {  	s28 =	sshll.u32 s26, $0x1;
	s29 =	simm.s32 $0x0;
	[sflag:s12] =	ssyncadd.s32 $0xFFFFF800  }
.LBB2_9:
0xc7: {  	s30 =	sshra.s32 s29, $0x2  }
0xc8: {  	v11 =	vld [tilespmem:s30+$0x10000];
	_ =	sdelay $0x4  }
0xc9: {  	v12 =	vsub.s32 v11, v10  }
0xca: {  	v11 =	vand.u32 $0x7F, v11;
	vm1 =	vlt.u32 v12, $0x8000;
	v12 =	vand.u32 $0xFFFFFF80, v12  }
0xcb: {  	v13 =	vld [tilespmem:s30+$0x11000];
	v11 =	vor.u32 v11, v12;
	_ =	sdelay $0x4  }
0xcc: {  	[tilespmem:v11+s4+$0x0] =	vst.idx.msk vm1, v13  }
0xcd: {  	v11 =	vld [tilespmem:s30+$0x10010];
	_ =	sdelay $0x4  }
0xce: {  	v57 =	vsub.s32 v11, v10  }
0xcf: {  	v11 =	vand.u32 $0x7F, v11;
	vm1 =	vlt.u32 v57, $0x8000;
	v12 =	vand.u32 $0xFFFFFF80, v57  }
0xd0: {  	v13 =	vld [tilespmem:s30+$0x11010];
	v11 =	vor.u32 v11, v12;
	_ =	sdelay $0x4  }
0xd1: {  	[tilespmem:v11+s4+$0x0] =	vst.idx.msk vm1, v13  }
0xd2: {  	v11 =	vld [tilespmem:s30+$0x10020];
	_ =	sdelay $0x4  }
0xd3: {  	v58 =	vsub.s32 v11, v10  }
0xd4: {  	v11 =	vand.u32 $0x7F, v11;
	vm1 =	vlt.u32 v58, $0x8000;
	v12 =	vand.u32 $0xFFFFFF80, v58  }
0xd5: {  	v13 =	vld [tilespmem:s30+$0x11020];
	v11 =	vor.u32 v11, v12;
	_ =	sdelay $0x4  }
0xd6: {  	[tilespmem:v11+s4+$0x0] =	vst.idx.msk vm1, v13  }
0xd7: {  	v11 =	vld [tilespmem:s30+$0x10030];
	_ =	sdelay $0x4  }
0xd8: {  	v59 =	vsub.s32 v11, v10  }
0xd9: {  	v11 =	vand.u32 $0x7F, v11;
	vm1 =	vlt.u32 v59, $0x8000;
	v12 =	vand.u32 $0xFFFFFF80, v59  }
0xda: {  	v13 =	vld [tilespmem:s30+$0x11030];
	v11 =	vor.u32 v11, v12;
	_ =	sdelay $0x4  }
0xdb: {  	[tilespmem:v11+s4+$0x0] =	vst.idx.msk vm1, v13  }
0xdc: {  	v11 =	vld [tilespmem:s30+$0x10040];
	_ =	sdelay $0x4  }
0xdd: {  	v60 =	vsub.s32 v11, v10  }
0xde: {  	v11 =	vand.u32 $0x7F, v11;
	vm1 =	vlt.u32 v60, $0x8000;
	v12 =	vand.u32 $0xFFFFFF80, v60  }
0xdf: {  	v13 =	vld [tilespmem:s30+$0x11040];
	v11 =	vor.u32 v11, v12;
	_ =	sdelay $0x4  }
0xe0: {  	[tilespmem:v11+s4+$0x0] =	vst.idx.msk vm1, v13  }
0xe1: {  	v11 =	vld [tilespmem:s30+$0x10050];
	_ =	sdelay $0x4  }
0xe2: {  	v61 =	vsub.s32 v11, v10  }
0xe3: {  	v11 =	vand.u32 $0x7F, v11;
	vm1 =	vlt.u32 v61, $0x8000;
	v12 =	vand.u32 $0xFFFFFF80, v61  }
0xe4: {  	v13 =	vld [tilespmem:s30+$0x11050];
	v11 =	vor.u32 v11, v12;
	_ =	sdelay $0x4  }
0xe5: {  	[tilespmem:v11+s4+$0x0] =	vst.idx.msk vm1, v13  }
0xe6: {  	v11 =	vld [tilespmem:s30+$0x10060];
	_ =	sdelay $0x4  }
0xe7: {  	v62 =	vsub.s32 v11, v10  }
0xe8: {  	v11 =	vand.u32 $0x7F, v11;
	vm1 =	vlt.u32 v62, $0x8000;
	v12 =	vand.u32 $0xFFFFFF80, v62  }
0xe9: {  	v13 =	vld [tilespmem:s30+$0x11060];
	v11 =	vor.u32 v11, v12;
	_ =	sdelay $0x4  }
0xea: {  	[tilespmem:v11+s4+$0x0] =	vst.idx.msk vm1, v13  }
0xeb: {  	v11 =	vld [tilespmem:s30+$0x10070];
	_ =	sdelay $0x4  }
0xec: {  	v63 =	vsub.s32 v11, v10  }
0xed: {  	v11 =	vand.u32 $0x7F, v11;
	vm1 =	vlt.u32 v63, $0x8000;
	v12 =	vand.u32 $0xFFFFFF80, v63  }
0xee: {  	p2 =	sne.s32 s29, $0x1E00;
	v13 =	vld [tilespmem:s30+$0x11070];
	v11 =	vor.u32 v11, v12  }
.Ltmp9:
0xef: {  	_ = 	snop;
	(pc) =	sbr.rel @p2 .LBB2_9-.Ltmp9, $2  }
0xf0: {  	_ =	sdelay $0x2  }
0xf1: {  	s29 =	sadd.s32 $0x200, s29;
	[tilespmem:v11+s4+$0x0] =	vst.idx.msk vm1, v13  }
0xf2: {  	s28 =	sadd.s32 $0x2, s28  }
0xf3: {  	p2 =	sge.s32 s28, s24  }
0xf4: {  	s28 =	sshll.u32 @!p2 s28, $0xB  }
0xf5: {  	s28 =	sadd.s32 @!p2 s23, s28  }
0xf6: {  	p3 =	slt.s32 @!p2 s28, $0x17FF800  }
0xf7: {  	p3 =	por !p3, p2  }
0xf8: {  	s28 =	simm.s32 @p3 $0x17FF800  }
.Ltmp10:
0xf9: {  	s28 =	sshrl.u32 @!p2 s28, $0x3;
	(pc) =	sbr.rel @p1 .LBB2_13-.Ltmp10, $4  }
0xfa: {  	s30 =	simm.s32 @!p2 $0x0;
	s31 =	simm.s32 @!p2 $0x10000;
	s29 =	sadd.s32 @!p2 s2, s28  }
0xfb: {  	[tilespmem:s31], [sflag:$0x1] =	stream.linear.gather @!p2 [hbm4b:s29+s30], $0x800, $0x38;
	[tilespmem:$0x12180] =	vst v63  }
0xfc: {  	s28 =	sadd.s32 @!p2 s5, s28;
	s29 =	simm.s32 @!p2 $0x11000  }
0xfd: {  	[tilespmem:s29], [sflag:$0x1] =	stream.linear.gather @!p2 [hbm4b:s28+s30], $0x800, $0x38;
	[tilespmem:$0x12180] =	vst v63  }
0xfe: {  	_ =	swait.ge [sflag:s13], $0x800  }
0xff: {  	[sflag:s13] =	ssyncset.done $0x0  }
0x100: {  	[sflag:s13] =	ssyncadd.s32 $0xFFFFF800  }
0x101: {  	_ =	swait.ge [sflag:s13], $0x800  }
0x102: {  	[sflag:s13] =	ssyncset.done $0x0  }
0x103: {  	s28 =	simm.s32 $0x0;
	[sflag:s13] =	ssyncadd.s32 $0xFFFFF800  }
.LBB2_12:
0x104: {  	s29 =	sshra.s32 s28, $0x2  }
0x105: {  	v11 =	vld [tilespmem:s29+$0x10800];
	_ =	sdelay $0x4  }
0x106: {  	v12 =	vsub.s32 v11, v10  }
0x107: {  	v11 =	vand.u32 $0x7F, v11;
	vm1 =	vlt.u32 v12, $0x8000;
	v12 =	vand.u32 $0xFFFFFF80, v12  }
0x108: {  	v13 =	vld [tilespmem:s29+$0x11800];
	v11 =	vor.u32 v11, v12;
	_ =	sdelay $0x4  }
0x109: {  	[tilespmem:v11+s4+$0x0] =	vst.idx.msk vm1, v13  }
0x10a: {  	v11 =	vld [tilespmem:s29+$0x10810];
	_ =	sdelay $0x4  }
0x10b: {  	v57 =	vsub.s32 v11, v10  }
0x10c: {  	v11 =	vand.u32 $0x7F, v11;
	vm1 =	vlt.u32 v57, $0x8000;
	v12 =	vand.u32 $0xFFFFFF80, v57  }
0x10d: {  	v13 =	vld [tilespmem:s29+$0x11810];
	v11 =	vor.u32 v11, v12;
	_ =	sdelay $0x4  }
0x10e: {  	[tilespmem:v11+s4+$0x0] =	vst.idx.msk vm1, v13  }
0x10f: {  	v11 =	vld [tilespmem:s29+$0x10820];
	_ =	sdelay $0x4  }
0x110: {  	v58 =	vsub.s32 v11, v10  }
0x111: {  	v11 =	vand.u32 $0x7F, v11;
	vm1 =	vlt.u32 v58, $0x8000;
	v12 =	vand.u32 $0xFFFFFF80, v58  }
0x112: {  	v13 =	vld [tilespmem:s29+$0x11820];
	v11 =	vor.u32 v11, v12;
	_ =	sdelay $0x4  }
0x113: {  	[tilespmem:v11+s4+$0x0] =	vst.idx.msk vm1, v13  }
0x114: {  	v11 =	vld [tilespmem:s29+$0x10830];
	_ =	sdelay $0x4  }
0x115: {  	v59 =	vsub.s32 v11, v10  }
0x116: {  	v11 =	vand.u32 $0x7F, v11;
	vm1 =	vlt.u32 v59, $0x8000;
	v12 =	vand.u32 $0xFFFFFF80, v59  }
0x117: {  	v13 =	vld [tilespmem:s29+$0x11830];
	v11 =	vor.u32 v11, v12;
	_ =	sdelay $0x4  }
0x118: {  	[tilespmem:v11+s4+$0x0] =	vst.idx.msk vm1, v13  }
0x119: {  	v11 =	vld [tilespmem:s29+$0x10840];
	_ =	sdelay $0x4  }
0x11a: {  	v60 =	vsub.s32 v11, v10  }
0x11b: {  	v11 =	vand.u32 $0x7F, v11;
	vm1 =	vlt.u32 v60, $0x8000;
	v12 =	vand.u32 $0xFFFFFF80, v60  }
0x11c: {  	v13 =	vld [tilespmem:s29+$0x11840];
	v11 =	vor.u32 v11, v12;
	_ =	sdelay $0x4  }
0x11d: {  	[tilespmem:v11+s4+$0x0] =	vst.idx.msk vm1, v13  }
0x11e: {  	v11 =	vld [tilespmem:s29+$0x10850];
	_ =	sdelay $0x4  }
0x11f: {  	v61 =	vsub.s32 v11, v10  }
0x120: {  	v11 =	vand.u32 $0x7F, v11;
	vm1 =	vlt.u32 v61, $0x8000;
	v12 =	vand.u32 $0xFFFFFF80, v61  }
0x121: {  	v13 =	vld [tilespmem:s29+$0x11850];
	v11 =	vor.u32 v11, v12;
	_ =	sdelay $0x4  }
0x122: {  	[tilespmem:v11+s4+$0x0] =	vst.idx.msk vm1, v13  }
0x123: {  	v11 =	vld [tilespmem:s29+$0x10860];
	_ =	sdelay $0x4  }
0x124: {  	v62 =	vsub.s32 v11, v10  }
0x125: {  	v11 =	vand.u32 $0x7F, v11;
	vm1 =	vlt.u32 v62, $0x8000;
	v12 =	vand.u32 $0xFFFFFF80, v62  }
0x126: {  	v13 =	vld [tilespmem:s29+$0x11860];
	v11 =	vor.u32 v11, v12;
	_ =	sdelay $0x4  }
0x127: {  	[tilespmem:v11+s4+$0x0] =	vst.idx.msk vm1, v13  }
0x128: {  	v11 =	vld [tilespmem:s29+$0x10870];
	_ =	sdelay $0x4  }
0x129: {  	v63 =	vsub.s32 v11, v10  }
0x12a: {  	v11 =	vand.u32 $0x7F, v11;
	vm1 =	vlt.u32 v63, $0x8000;
	v12 =	vand.u32 $0xFFFFFF80, v63  }
0x12b: {  	p1 =	sne.s32 s28, $0x1E00;
	v13 =	vld [tilespmem:s29+$0x11870];
	v11 =	vor.u32 v11, v12  }
.Ltmp11:
0x12c: {  	_ = 	snop;
	(pc) =	sbr.rel @p1 .LBB2_12-.Ltmp11, $2  }
0x12d: {  	_ =	sdelay $0x2  }
0x12e: {  	s28 =	sadd.s32 $0x200, s28;
	[tilespmem:v11+s4+$0x0] =	vst.idx.msk vm1, v13  }
.Ltmp12:
0x12f: {  	_ = 	snop;
	(pc) =	sbr.rel .LBB2_13-.Ltmp12, $1  }
0x130: {  	_ =	sdelay $0x3  }
.LBB2_14:
0x131: {  	s22 =	sshll.u32 s22, $0xC  }
0x132: {  	s20 =	sadd.s32 $0x2, s20;
	s22 =	sadd.s32 s6, s22  }
0x133: {  	[hbm4b:s22+s4] =	stream.linear.scatter [tilespmem:s4], [sflag:$0x3], $0x8000, $0x38;
	[tilespmem:$0x12180] =	vst v63  }
0x134: {  	s30 =	sand.u32 $0xF0, s20;
	v10 =	vld [tilespmem:s21+$0x12100]  }
0x135: {  	v11 =	vld [tilespmem:s30+$0x12100];
	_ =	sdelay $0x2  }
0x136: {  	s20 =	sand.u32 $0xE, s20  }
0x137: {  	v12 =	vmov s20;
	v10 =	vxor.u32 $0x80000000, v10  }
0x138: {  	vm15 =	veq.s32 v12, v0;
	v11 =	vxor.u32 $0x80000000, v11;
	v10 =	vnsel vm0, $0x0, v10  }
0x139: {  	(xrf0) =	vmax.scan.msk.u32 $0xffff, v10;
	v10 =	vnsel vm15, $0x0, v11  }
0x13a: {  	(xrf0) =	vmax.scan.msk.u32 $0xffff, v10;
	_ =	sdelay $0x4  }
0x13b: {  	v10, _, _ =	vpop (xrf0)  }
0x13c: {  	(v2sf) =	vpush v10, $0xF;
	v10, _, _ =	vpop (xrf0)  }
0x13d: {  	(v2sf) =	vpush v10, $0xF;
	_ =	sdelay $0xd  }
0x13e: {  	s20 =	spop (v2sf)  }
0x13f: {  	s22 =	simm.s32 @!p0 $0x4;
	s31 =	spop (v2sf)  }
0x140: {  	s19 =	sadd.s32 s1, s19;
	s25 =	simm.s32 $0x200;
	_ =	swait.ge @!p0 [sflag:s22], $0x8000  }
0x141: {  	s23 =	sshll.u32 s19, $0xF;
	s24 =	sxor.u32 $0x80000000, s20;
	[sflag:s22] =	ssyncset.done @!p0 $0x0  }
0x142: {  	s21 =	sxor.u32 $0x80000000, s31;
	[sflag:s22] =	ssyncadd.s32 @!p0 $0xFFFF8000;
	s22 =	simm.s32 $0x0  }
.LBB2_15:
0x143: {  	p0 =	sne.s32 s25, $0x1FE00;
	[tilespmem:s22+$0x8070] =	vst v9  }
0x144: {  	[tilespmem:s22+$0x8000] =	vst v9  }
0x145: {  	[tilespmem:s22+$0x8010] =	vst v9  }
.Ltmp13:
0x146: {  	[tilespmem:s22+$0x8020] =	vst v9;
	(pc) =	sbr.rel @p0 .LBB2_15-.Ltmp13, $4  }
0x147: {  	[tilespmem:s22+$0x8030] =	vst v9  }
0x148: {  	[tilespmem:s22+$0x8040] =	vst v9  }
0x149: {  	[tilespmem:s22+$0x8050] =	vst v9  }
0x14a: {  	[tilespmem:s22+$0x8060] =	vst v9;
	s22 =	sshra.s32 s25, $0x2;
	s25 =	sadd.s32 $0x200, s25  }
0x14b: {  	p0 =	slt.s32 s24, $0x1;
	p1 =	sgt.s32 s20, $0xFFFFFFFF;
	s31 =	sand.u32 $0x7, s20  }
0x14c: {  	s25 =	sshra.s32 s24, $0x1F;
	p0 =	por p1, p0;
	p3 =	sne.s32 s31, $0x0  }
0x14d: {  	s26 =	sshrl.u32 s25, $0x1D;
	p0 =	por !p3, !p0  }
0x14e: {  	s20 =	sadd.s32 s26, s24;
	s24 =	simm.s32 $0x1;
	p0 =	por !p0, !p0  }
0x14f: {  	s20 =	sshrl.u32 s20, $0x3;
	s24 =	simm.s32 @!p0 $0x0  }
0x150: {  	s20 =	ssub.s32 s20, s24  }
0x151: {  	s20 =	sshll.u32 s20, $0x3  }
0x152: {  	s21 =	ssub.s32 s21, s20  }
0x153: {  	s21 =	sadd.s32 $0x7FF, s21  }
0x154: {  	s28 =	sand.u32 $0x7FF, s21  }
0x155: {  	s29 =	sshra.s32 s21, $0x1F;
	p4 =	slt.s32 s21, $0x1;
	p5 =	sne.s32 s28, $0x0  }
0x156: {  	s30 =	sshrl.u32 s29, $0x15;
	p0 =	por !p4, !p5  }
0x157: {  	s24 =	simm.s32 $0x1;
	s21 =	sadd.s32 s30, s21;
	p0 =	por !p0, !p0  }
0x158: {  	[tilespmem:s22+$0x8070] =	vst v9;
	s21 =	sshra.s32 s21, $0xB;
	s24 =	simm.s32 @!p0 $0x0  }
0x159: {  	[tilespmem:s22+$0x8000] =	vst v9;
	s21 =	ssub.s32 s21, s24  }
0x15a: {  	[tilespmem:s22+$0x8010] =	vst v9;
	p0 =	slt.s32 s21, $0x1  }
0x15b: {  	[tilespmem:s22+$0x8020] =	vst v9;
	s25 =	smov.u32 s20;
	p1 =	slt.s32 @!p0 s20, $0x17FF800  }
0x15c: {  	[tilespmem:s22+$0x8030] =	vst v9;
	s24 =	sadd.s32 $0x1, s21;
	p6 =	slt.s32 s21, $0x0;
	p1 =	por !p1, p0  }
0x15d: {  	[tilespmem:s22+$0x8040] =	vst v9;
	s26 =	sand.u32 $0x1, s24;
	s28 =	simm.s32 @!p0 $0x10000;
	s25 =	simm.s32 @p1 $0x17FF800  }
0x15e: {  	[tilespmem:s22+$0x8050] =	vst v9;
	s31 =	sshrl.u32 s24, $0x1F;
	p2 =	seq.s32 s26, $0x1;
	s25 =	sshrl.u32 @!p0 s25, $0x3  }
0x15f: {  	[tilespmem:s22+$0x8060] =	vst v9;
	s26 =	simm.s32 @!p0 $0x0;
	p1 =	por !p6, !p2;
	s22 =	sadd.s32 @!p0 s2, s25  }
0x160: {  	[tilespmem:s28], [sflag:$0x1] =	stream.linear.gather @!p0 [hbm4b:s22+s26], $0x800, $0x38;
	[tilespmem:$0x12180] =	vst v63  }
0x161: {  	p1 =	por !p1, !p1;
	s22 =	sadd.s32 s31, s24;
	s24 =	simm.s32 $0x1  }
0x162: {  	s22 =	sshra.s32 s22, $0x1;
	s24 =	simm.s32 @!p1 $0x0  }
0x163: {  	s22 =	ssub.s32 s22, s24;
	s24 =	sadd.s32 @!p0 s5, s25;
	s25 =	simm.s32 @!p0 $0x11000  }
0x164: {  	[tilespmem:s25], [sflag:$0x1] =	stream.linear.gather @!p0 [hbm4b:s24+s26], $0x800, $0x38;
	[tilespmem:$0x12180] =	vst v63  }
0x165: {  	p0 =	slt.s32 s22, $0x1  }
.Ltmp14:
0x166: {  	_ = 	snop;
	(pc) =	sbr.rel @p0 .LBB2_24-.Ltmp14, $1  }
0x167: {  	_ =	sdelay $0x3  }
.Ltmp15:
0x168: {  	(pc) =	sbr.rel .LBB2_18-.Ltmp15, $2  }
0x169: {  	_ =	sdelay $0x2  }
0x16a: {  	v10 =	vmov s23;
	s23 =	simm.s32 $0x0  }
.LBB2_23:
0x16b: {  	s23 =	sadd.s32 $0x1, s23  }
0x16c: {  	p0 =	sne.s32 s23, s22  }
.Ltmp16:
0x16d: {  	_ = 	snop;
	(pc) =	sbr.rel @!p0 .LBB2_24-.Ltmp16, $1  }
0x16e: {  	_ =	sdelay $0x3  }
.LBB2_18:
0x16f: {  	s24 =	sshllo.u32 s23, $0x1  }
0x170: {  	p0 =	sge.s32 s24, s21  }
0x171: {  	s24 =	sshll.u32 @!p0 s24, $0xB  }
0x172: {  	s24 =	sadd.s32 @!p0 s20, s24  }
0x173: {  	p1 =	slt.s32 @!p0 s24, $0x17FF800  }
0x174: {  	p1 =	por !p1, p0  }
0x175: {  	s24 =	simm.s32 @p1 $0x17FF800  }
0x176: {  	s24 =	sshrl.u32 @!p0 s24, $0x3  }
0x177: {  	s26 =	simm.s32 @!p0 $0x0;
	s28 =	simm.s32 @!p0 $0x10800;
	s25 =	sadd.s32 @!p0 s2, s24  }
0x178: {  	[tilespmem:s28], [sflag:$0x2] =	stream.linear.gather @!p0 [hbm4b:s25+s26], $0x800, $0x38;
	[tilespmem:$0x12180] =	vst v63  }
0x179: {  	s24 =	sadd.s32 @!p0 s5, s24;
	s25 =	simm.s32 @!p0 $0x11800  }
0x17a: {  	[tilespmem:s25], [sflag:$0x2] =	stream.linear.gather @!p0 [hbm4b:s24+s26], $0x800, $0x38;
	[tilespmem:$0x12180] =	vst v63  }
0x17b: {  	_ =	swait.ge [sflag:s12], $0x800  }
0x17c: {  	[sflag:s12] =	ssyncset.done $0x0  }
0x17d: {  	[sflag:s12] =	ssyncadd.s32 $0xFFFFF800  }
0x17e: {  	_ =	swait.ge [sflag:s12], $0x800  }
0x17f: {  	[sflag:s12] =	ssyncset.done $0x0  }
0x180: {  	s24 =	sshll.u32 s23, $0x1;
	s25 =	simm.s32 $0x0;
	[sflag:s12] =	ssyncadd.s32 $0xFFFFF800  }
.LBB2_19:
0x181: {  	s26 =	sshra.s32 s25, $0x2  }
0x182: {  	v11 =	vld [tilespmem:s26+$0x10000];
	_ =	sdelay $0x4  }
0x183: {  	v12 =	vsub.s32 v11, v10  }
0x184: {  	v11 =	vand.u32 $0x7F, v11;
	vm0 =	vlt.u32 v12, $0x8000;
	v12 =	vand.u32 $0xFFFFFF80, v12  }
0x185: {  	v13 =	vld [tilespmem:s26+$0x11000];
	v11 =	vor.u32 v11, v12;
	_ =	sdelay $0x4  }
0x186: {  	[tilespmem:v11+s14+$0x0] =	vst.idx.msk vm0, v13  }
0x187: {  	v11 =	vld [tilespmem:s26+$0x10010];
	_ =	sdelay $0x4  }
0x188: {  	v57 =	vsub.s32 v11, v10  }
0x189: {  	v11 =	vand.u32 $0x7F, v11;
	vm9 =	vlt.u32 v57, $0x8000;
	v12 =	vand.u32 $0xFFFFFF80, v57  }
0x18a: {  	v13 =	vld [tilespmem:s26+$0x11010];
	v11 =	vor.u32 v11, v12;
	_ =	sdelay $0x4  }
0x18b: {  	[tilespmem:v11+s14+$0x0] =	vst.idx.msk vm9, v13  }
0x18c: {  	v11 =	vld [tilespmem:s26+$0x10020];
	_ =	sdelay $0x4  }
0x18d: {  	v58 =	vsub.s32 v11, v10  }
0x18e: {  	v11 =	vand.u32 $0x7F, v11;
	vm10 =	vlt.u32 v58, $0x8000;
	v12 =	vand.u32 $0xFFFFFF80, v58  }
0x18f: {  	v13 =	vld [tilespmem:s26+$0x11020];
	v11 =	vor.u32 v11, v12;
	_ =	sdelay $0x4  }
0x190: {  	[tilespmem:v11+s14+$0x0] =	vst.idx.msk vm10, v13  }
0x191: {  	v11 =	vld [tilespmem:s26+$0x10030];
	_ =	sdelay $0x4  }
0x192: {  	v59 =	vsub.s32 v11, v10  }
0x193: {  	v11 =	vand.u32 $0x7F, v11;
	vm11 =	vlt.u32 v59, $0x8000;
	v12 =	vand.u32 $0xFFFFFF80, v59  }
0x194: {  	v13 =	vld [tilespmem:s26+$0x11030];
	v11 =	vor.u32 v11, v12;
	_ =	sdelay $0x4  }
0x195: {  	[tilespmem:v11+s14+$0x0] =	vst.idx.msk vm11, v13  }
0x196: {  	v11 =	vld [tilespmem:s26+$0x10040];
	_ =	sdelay $0x4  }
0x197: {  	v60 =	vsub.s32 v11, v10  }
0x198: {  	v11 =	vand.u32 $0x7F, v11;
	vm12 =	vlt.u32 v60, $0x8000;
	v12 =	vand.u32 $0xFFFFFF80, v60  }
0x199: {  	v13 =	vld [tilespmem:s26+$0x11040];
	v11 =	vor.u32 v11, v12;
	_ =	sdelay $0x4  }
0x19a: {  	[tilespmem:v11+s14+$0x0] =	vst.idx.msk vm12, v13  }
0x19b: {  	v11 =	vld [tilespmem:s26+$0x10050];
	_ =	sdelay $0x4  }
0x19c: {  	v61 =	vsub.s32 v11, v10  }
0x19d: {  	v11 =	vand.u32 $0x7F, v11;
	vm13 =	vlt.u32 v61, $0x8000;
	v12 =	vand.u32 $0xFFFFFF80, v61  }
0x19e: {  	v13 =	vld [tilespmem:s26+$0x11050];
	v11 =	vor.u32 v11, v12;
	_ =	sdelay $0x4  }
0x19f: {  	[tilespmem:v11+s14+$0x0] =	vst.idx.msk vm13, v13  }
0x1a0: {  	v11 =	vld [tilespmem:s26+$0x10060];
	_ =	sdelay $0x4  }
0x1a1: {  	v62 =	vsub.s32 v11, v10  }
0x1a2: {  	v11 =	vand.u32 $0x7F, v11;
	vm14 =	vlt.u32 v62, $0x8000;
	v12 =	vand.u32 $0xFFFFFF80, v62  }
0x1a3: {  	v13 =	vld [tilespmem:s26+$0x11060];
	v11 =	vor.u32 v11, v12;
	_ =	sdelay $0x4  }
0x1a4: {  	[tilespmem:v11+s14+$0x0] =	vst.idx.msk vm14, v13  }
0x1a5: {  	v11 =	vld [tilespmem:s26+$0x10070];
	_ =	sdelay $0x4  }
0x1a6: {  	v63 =	vsub.s32 v11, v10  }
0x1a7: {  	v11 =	vand.u32 $0x7F, v11;
	vm15 =	vlt.u32 v63, $0x8000;
	v12 =	vand.u32 $0xFFFFFF80, v63  }
0x1a8: {  	p1 =	sne.s32 s25, $0x1E00;
	v13 =	vld [tilespmem:s26+$0x11070];
	v11 =	vor.u32 v11, v12  }
.Ltmp17:
0x1a9: {  	_ = 	snop;
	(pc) =	sbr.rel @p1 .LBB2_19-.Ltmp17, $2  }
0x1aa: {  	_ =	sdelay $0x2  }
0x1ab: {  	s25 =	sadd.s32 $0x200, s25;
	[tilespmem:v11+s14+$0x0] =	vst.idx.msk vm15, v13  }
0x1ac: {  	s24 =	sadd.s32 $0x2, s24  }
0x1ad: {  	p1 =	sge.s32 s24, s21  }
0x1ae: {  	s24 =	sshll.u32 @!p1 s24, $0xB  }
0x1af: {  	s24 =	sadd.s32 @!p1 s20, s24  }
0x1b0: {  	p2 =	slt.s32 @!p1 s24, $0x17FF800  }
0x1b1: {  	p2 =	por !p2, p1  }
0x1b2: {  	s24 =	simm.s32 @p2 $0x17FF800  }
.Ltmp18:
0x1b3: {  	s24 =	sshrl.u32 @!p1 s24, $0x3;
	(pc) =	sbr.rel @p0 .LBB2_23-.Ltmp18, $4  }
0x1b4: {  	s26 =	simm.s32 @!p1 $0x0;
	s28 =	simm.s32 @!p1 $0x10000;
	s25 =	sadd.s32 @!p1 s2, s24  }
0x1b5: {  	[tilespmem:s28], [sflag:$0x1] =	stream.linear.gather @!p1 [hbm4b:s25+s26], $0x800, $0x38;
	[tilespmem:$0x12180] =	vst v63  }
0x1b6: {  	s24 =	sadd.s32 @!p1 s5, s24;
	s25 =	simm.s32 @!p1 $0x11000  }
0x1b7: {  	[tilespmem:s25], [sflag:$0x1] =	stream.linear.gather @!p1 [hbm4b:s24+s26], $0x800, $0x38;
	[tilespmem:$0x12180] =	vst v63  }
0x1b8: {  	_ =	swait.ge [sflag:s13], $0x800  }
0x1b9: {  	[sflag:s13] =	ssyncset.done $0x0  }
0x1ba: {  	[sflag:s13] =	ssyncadd.s32 $0xFFFFF800  }
0x1bb: {  	_ =	swait.ge [sflag:s13], $0x800  }
0x1bc: {  	[sflag:s13] =	ssyncset.done $0x0  }
0x1bd: {  	s24 =	simm.s32 $0x0;
	[sflag:s13] =	ssyncadd.s32 $0xFFFFF800  }
.LBB2_22:
0x1be: {  	s25 =	sshra.s32 s24, $0x2  }
0x1bf: {  	v11 =	vld [tilespmem:s25+$0x10800];
	_ =	sdelay $0x4  }
0x1c0: {  	v12 =	vsub.s32 v11, v10  }
0x1c1: {  	v11 =	vand.u32 $0x7F, v11;
	vm0 =	vlt.u32 v12, $0x8000;
	v12 =	vand.u32 $0xFFFFFF80, v12  }
0x1c2: {  	v13 =	vld [tilespmem:s25+$0x11800];
	v11 =	vor.u32 v11, v12;
	_ =	sdelay $0x4  }
0x1c3: {  	[tilespmem:v11+s14+$0x0] =	vst.idx.msk vm0, v13  }
0x1c4: {  	v11 =	vld [tilespmem:s25+$0x10810];
	_ =	sdelay $0x4  }
0x1c5: {  	v57 =	vsub.s32 v11, v10  }
0x1c6: {  	v11 =	vand.u32 $0x7F, v11;
	vm9 =	vlt.u32 v57, $0x8000;
	v12 =	vand.u32 $0xFFFFFF80, v57  }
0x1c7: {  	v13 =	vld [tilespmem:s25+$0x11810];
	v11 =	vor.u32 v11, v12;
	_ =	sdelay $0x4  }
0x1c8: {  	[tilespmem:v11+s14+$0x0] =	vst.idx.msk vm9, v13  }
0x1c9: {  	v11 =	vld [tilespmem:s25+$0x10820];
	_ =	sdelay $0x4  }
0x1ca: {  	v58 =	vsub.s32 v11, v10  }
0x1cb: {  	v11 =	vand.u32 $0x7F, v11;
	vm10 =	vlt.u32 v58, $0x8000;
	v12 =	vand.u32 $0xFFFFFF80, v58  }
0x1cc: {  	v13 =	vld [tilespmem:s25+$0x11820];
	v11 =	vor.u32 v11, v12;
	_ =	sdelay $0x4  }
0x1cd: {  	[tilespmem:v11+s14+$0x0] =	vst.idx.msk vm10, v13  }
0x1ce: {  	v11 =	vld [tilespmem:s25+$0x10830];
	_ =	sdelay $0x4  }
0x1cf: {  	v59 =	vsub.s32 v11, v10  }
0x1d0: {  	v11 =	vand.u32 $0x7F, v11;
	vm11 =	vlt.u32 v59, $0x8000;
	v12 =	vand.u32 $0xFFFFFF80, v59  }
0x1d1: {  	v13 =	vld [tilespmem:s25+$0x11830];
	v11 =	vor.u32 v11, v12;
	_ =	sdelay $0x4  }
0x1d2: {  	[tilespmem:v11+s14+$0x0] =	vst.idx.msk vm11, v13  }
0x1d3: {  	v11 =	vld [tilespmem:s25+$0x10840];
	_ =	sdelay $0x4  }
0x1d4: {  	v60 =	vsub.s32 v11, v10  }
0x1d5: {  	v11 =	vand.u32 $0x7F, v11;
	vm12 =	vlt.u32 v60, $0x8000;
	v12 =	vand.u32 $0xFFFFFF80, v60  }
0x1d6: {  	v13 =	vld [tilespmem:s25+$0x11840];
	v11 =	vor.u32 v11, v12;
	_ =	sdelay $0x4  }
0x1d7: {  	[tilespmem:v11+s14+$0x0] =	vst.idx.msk vm12, v13  }
0x1d8: {  	v11 =	vld [tilespmem:s25+$0x10850];
	_ =	sdelay $0x4  }
0x1d9: {  	v61 =	vsub.s32 v11, v10  }
0x1da: {  	v11 =	vand.u32 $0x7F, v11;
	vm13 =	vlt.u32 v61, $0x8000;
	v12 =	vand.u32 $0xFFFFFF80, v61  }
0x1db: {  	v13 =	vld [tilespmem:s25+$0x11850];
	v11 =	vor.u32 v11, v12;
	_ =	sdelay $0x4  }
0x1dc: {  	[tilespmem:v11+s14+$0x0] =	vst.idx.msk vm13, v13  }
0x1dd: {  	v11 =	vld [tilespmem:s25+$0x10860];
	_ =	sdelay $0x4  }
0x1de: {  	v62 =	vsub.s32 v11, v10  }
0x1df: {  	v11 =	vand.u32 $0x7F, v11;
	vm14 =	vlt.u32 v62, $0x8000;
	v12 =	vand.u32 $0xFFFFFF80, v62  }
0x1e0: {  	v13 =	vld [tilespmem:s25+$0x11860];
	v11 =	vor.u32 v11, v12;
	_ =	sdelay $0x4  }
0x1e1: {  	[tilespmem:v11+s14+$0x0] =	vst.idx.msk vm14, v13  }
0x1e2: {  	v11 =	vld [tilespmem:s25+$0x10870];
	_ =	sdelay $0x4  }
0x1e3: {  	v63 =	vsub.s32 v11, v10  }
0x1e4: {  	v11 =	vand.u32 $0x7F, v11;
	vm15 =	vlt.u32 v63, $0x8000;
	v12 =	vand.u32 $0xFFFFFF80, v63  }
0x1e5: {  	p0 =	sne.s32 s24, $0x1E00;
	v13 =	vld [tilespmem:s25+$0x11870];
	v11 =	vor.u32 v11, v12  }
.Ltmp19:
0x1e6: {  	_ = 	snop;
	(pc) =	sbr.rel @p0 .LBB2_22-.Ltmp19, $2  }
0x1e7: {  	_ =	sdelay $0x2  }
0x1e8: {  	s24 =	sadd.s32 $0x200, s24;
	[tilespmem:v11+s14+$0x0] =	vst.idx.msk vm15, v13  }
.Ltmp20:
0x1e9: {  	_ = 	snop;
	(pc) =	sbr.rel .LBB2_23-.Ltmp20, $1  }
0x1ea: {  	_ =	sdelay $0x3  }
.LBB2_26:
0x1eb: {  	_ =	sfence.sel $0x180000  }
0x1ec: {  	[bflag:$0x0] =	sbarrier.arrive $0xFFFF  }
0x1ed: {  	p0 =	sne.s32 s0, $0x0;
	_ =	strace $0x90000050  }
0x1ee: {  	s0 =	sadd.s32 @!p0 $0x100000, s3;
	[bflag:$0x2] =	sbarrier.arrive $0xFFFF  }
0x1ef: {  	[sflag:s0] =	ssyncadd.tile.s32 @!p0 $0x1;
	_ =	shalt  }
.Lfunc_end2:
_tile_overlayer_lowered:
.L_overlay_start_2:
0x1f0: {  	(tag) =	ssettag $0x2  }
0x1f1: {  	s0 =	rddreg [dreg:$0x0];
	s2 =	stileid.u32  }
0x1f2: {  	s1 =	rddreg [dreg:$0x1];
	p0 =	sne.s32 s2, $0x0  }
0x1f3: {  	s3 =	rddreg [dreg:$0x2];
	[bflag:$0x3] =	sbarrier.arrive $0xFFFF;
	s2 =	simm.s32 @!p0 $0x1C06  }
0x1f4: {  	[timem:s3], [sflag:s2] =	dma.local @!p0 [hbm:s0], s1  }
0x1f5: {  	s0 =	simm.s32 @!p0 $0x6  }
0x1f6: {  	_ =	swait.ge @!p0 [sflag:s0], s1  }
0x1f7: {  	s1 =	ssub.s32 @!p0 $0x0, s1;
	[sflag:s0] =	ssyncset.done @!p0 $0x0  }
0x1f8: {  	[sflag:s0] =	ssyncadd.s32 @!p0 s1  }
0x1f9: {  	[bflag:$0x3] =	sbarrier.arrive $0xFFFF  }
0x1fa: {  	_ =	shalt  }

// kernel: sparse-core-data-format-call.1.cloned.1.call-start
scs
called_computation.1_lowered:
.L_overlay_start_0:
0x0: {  	s2 =	sld [smem:$0x3FD9]  }
0x1: {  	s3 =	sld [smem:$0x3FFE];
	_ =	sdelay $0x1  }
0x2: {  	s1 =	srdreg.scid  }
0x3: {  	s0 =	sand.u32 $0x1, s1  }
0x4: {  	s18 =	sshll.u32 s0, $0xA;
	s2 =	sadd.s32 s3, s2  }
0x5: {  	s2 =	sadd.s32 s2, s18  }
0x6: {  	[smem:$0x3FC6] =	sst s2  }
0x7: {  	_ = 	snop  }
0x8: {  	s19 =	sld [smem:$0x3FC8];
	(tm) =	ssettm $0x1  }
0x9: {  	s20 =	sld [smem:$0x3FFB];
	_ =	sdelay $0x3  }
0xa: {  	_ =	strace s20  }
0xb: {  	s2 =	sld [smem:$0x3FFC];
	_ =	sdelay $0x3  }
0xc: {  	_ =	strace s2  }
0xd: {  	s2 =	sld [smem:$0x3FFD];
	_ =	sdelay $0x3  }
0xe: {  	_ =	strace s2  }
0xf: {  	_ =	strace $0x8FFFFFFF  }
0x10: {  	s21 =	sld [smem:$0x3FDB];
	_ =	sdelay $0x1  }
0x11: {  	s4 =	simm.s32 $_scs_section_size  }
0x12: {  	s5 =	simm.s32 $_size__tile_overlayer_lowered;
	s6 =	simm.s32 $_tile_overlayer_lowered  }
0x13: {  	s7 =	simm.s32 $0x1BFF;
	s22 =	sshll.u32 s6, $0x1;
	s4 =	sadd.s32 s4, s21  }
0x14: {  	s23 =	simm.s32 $0x0;
	s5 =	sshll.u32 s5, $0x1;
	s6 =	sadd.s32 s22, s4  }
0x15: {  	[timem:s23], [sflag:s7] =	dma.local [hbm:s6], s5  }
0x16: {  	_ =	swait.ge [sflag:s7], s5  }
0x17: {  	s5 =	ssub.s32 $0x0, s5;
	[sflag:s7] =	ssyncset.done $0x0  }
0x18: {  	[sflag:s7] =	ssyncadd.s32 s5;
	_ =	sdelay $0x1  }
0x19: {  	s24 =	simm.s32 $0x1B8B  }
0x1a: {  	_ =	swait.ge [sflag:s24], $0x1  }
0x1b: {  	[sflag:s24] =	ssyncset.done $0x0  }
0x1c: {  	[sflag:s24] =	ssyncadd.s32 $0xFFFFFFFF  }
0x1d: {  	s5 =	sld [smem:$0x0]  }
0x1e: {  	s6 =	sand.u32 $0xFFFFFFFE, s1  }
0x1f: {  	p0 =	sne.s32 s1, s6  }
0x20: {  	s6 =	sshll.u32 @p0 s6, $0xE  }
0x21: {  	s6 =	sadd.s32 @p0 $0x11B8D, s6;
	s7 =	sshll.u32 @p0 s5, $0x11  }
0x22: {  	s6 =	sor.u32 @p0 s7, s6  }
0x23: {  	[sflag:s6] =	ssyncadd.remote.s32 @p0 $0x1;
	_ =	sdelay $0x1  }
0x24: {  	s6 =	simm.s32 @p0 $0x1B8D  }
0x25: {  	_ =	swait.eq @p0 [sflag:s6], $0x1  }
0x26: {  	[sflag:s6] =	ssyncadd.s32 @p0 $0xFFFFFFFF  }
0x27: {  	s7 =	sshll.u32 @!p0 s1, $0xE  }
0x28: {  	s7 =	sor.u32 @!p0 $0x4000, s7;
	s6 =	simm.s32 @!p0 $0x1B8D  }
0x29: {  	s5 =	sshll.u32 @!p0 s5, $0x11;
	s7 =	sadd.s32 @!p0 $0x11B8D, s7;
	_ =	swait.eq @!p0 [sflag:s6], $0x1  }
0x2a: {  	s5 =	sor.u32 @!p0 s5, s7;
	[sflag:s6] =	ssyncadd.s32 @!p0 $0xFFFFFFFF  }
0x2b: {  	s26 =	simm.s32 $0x1B8E;
	s25 =	sld [smem:$0x3FFE];
	[sflag:s5] =	ssyncadd.remote.s32 @!p0 $0x1  }
0x2c: {  	s27 =	simm.s32 $execute0_lowered;
	[smem:$0x3FD2] =	sst s26  }
0x2d: {  	s6 =	sshll.u32 s27, $0x1;
	_ =	strace $0x80000049;
	[dreg:$0x1] =	wrdreg $0xFFFFFFFF  }
0x2e: {  	s28 =	simm.s32 $_size_execute0_lowered;
	s4 =	sadd.s32 s4, s6;
	[dreg:$0x0] =	wrdreg $0x0  }
0x2f: {  	s6 =	sshll.u32 s28, $0x1;
	[dreg:$0x2] =	wrdreg s4  }
0x30: {  	[dreg:$0x3] =	wrdreg s6  }
0x31: {  	[dreg:$0x4] =	wrdreg $0xC0  }
0x32: {  	_ =	task [dreg:s23], $0x5FFFF  }
0x33: {  	[dreg:$0x1] =	wrdreg $0xFFFFFFFF  }
0x34: {  	[dreg:$0x0] =	wrdreg $0x60  }
0x35: {  	[dreg:$0x2] =	wrdreg s19  }
0x36: {  	[dreg:$0x3] =	wrdreg s25  }
0x37: {  	[dreg:$0x4] =	wrdreg $0xA  }
0x38: {  	_ =	task.clear_ibuf [dreg:s23], $0x5FFFF;
	_ =	strace $0x90000049  }
0x39: {  	s29 =	simm.s32 $0xA;
	_ =	strace $0x8000004B  }
0x3a: {  	_ =	swait.ge [sflag:s29], $0x1  }
0x3b: {  	[sflag:s29] =	ssyncadd.s32 $0xFFFFFFFF  }
0x3c: {  	_ =	strace $0x9000004B  }
0x3d: {  	_ =	sfence  }
0x3e: {  	s30 =	sld [smem:$0x0];
	_ =	sdelay $0x2  }
0x3f: {  	s31 =	sshll.u32 s1, $0xD;
	s1 =	sshrl.u32 s1, $0x2  }
0x40: {  	s4 =	sand.u32 $0x4000, s31;
	s1 =	sadd.s32 s1, s30  }
0x41: {  	s0 =	sor.u32 s4, s0;
	s1 =	sshll.u32 s1, $0x11  }
0x42: {  	s0 =	sor.u32 s1, s0  }
0x43: {  	s0 =	sadd.s32 $0x8F2B, s0  }
0x44: {  	[sflag:s0] =	ssyncadd.remote.s32 $0x1  }
0x45: {  	_ =	sfence.sel $0xFFFF  }
0x46: {  	[dreg:$0x0] =	wrdreg $0xFFFFFFFF;
	(pc) =	sbr.abs _section_cstart, $3  }
0x47: {  	[dreg:$0x1] =	wrdreg $0xFFFFFFFF  }
0x48: {  	_ =	task.clear_ibuf [dreg:s23], $0x2FFFF;
	_ =	strace $0x9FFFFFFF  }
0x49: {  	(tm) =	ssettm $0x7FFFFFFF  }
tec
execute0_lowered:
.L_overlay_start_1:
0x0: {  	(tag) =	ssettag $0x1  }
0x1: {  	s0 =	srdreg.scid  }
0x2: {  	s1 =	sshll.u32 s0, $0x4  }
0x3: {  	s2 =	rddreg [dreg:$0x0];
	s0 =	stileid.u32;
	s1 =	sand.u32 $0x10, s1  }
0x4: {  	s4 =	rddreg [dreg:$0x1];
	s7 =	simm.s32 $0x1;
	s1 =	sor.u32 s0, s1  }
0x5: {  	s8 =	simm.s32 $0x2;
	s9 =	simm.s32 $0x0;
	s3 =	sshll.u32 s1, $0x3  }
0x6: {  	s12 =	simm.s32 $0x0;
	s11 =	simm.s32 $0x0;
	s6 =	ssub.s32 $0x3000, s3  }
.Ltmp0:
0x7: {  	s4 =	sadd.s32 $0x300A00, s4;
	s5 =	sand.u32 $0xF8, s6;
	(pc) =	sbr.rel .LBB1_1-.Ltmp0, $4  }
0x8: {  	s1 =	rddreg [dreg:$0x2];
	_ =	strace $0x8000004A;
	p0 =	sne.s32 s5, $0x0  }
0x9: {  	s6 =	sshrl.u32 s6, $0x8;
	s5 =	simm.s32 $0x1;
	s7 =	simm.s32 @!p0 $0x0  }
0xa: {  	s10 =	smov.u32 s3;
	[sflag:s5] =	ssyncpa.u1 $0x0;
	s6 =	sadd.s32 s7, s6  }
0xb: {  	[sflag:s8] =	ssyncpa.u1 $0x0;
	s8 =	simm.s32 $0x0;
	s7 =	sadd.s32 $0x1, s6  }
.LBB1_9:
0xc: {  	s14 =	sadd.s32 $0x100, s10  }
0xd: {  	p1 =	sgt.s32 s14, $0x2FFF  }
0xe: {  	s14 =	smov.u32 @p1 s3;
	p1 =	sne.s32 s11, s7  }
.Ltmp1:
0xf: {  	p0 =	slt.u32 s11, $0x2;
	(pc) =	sbr.rel @!p1 .LBB1_10-.Ltmp1, $4  }
0x10: {  	s13 =	simm.s32 @!p0 $0x2  }
0x11: {  	s15 =	sadd.s32 $0x1, s11;
	_ =	swait.ge @!p0 [sflag:s13], $0x4000  }
0x12: {  	s12 =	smov.u32 s10;
	s9 =	sadd.s32 $0x4000, s9;
	[sflag:s13] =	ssyncset.done @!p0 $0x0  }
0x13: {  	s11 =	smov.u32 s15;
	s10 =	smov.u32 s14;
	[sflag:s13] =	ssyncadd.s32 @!p0 $0xFFFFC000  }
.LBB1_1:
0x14: {  	p0 =	sge.u32 s11, s6  }
0x15: {  	s13 =	sxor.u32 @!p0 $0xFFFFFFFF, s11  }
0x16: {  	s31 =	sadd.s32 $0xFFFFFFFF, s11;
	s14 =	sshll.u32 @!p0 s10, $0x8;
	s13 =	sshll.u32 @!p0 s13, $0xE  }
0x17: {  	s15 =	simm.s32 @!p0 $0x0;
	s14 =	sadd.s32 @!p0 s2, s14;
	s13 =	sand.u32 @!p0 $0x4000, s13  }
0x18: {  	[tilespmem:s13], [sflag:$0x1] =	stream.linear.gather @!p0 [hbm4b:s14+s15], $0x4000, $0x38;
	[tilespmem:$0x10000] =	vst v63  }
0x19: {  	p0 =	sge.u32 s31, s6  }
.Ltmp2:
0x1a: {  	_ = 	snop;
	(pc) =	sbr.rel @p0 .LBB1_9-.Ltmp2, $1  }
0x1b: {  	_ =	sdelay $0x3  }
0x1c: {  	s13 =	sshll.u32 s9, $0x2;
	_ =	swait.ge [sflag:s5], $0x4000;
	s14 =	sshll.u32 s11, $0xE  }
0x1d: {  	s16 =	simm.s32 $0x0;
	s17 =	simm.s32 $0x0;
	s15 =	sand.u32 $0x10000, s13  }
0x1e: {  	[sflag:s5] =	ssyncset.done $0x0;
	s31 =	sand.u32 $0x4000, s14;
	s14 =	sshrl.u32 s15, $0x2  }
0x1f: {  	[sflag:s5] =	ssyncadd.s32 $0xFFFFC000;
	s13 =	sor.u32 $0x8000, s31;
	s15 =	sor.u32 $0x8000, s14  }
.LBB1_3:
0x20: {  	s18 =	sshra.s32 s16, $0x2  }
0x21: {  	v0 =	vmov s18;
	_ =	sdelay $0x3  }
0x22: {  	p1 =	por $0x1, $0x1;
	s18 =	simm.s32 $0x0  }
.LBB1_4:
0x23: {  	_ = 	snop  }
0x24: {  	s19 =	sshll.u32 s18, $0xA  }
0x25: {  	s19 =	sand.u32 $0x3FFFFC00, s19  }
0x26: {  	s19 =	sadd.s32 s19, s14  }
0x27: {  	v5 =	vld.idx.msk [tilespmem:v0+s19+$0x70 ss:$0x1], $0xffff  }
0x28: {  	v6 =	vld.idx.msk [tilespmem:v0+s19+$0x10 ss:$0x1], $0xffff  }
0x29: {  	v7 =	vld.idx.msk [tilespmem:v0+s19+$0x20 ss:$0x1], $0xffff  }
0x2a: {  	s31 =	sshll.u32 s18, $0x7;
	v1 =	vld.idx.msk [tilespmem:v0+s19+$0x30 ss:$0x1], $0xffff  }
0x2b: {  	s18 =	sand.u32 $0x3FFFFF80, s31;
	v2 =	vld.idx.msk [tilespmem:v0+s19+$0x40 ss:$0x1], $0xffff  }
0x2c: {  	s18 =	sadd.s32 s18, s15;
	v3 =	vld.idx.msk [tilespmem:v0+s19+$0x50 ss:$0x1], $0xffff  }
0x2d: {  	v4 =	vld.idx.msk [tilespmem:v0+s19+$0x60 ss:$0x1], $0xffff;
	[tilespmem:v0+s18+$0x70 ss:$0x1] =	vst.idx.msk $0xffff, v5  }
0x2e: {  	v5 =	vld.idx.msk [tilespmem:v0+s19+$0x0 ss:$0x1], $0xffff;
	[tilespmem:v0+s18+$0x10 ss:$0x1] =	vst.idx.msk $0xffff, v6;
	s19 =	sadd.s32 $0x80, s19  }
0x2f: {  	p0 =	por p1, p1;
	s20 =	simm.s32 $0x6;
	[tilespmem:v0+s18+$0x20 ss:$0x1] =	vst.idx.msk $0xffff, v7;
	v6 =	vld.idx.msk [tilespmem:v0+s19+$0x70 ss:$0x1], $0xffff  }
.LBB1_5:
0x30: {  	p1 =	sne.s32 s20, $0x1;
	v7 =	vld.idx.msk [tilespmem:v0+s19+$0x10 ss:$0x1], $0xffff;
	[tilespmem:v0+s18+$0x30 ss:$0x1] =	vst.idx.msk $0xffff, v1  }
0x31: {  	v8 =	vld.idx.msk [tilespmem:v0+s19+$0x20 ss:$0x1], $0xffff;
	[tilespmem:v0+s18+$0x40 ss:$0x1] =	vst.idx.msk $0xffff, v2  }
0x32: {  	v1 =	vld.idx.msk [tilespmem:v0+s19+$0x30 ss:$0x1], $0xffff;
	[tilespmem:v0+s18+$0x50 ss:$0x1] =	vst.idx.msk $0xffff, v3  }
.Ltmp3:
0x33: {  	v2 =	vld.idx.msk [tilespmem:v0+s19+$0x40 ss:$0x1], $0xffff;
	[tilespmem:v0+s18+$0x60 ss:$0x1] =	vst.idx.msk $0xffff, v4;
	(pc) =	sbr.rel @p1 .LBB1_5-.Ltmp3, $4  }
0x34: {  	v3 =	vld.idx.msk [tilespmem:v0+s19+$0x50 ss:$0x1], $0xffff;
	[tilespmem:v0+s18+$0x0 ss:$0x1] =	vst.idx.msk $0xffff, v5;
	s18 =	sadd.s32 $0x100, s18  }
0x35: {  	v4 =	vld.idx.msk [tilespmem:v0+s19+$0x60 ss:$0x1], $0xffff;
	[tilespmem:v0+s18+$0x70 ss:$0x1] =	vst.idx.msk $0xffff, v6  }
0x36: {  	v5 =	vld.idx.msk [tilespmem:v0+s19+$0x0 ss:$0x1], $0xffff;
	[tilespmem:v0+s18+$0x10 ss:$0x1] =	vst.idx.msk $0xffff, v7;
	s19 =	sadd.s32 $0x80, s19  }
0x37: {  	s20 =	sadd.s32 $0xFFFFFFFF, s20;
	v6 =	vld.idx.msk [tilespmem:v0+s19+$0x70 ss:$0x1], $0xffff;
	[tilespmem:v0+s18+$0x20 ss:$0x1] =	vst.idx.msk $0xffff, v8  }
0x38: {  	_ =	sdelay $0x3  }
0x39: {  	[tilespmem:v0+s18+$0x30 ss:$0x1] =	vst.idx.msk $0xffff, v1  }
0x3a: {  	v1 =	vld.idx.msk [tilespmem:v0+s19+$0x10 ss:$0x1], $0xffff;
	[tilespmem:v0+s18+$0x40 ss:$0x1] =	vst.idx.msk $0xffff, v2  }
0x3b: {  	v2 =	vld.idx.msk [tilespmem:v0+s19+$0x20 ss:$0x1], $0xffff;
	[tilespmem:v0+s18+$0x50 ss:$0x1] =	vst.idx.msk $0xffff, v3  }
0x3c: {  	v61 =	vld.idx.msk [tilespmem:v0+s19+$0x40 ss:$0x1], $0xffff;
	[tilespmem:v0+s18+$0x60 ss:$0x1] =	vst.idx.msk $0xffff, v4  }
0x3d: {  	s31 =	sadd.s32 $0x100, s18;
	v62 =	vld.idx.msk [tilespmem:v0+s19+$0x50 ss:$0x1], $0xffff;
	[tilespmem:v0+s18+$0x0 ss:$0x1] =	vst.idx.msk $0xffff, v5  }
0x3e: {  	v63 =	vld.idx.msk [tilespmem:v0+s19+$0x60 ss:$0x1], $0xffff;
	[tilespmem:v0+s31+$0x70 ss:$0x1] =	vst.idx.msk $0xffff, v6  }
0x3f: {  	v3 =	vld.idx.msk [tilespmem:v0+s19+$0x30 ss:$0x1], $0xffff;
	[tilespmem:v0+s31+$0x10 ss:$0x1] =	vst.idx.msk $0xffff, v1  }
0x40: {  	v1 =	vld.idx.msk [tilespmem:v0+s19+$0x0 ss:$0x1], $0xffff;
	[tilespmem:v0+s31+$0x20 ss:$0x1] =	vst.idx.msk $0xffff, v2  }
.Ltmp4:
0x41: {  	[tilespmem:v0+s31+$0x40 ss:$0x1] =	vst.idx.msk $0xffff, v61;
	(pc) =	sbr.rel @p0 .LBB1_4-.Ltmp4, $4  }
0x42: {  	[tilespmem:v0+s31+$0x50 ss:$0x1] =	vst.idx.msk $0xffff, v62  }
0x43: {  	[tilespmem:v0+s31+$0x60 ss:$0x1] =	vst.idx.msk $0xffff, v63  }
0x44: {  	[tilespmem:v0+s31+$0x30 ss:$0x1] =	vst.idx.msk $0xffff, v3  }
0x45: {  	p1 =	por $0x0, $0x0;
	s18 =	simm.s32 $0x1;
	[tilespmem:v0+s31+$0x0 ss:$0x1] =	vst.idx.msk $0xffff, v1  }
0x46: {  	s17 =	sadd.s32 $0x1, s17  }
0x47: {  	p0 =	sne.s32 s17, $0x8  }
.Ltmp5:
0x48: {  	_ = 	snop;
	(pc) =	sbr.rel @p0 .LBB1_3-.Ltmp5, $2  }
0x49: {  	_ =	sdelay $0x2  }
0x4a: {  	s16 =	sadd.s32 $0x2000, s16  }
.Ltmp6:
0x4b: {  	(pc) =	sbr.rel .LBB1_9-.Ltmp6, $4  }
0x4c: {  	_ = 	snop  }
0x4d: {  	s12 =	sshll.u32 s12, $0x8  }
0x4e: {  	s12 =	sadd.s32 s4, s12  }
0x4f: {  	[hbm4b:s12+s8] =	stream.linear.scatter [tilespmem:s13], [sflag:$0x2], $0x4000, $0x38;
	[tilespmem:$0x10000] =	vst v63  }
.LBB1_10:
0x50: {  	_ =	sfence.sel $0x180000  }
0x51: {  	s2 =	simm.s32 $0x1;
	[bflag:$0x0] =	sbarrier.arrive $0xFFFF  }
0x52: {  	s31 =	simm.s32 $0x2;
	[sflag:s2] =	ssyncpa.u1 $0x1  }
0x53: {  	[sflag:s31] =	ssyncpa.u1 $0x1  }
0x54: {  	p0 =	sne.s32 s0, $0x0;
	_ =	strace $0x9000004A  }
0x55: {  	s0 =	sadd.s32 @!p0 $0x100000, s1;
	[bflag:$0x2] =	sbarrier.arrive $0xFFFF  }
0x56: {  	[sflag:s0] =	ssyncadd.tile.s32 @!p0 $0x1;
	_ =	shalt  }
.Lfunc_end1:
_tile_overlayer_lowered:
.L_overlay_start_2:
0x57: {  	(tag) =	ssettag $0x2  }
0x58: {  	s0 =	rddreg [dreg:$0x0];
	s2 =	stileid.u32  }
0x59: {  	s1 =	rddreg [dreg:$0x1];
	p0 =	sne.s32 s2, $0x0  }
0x5a: {  	s3 =	rddreg [dreg:$0x2];
	[bflag:$0x3] =	sbarrier.arrive $0xFFFF;
	s2 =	simm.s32 @!p0 $0x1C01  }
0x5b: {  	[timem:s3], [sflag:s2] =	dma.local @!p0 [hbm:s0], s1  }
0x5c: {  	s0 =	simm.s32 @!p0 $0x1  }
0x5d: {  	_ =	swait.ge @!p0 [sflag:s0], s1  }
0x5e: {  	s1 =	ssub.s32 @!p0 $0x0, s1;
	[sflag:s0] =	ssyncset.done @!p0 $0x0  }
0x5f: {  	[sflag:s0] =	ssyncadd.s32 @!p0 s1  }
0x60: {  	[bflag:$0x3] =	sbarrier.arrive $0xFFFF  }
0x61: {  	_ =	shalt  }

// kernel: sparse-core-data-format-call.2.cloned.1.call-start
scs
called_computation.2_lowered:
.L_overlay_start_0:
0x0: {  	s2 =	sld [smem:$0x3FD9]  }
0x1: {  	s3 =	sld [smem:$0x3FFE];
	_ =	sdelay $0x1  }
0x2: {  	s1 =	srdreg.scid  }
0x3: {  	s0 =	sand.u32 $0x1, s1  }
0x4: {  	s18 =	sshll.u32 s0, $0xA;
	s2 =	sadd.s32 s3, s2  }
0x5: {  	s2 =	sadd.s32 s2, s18  }
0x6: {  	[smem:$0x3FC6] =	sst s2  }
0x7: {  	_ = 	snop  }
0x8: {  	s2 =	sld [smem:$0x3FD0];
	(tm) =	ssettm $0x1  }
0x9: {  	s19 =	sld [smem:$0x3FFB];
	_ =	sdelay $0x3  }
0xa: {  	_ =	strace s19  }
0xb: {  	s3 =	sld [smem:$0x3FFC];
	_ =	sdelay $0x3  }
0xc: {  	_ =	strace s3  }
0xd: {  	s3 =	sld [smem:$0x3FFD];
	_ =	sdelay $0x3  }
0xe: {  	_ =	strace s3  }
0xf: {  	_ =	strace $0x8FFFFFFF  }
0x10: {  	s20 =	sld [smem:$0x3FDB];
	_ =	sdelay $0x1  }
0x11: {  	s4 =	simm.s32 $_scs_section_size  }
0x12: {  	s5 =	simm.s32 $_size__tile_overlayer_lowered;
	s6 =	simm.s32 $_tile_overlayer_lowered  }
0x13: {  	s23 =	simm.s32 $0x1BFF;
	s22 =	sshll.u32 s6, $0x1;
	s3 =	sadd.s32 s4, s20  }
0x14: {  	s7 =	simm.s32 $0x0;
	s21 =	sshll.u32 s5, $0x1;
	s5 =	sadd.s32 s22, s3  }
0x15: {  	[timem:s7], [sflag:s23] =	dma.local [hbm:s5], s21  }
0x16: {  	_ =	swait.ge [sflag:s23], s21  }
0x17: {  	s4 =	ssub.s32 $0x0, s21;
	[sflag:s23] =	ssyncset.done $0x0  }
0x18: {  	[sflag:s23] =	ssyncadd.s32 s4;
	_ =	sdelay $0x1  }
0x19: {  	s24 =	simm.s32 $0x1B8B  }
0x1a: {  	_ =	swait.ge [sflag:s24], $0x1  }
0x1b: {  	[sflag:s24] =	ssyncset.done $0x0  }
0x1c: {  	s26 =	simm.s32 $0x1B8E;
	s25 =	sld [smem:$0x3FFE];
	[sflag:s24] =	ssyncadd.s32 $0xFFFFFFFF  }
0x1d: {  	s27 =	simm.s32 $execute0_lowered;
	[smem:$0x3FD2] =	sst s26  }
0x1e: {  	s5 =	sshll.u32 s27, $0x1;
	_ =	strace $0x80000046;
	[dreg:$0x1] =	wrdreg $0xFFFFFFFF  }
0x1f: {  	s28 =	simm.s32 $_size_execute0_lowered;
	s3 =	sadd.s32 s3, s5;
	[dreg:$0x0] =	wrdreg $0x0  }
0x20: {  	s5 =	sshll.u32 s28, $0x1;
	[dreg:$0x2] =	wrdreg s3  }
0x21: {  	[dreg:$0x3] =	wrdreg s5  }
0x22: {  	[dreg:$0x4] =	wrdreg $0xC0  }
0x23: {  	_ =	task [dreg:s7], $0x5FFFF  }
0x24: {  	[dreg:$0x1] =	wrdreg $0xFFFFFFFF  }
0x25: {  	[dreg:$0x0] =	wrdreg $0x60  }
0x26: {  	[dreg:$0x2] =	wrdreg s2  }
0x27: {  	[dreg:$0x3] =	wrdreg s25  }
0x28: {  	[dreg:$0x4] =	wrdreg $0xB  }
0x29: {  	_ =	task.clear_ibuf [dreg:s7], $0x5FFFF;
	_ =	strace $0x90000046  }
0x2a: {  	s29 =	simm.s32 $0xB;
	_ =	strace $0x80000048  }
0x2b: {  	_ =	swait.ge [sflag:s29], $0x1  }
0x2c: {  	[sflag:s29] =	ssyncadd.s32 $0xFFFFFFFF  }
0x2d: {  	_ =	strace $0x90000048  }
0x2e: {  	_ =	sfence  }
0x2f: {  	s30 =	sld [smem:$0x0];
	_ =	sdelay $0x2  }
0x30: {  	s31 =	sshll.u32 s1, $0xD;
	s1 =	sshrl.u32 s1, $0x2  }
0x31: {  	s3 =	sand.u32 $0x4000, s31;
	s1 =	sadd.s32 s1, s30  }
0x32: {  	s0 =	sor.u32 s3, s0;
	s1 =	sshll.u32 s1, $0x11  }
0x33: {  	s0 =	sor.u32 s1, s0  }
0x34: {  	s0 =	sadd.s32 $0x8F2B, s0  }
0x35: {  	[sflag:s0] =	ssyncadd.remote.s32 $0x1  }
0x36: {  	_ =	sfence.sel $0xFFFF  }
0x37: {  	[dreg:$0x0] =	wrdreg $0xFFFFFFFF;
	(pc) =	sbr.abs _section_cstart, $3  }
0x38: {  	[dreg:$0x1] =	wrdreg $0xFFFFFFFF  }
0x39: {  	_ =	task.clear_ibuf [dreg:s7], $0x2FFFF;
	_ =	strace $0x9FFFFFFF  }
0x3a: {  	(tm) =	ssettm $0x7FFFFFFF  }
0x3b: {  	_ =	shalt  }
tec
execute0_lowered:
.L_overlay_start_1:
0x0: {  	(tag) =	ssettag $0x1  }
0x1: {  	s0 =	srdreg.scid  }
0x2: {  	s1 =	sshll.u32 s0, $0x4  }
0x3: {  	s7 =	rddreg [dreg:$0x0];
	s0 =	stileid.u32;
	s1 =	sand.u32 $0x10, s1  }
0x4: {  	s5 =	rddreg [dreg:$0x1];
	s6 =	sor.u32 s0, s1  }
0x5: {  	s4 =	simm.s32 $0x1;
	s31 =	simm.s32 $0x2;
	s2 =	sshll.u32 s6, $0x4  }
0x6: {  	s13 =	simm.s32 $0x0;
	s9 =	simm.s32 $0x10000;
	s3 =	ssub.s32 $0x200, s2  }
0x7: {  	s10 =	simm.s32 $0x0;
	s14 =	simm.s32 $0x0;
	s30 =	sand.u32 $0x1F0, s3  }
0x8: {  	s11 =	simm.s32 $0x0;
	s12 =	simm.s32 $0x0;
	p0 =	sne.s32 s30, $0x0  }
.Ltmp0:
0x9: {  	s8 =	sshrl.u32 s3, $0x9;
	s4 =	simm.s32 @!p0 $0x0;
	(pc) =	sbr.rel .LBB1_1-.Ltmp0, $4  }
0xa: {  	s1 =	rddreg [dreg:$0x2];
	_ =	strace $0x80000047;
	s4 =	sadd.s32 s4, s8  }
0xb: {  	s6 =	sshll.u32 s6, $0xB;
	s3 =	simm.s32 $0x1;
	s4 =	smul.u32 $0x30, s4  }
0xc: {  	s5 =	sadd.s32 $0xA00, s5;
	s6 =	sadd.s32 s7, s6;
	[sflag:s3] =	ssyncpa.u1 $0x0  }
0xd: {  	[sflag:s31] =	ssyncpa.u1 $0x0;
	s8 =	simm.s32 $0x800;
	s7 =	sor.u32 $0x1, s4  }
.LBB1_7:
0xe: {  	s15 =	sadd.s32 $0x1, s11  }
0xf: {  	p1 =	sgt.s32 s15, $0x2F  }
0x10: {  	s15 =	simm.s32 @p1 $0x0;
	p1 =	sne.s32 s12, s7  }
.Ltmp1:
0x11: {  	p0 =	slt.u32 s12, $0x2;
	(pc) =	sbr.rel @!p1 .LBB1_8-.Ltmp1, $4  }
0x12: {  	s13 =	simm.s32 @!p0 $0x2  }
0x13: {  	s16 =	sadd.s32 $0x1, s12;
	s14 =	smov.u32 s11;
	_ =	swait.ge @!p0 [sflag:s13], $0x4000  }
0x14: {  	s10 =	sadd.s32 $0x4000, s10;
	s12 =	smov.u32 s16;
	[sflag:s13] =	ssyncset.done @!p0 $0x0  }
0x15: {  	s11 =	smov.u32 s15;
	[sflag:s13] =	ssyncadd.s32 @!p0 $0xFFFFC000;
	s13 =	smov.u32 s2  }
.LBB1_1:
0x16: {  	p0 =	sge.u32 s12, s4  }
0x17: {  	s15 =	sxor.u32 @!p0 $0xFFFFFFFF, s12  }
0x18: {  	s31 =	sadd.s32 $0xFFFFFFFF, s12;
	s16 =	sshll.u32 @!p0 s11, $0x10;
	s15 =	sshll.u32 @!p0 s15, $0xE  }
0x19: {  	s17 =	simm.s32 @!p0 $0x0;
	s16 =	sadd.s32 @!p0 s16, s6;
	s15 =	sand.u32 @!p0 $0x4000, s15  }
0x1a: {  	[tilespmem:s15], [sflag:$0x1] =	stream.linear.gather @!p0 [hbm4b:s16+s17], $0x4000, $0x38;
	[tilespmem:$0x10000] =	vst v63  }
0x1b: {  	p0 =	sge.u32 s31, s4  }
.Ltmp2:
0x1c: {  	_ = 	snop;
	(pc) =	sbr.rel @p0 .LBB1_7-.Ltmp2, $1  }
0x1d: {  	_ =	sdelay $0x3  }
0x1e: {  	s16 =	sand.u32 $0x4000, s10  }
0x1f: {  	_ =	swait.ge [sflag:s3], $0x4000;
	s18 =	sshll.u32 s12, $0xE;
	s15 =	sor.u32 $0x8040, s16  }
0x20: {  	s17 =	sor.u32 $0x40, s16;
	[sflag:s3] =	ssyncset.done $0x0;
	s31 =	sand.u32 $0x4000, s18  }
0x21: {  	s18 =	simm.s32 $0x0;
	[sflag:s3] =	ssyncadd.s32 $0xFFFFC000;
	s16 =	sor.u32 $0x8000, s31  }
.LBB1_3:
0x22: {  	v0 =	vmov s17;
	_ =	sdelay $0x3  }
0x23: {  	s20 =	simm.s32 $0x0  }
0x24: {  	v6 =	vld.idx.msk [tilespmem:v0+s20+$0x30 ss:$0x1], $0xffff  }
0x25: {  	v7 =	vld.idx.msk [tilespmem:v0+s20+$0xFFFFFFC0 ss:$0x1], $0xffff  }
0x26: {  	v5 =	vld.idx.msk [tilespmem:v0+s20+$0xFFFFFFD0 ss:$0x1], $0xffff  }
0x27: {  	v4 =	vld.idx.msk [tilespmem:v0+s20+$0xFFFFFFE0 ss:$0x1], $0xffff  }
0x28: {  	v3 =	vld.idx.msk [tilespmem:v0+s20+$0xFFFFFFF0 ss:$0x1], $0xffff  }
0x29: {  	v1 =	vld.idx.msk [tilespmem:v0+s20+$0x0 ss:$0x1], $0xffff  }
0x2a: {  	v2 =	vld.idx.msk [tilespmem:v0+s20+$0x10 ss:$0x1], $0xffff;
	[tilespmem:s15+$0x30] =	vst v6  }
0x2b: {  	s19 =	simm.s32 $0x80;
	s21 =	simm.s32 $0x400;
	[tilespmem:s15+$0xFFFFFFC0] =	vst v7;
	v6 =	vld.idx.msk [tilespmem:v0+s20+$0x20 ss:$0x1], $0xffff;
	s20 =	smov.u32 s15  }
.LBB1_4:
0x2c: {  	p0 =	sne.s32 s21, $0xE00;
	v7 =	vld.idx.msk [tilespmem:v0+s19+$0x30 ss:$0x1], $0xffff;
	[tilespmem:s20+$0xFFFFFFD0] =	vst v5  }
0x2d: {  	v8 =	vld.idx.msk [tilespmem:v0+s19+$0xFFFFFFC0 ss:$0x1], $0xffff;
	[tilespmem:s20+$0xFFFFFFE0] =	vst v4  }
0x2e: {  	v5 =	vld.idx.msk [tilespmem:v0+s19+$0xFFFFFFD0 ss:$0x1], $0xffff;
	[tilespmem:s20+$0xFFFFFFF0] =	vst v3  }
.Ltmp3:
0x2f: {  	v4 =	vld.idx.msk [tilespmem:v0+s19+$0xFFFFFFE0 ss:$0x1], $0xffff;
	[tilespmem:s20+$0x0] =	vst v1;
	(pc) =	sbr.rel @p0 .LBB1_4-.Ltmp3, $4  }
0x30: {  	v3 =	vld.idx.msk [tilespmem:v0+s19+$0xFFFFFFF0 ss:$0x1], $0xffff;
	[tilespmem:s20+$0x10] =	vst v2  }
0x31: {  	v1 =	vld.idx.msk [tilespmem:v0+s19+$0x0 ss:$0x1], $0xffff;
	[tilespmem:s20+$0x20] =	vst v6;
	s20 =	sadd.s32 $0x800, s20  }
0x32: {  	v2 =	vld.idx.msk [tilespmem:v0+s19+$0x10 ss:$0x1], $0xffff;
	[tilespmem:s20+$0x30] =	vst v7  }
0x33: {  	[tilespmem:s20+$0xFFFFFFC0] =	vst v8;
	v6 =	vld.idx.msk [tilespmem:v0+s19+$0x20 ss:$0x1], $0xffff;
	s19 =	sshra.s32 s21, $0x2;
	s21 =	sadd.s32 $0x200, s21  }
0x34: {  	_ =	sdelay $0x2  }
0x35: {  	[tilespmem:s20+$0xFFFFFFD0] =	vst v5  }
0x36: {  	v56 =	vld.idx.msk [tilespmem:v0+s19+$0x30 ss:$0x1], $0xffff;
	[tilespmem:s20+$0xFFFFFFE0] =	vst v4  }
0x37: {  	v57 =	vld.idx.msk [tilespmem:v0+s19+$0xFFFFFFC0 ss:$0x1], $0xffff;
	[tilespmem:s20+$0xFFFFFFF0] =	vst v3  }
0x38: {  	v58 =	vld.idx.msk [tilespmem:v0+s19+$0xFFFFFFD0 ss:$0x1], $0xffff;
	[tilespmem:s20+$0x0] =	vst v1  }
0x39: {  	v59 =	vld.idx.msk [tilespmem:v0+s19+$0xFFFFFFE0 ss:$0x1], $0xffff;
	[tilespmem:s20+$0x10] =	vst v2  }
0x3a: {  	v60 =	vld.idx.msk [tilespmem:v0+s19+$0xFFFFFFF0 ss:$0x1], $0xffff;
	s31 =	sadd.s32 $0x800, s20;
	[tilespmem:s20+$0x20] =	vst v6  }
0x3b: {  	v61 =	vld.idx.msk [tilespmem:v0+s19+$0x0 ss:$0x1], $0xffff;
	[tilespmem:s31+$0x30] =	vst v56  }
0x3c: {  	v62 =	vld.idx.msk [tilespmem:v0+s19+$0x10 ss:$0x1], $0xffff;
	s18 =	sadd.s32 $0x1, s18;
	[tilespmem:s31+$0xFFFFFFC0] =	vst v57  }
0x3d: {  	v63 =	vld.idx.msk [tilespmem:v0+s19+$0x20 ss:$0x1], $0xffff;
	p0 =	sne.s32 s18, $0x10;
	[tilespmem:s31+$0xFFFFFFD0] =	vst v58  }
.Ltmp4:
0x3e: {  	[tilespmem:s31+$0xFFFFFFE0] =	vst v59;
	(pc) =	sbr.rel @p0 .LBB1_3-.Ltmp4, $4  }
0x3f: {  	[tilespmem:s31+$0xFFFFFFF0] =	vst v60  }
0x40: {  	[tilespmem:s31+$0x0] =	vst v61  }
0x41: {  	[tilespmem:s31+$0x10] =	vst v62  }
0x42: {  	s15 =	sadd.s32 $0x80, s15;
	s17 =	sadd.s32 $0x400, s17;
	[tilespmem:s31+$0x20] =	vst v63  }
.Ltmp5:
0x43: {  	(pc) =	sbr.rel .LBB1_7-.Ltmp5, $4  }
0x44: {  	s14 =	sshll.u32 s14, $0x10;
	s13 =	sshll.u32 s13, $0x4  }
0x45: {  	s13 =	sand.u32 $0x1F00, s13;
	s14 =	sadd.s32 s5, s14  }
0x46: {  	s13 =	sadd.s32 s13, s14  }
0x47: {  	[hbm4b:s13+s8] =	stream.strided.scatter [tilespmem:s16], [sflag:$0x2], $0x4000, s9, s8, $0x38;
	[tilespmem:$0x10000] =	vst v63  }
.LBB1_8:
0x48: {  	_ =	sfence.sel $0x180000  }
0x49: {  	s2 =	simm.s32 $0x1;
	[bflag:$0x0] =	sbarrier.arrive $0xFFFF  }
0x4a: {  	s31 =	simm.s32 $0x2;
	[sflag:s2] =	ssyncpa.u1 $0x1  }
0x4b: {  	[sflag:s31] =	ssyncpa.u1 $0x1  }
0x4c: {  	p0 =	sne.s32 s0, $0x0;
	_ =	strace $0x90000047  }
0x4d: {  	s0 =	sadd.s32 @!p0 $0x100000, s1;
	[bflag:$0x2] =	sbarrier.arrive $0xFFFF  }
0x4e: {  	[sflag:s0] =	ssyncadd.tile.s32 @!p0 $0x1;
	_ =	shalt  }
.Lfunc_end1:
_tile_overlayer_lowered:
.L_overlay_start_2:
0x4f: {  	(tag) =	ssettag $0x2  }
0x50: {  	s0 =	rddreg [dreg:$0x0];
	s2 =	stileid.u32  }
0x51: {  	s1 =	rddreg [dreg:$0x1];
	p0 =	sne.s32 s2, $0x0  }
0x52: {  	s3 =	rddreg [dreg:$0x2];
	[bflag:$0x3] =	sbarrier.arrive $0xFFFF;
	s2 =	simm.s32 @!p0 $0x1C01  }
0x53: {  	[timem:s3], [sflag:s2] =	dma.local @!p0 [hbm:s0], s1  }
0x54: {  	s0 =	simm.s32 @!p0 $0x1  }
0x55: {  	_ =	swait.ge @!p0 [sflag:s0], s1  }
0x56: {  	s1 =	ssub.s32 @!p0 $0x0, s1;
	[sflag:s0] =	ssyncset.done @!p0 $0x0  }
0x57: {  	[sflag:s0] =	ssyncadd.s32 @!p0 s1  }
0x58: {  	[bflag:$0x3] =	sbarrier.arrive $0xFFFF  }
0x59: {  	_ =	shalt  }

// kernel: sparse-core-data-format-call.cloned.1.call-start
scs
called_computation_lowered:
.L_overlay_start_0:
0x0: {  	s2 =	sld [smem:$0x3FD9]  }
0x1: {  	s3 =	sld [smem:$0x3FFE];
	_ =	sdelay $0x1  }
0x2: {  	s1 =	srdreg.scid  }
0x3: {  	s0 =	sand.u32 $0x1, s1  }
0x4: {  	s18 =	sshll.u32 s0, $0xA;
	s2 =	sadd.s32 s3, s2  }
0x5: {  	s2 =	sadd.s32 s2, s18  }
0x6: {  	[smem:$0x3FC6] =	sst s2  }
0x7: {  	_ = 	snop  }
0x8: {  	s19 =	sld [smem:$0x3FC9];
	(tm) =	ssettm $0x1  }
0x9: {  	s20 =	sld [smem:$0x3FFB];
	_ =	sdelay $0x3  }
0xa: {  	_ =	strace s20  }
0xb: {  	s2 =	sld [smem:$0x3FFC];
	_ =	sdelay $0x3  }
0xc: {  	_ =	strace s2  }
0xd: {  	s2 =	sld [smem:$0x3FFD];
	_ =	sdelay $0x3  }
0xe: {  	_ =	strace s2  }
0xf: {  	_ =	strace $0x8FFFFFFF  }
0x10: {  	s21 =	sld [smem:$0x3FDB];
	_ =	sdelay $0x1  }
0x11: {  	s4 =	simm.s32 $_scs_section_size  }
0x12: {  	s5 =	simm.s32 $_size__tile_overlayer_lowered;
	s6 =	simm.s32 $_tile_overlayer_lowered  }
0x13: {  	s7 =	simm.s32 $0x1BFF;
	s22 =	sshll.u32 s6, $0x1;
	s4 =	sadd.s32 s4, s21  }
0x14: {  	s23 =	simm.s32 $0x0;
	s5 =	sshll.u32 s5, $0x1;
	s6 =	sadd.s32 s22, s4  }
0x15: {  	[timem:s23], [sflag:s7] =	dma.local [hbm:s6], s5  }
0x16: {  	_ =	swait.ge [sflag:s7], s5  }
0x17: {  	s5 =	ssub.s32 $0x0, s5;
	[sflag:s7] =	ssyncset.done $0x0  }
0x18: {  	[sflag:s7] =	ssyncadd.s32 s5;
	_ =	sdelay $0x1  }
0x19: {  	s24 =	simm.s32 $0x1B8B  }
0x1a: {  	_ =	swait.ge [sflag:s24], $0x1  }
0x1b: {  	[sflag:s24] =	ssyncset.done $0x0  }
0x1c: {  	[sflag:s24] =	ssyncadd.s32 $0xFFFFFFFF  }
0x1d: {  	s5 =	sld [smem:$0x0]  }
0x1e: {  	s6 =	sand.u32 $0xFFFFFFFE, s1  }
0x1f: {  	p0 =	sne.s32 s1, s6  }
0x20: {  	s6 =	sshll.u32 @p0 s6, $0xE  }
0x21: {  	s6 =	sadd.s32 @p0 $0x11B8D, s6;
	s7 =	sshll.u32 @p0 s5, $0x11  }
0x22: {  	s6 =	sor.u32 @p0 s7, s6  }
0x23: {  	[sflag:s6] =	ssyncadd.remote.s32 @p0 $0x1;
	_ =	sdelay $0x1  }
0x24: {  	s6 =	simm.s32 @p0 $0x1B8D  }
0x25: {  	_ =	swait.eq @p0 [sflag:s6], $0x1  }
0x26: {  	[sflag:s6] =	ssyncadd.s32 @p0 $0xFFFFFFFF  }
0x27: {  	s7 =	sshll.u32 @!p0 s1, $0xE  }
0x28: {  	s7 =	sor.u32 @!p0 $0x4000, s7;
	s6 =	simm.s32 @!p0 $0x1B8D  }
0x29: {  	s5 =	sshll.u32 @!p0 s5, $0x11;
	s7 =	sadd.s32 @!p0 $0x11B8D, s7;
	_ =	swait.eq @!p0 [sflag:s6], $0x1  }
0x2a: {  	s5 =	sor.u32 @!p0 s5, s7;
	[sflag:s6] =	ssyncadd.s32 @!p0 $0xFFFFFFFF  }
0x2b: {  	s26 =	simm.s32 $0x1B8E;
	s25 =	sld [smem:$0x3FFE];
	[sflag:s5] =	ssyncadd.remote.s32 @!p0 $0x1  }
0x2c: {  	s27 =	simm.s32 $execute0_lowered;
	[smem:$0x3FD2] =	sst s26  }
0x2d: {  	s6 =	sshll.u32 s27, $0x1;
	_ =	strace $0x8000004C;
	[dreg:$0x1] =	wrdreg $0xFFFFFFFF  }
0x2e: {  	s28 =	simm.s32 $_size_execute0_lowered;
	s4 =	sadd.s32 s4, s6;
	[dreg:$0x0] =	wrdreg $0x0  }
0x2f: {  	s6 =	sshll.u32 s28, $0x1;
	[dreg:$0x2] =	wrdreg s4  }
0x30: {  	[dreg:$0x3] =	wrdreg s6  }
0x31: {  	[dreg:$0x4] =	wrdreg $0xC0  }
0x32: {  	_ =	task [dreg:s23], $0x5FFFF  }
0x33: {  	[dreg:$0x1] =	wrdreg $0xFFFFFFFF  }
0x34: {  	[dreg:$0x0] =	wrdreg $0x60  }
0x35: {  	[dreg:$0x2] =	wrdreg s19  }
0x36: {  	[dreg:$0x3] =	wrdreg s25  }
0x37: {  	[dreg:$0x4] =	wrdreg $0x9  }
0x38: {  	_ =	task.clear_ibuf [dreg:s23], $0x5FFFF;
	_ =	strace $0x9000004C  }
0x39: {  	s29 =	simm.s32 $0x9;
	_ =	strace $0x8000004E  }
0x3a: {  	_ =	swait.ge [sflag:s29], $0x1  }
0x3b: {  	[sflag:s29] =	ssyncadd.s32 $0xFFFFFFFF  }
0x3c: {  	_ =	strace $0x9000004E  }
0x3d: {  	_ =	sfence  }
0x3e: {  	s30 =	sld [smem:$0x0];
	_ =	sdelay $0x2  }
0x3f: {  	s31 =	sshll.u32 s1, $0xD;
	s1 =	sshrl.u32 s1, $0x2  }
0x40: {  	s4 =	sand.u32 $0x4000, s31;
	s1 =	sadd.s32 s1, s30  }
0x41: {  	s0 =	sor.u32 s4, s0;
	s1 =	sshll.u32 s1, $0x11  }
0x42: {  	s0 =	sor.u32 s1, s0  }
0x43: {  	s0 =	sadd.s32 $0x8F2B, s0  }
0x44: {  	[sflag:s0] =	ssyncadd.remote.s32 $0x1  }
0x45: {  	_ =	sfence.sel $0xFFFF  }
0x46: {  	[dreg:$0x0] =	wrdreg $0xFFFFFFFF;
	(pc) =	sbr.abs _section_cstart, $3  }
0x47: {  	[dreg:$0x1] =	wrdreg $0xFFFFFFFF  }
0x48: {  	_ =	task.clear_ibuf [dreg:s23], $0x2FFFF;
	_ =	strace $0x9FFFFFFF  }
0x49: {  	(tm) =	ssettm $0x7FFFFFFF  }
tec
execute0_lowered:
.L_overlay_start_1:
0x0: {  	(tag) =	ssettag $0x1  }
0x1: {  	s0 =	srdreg.scid  }
0x2: {  	s1 =	sshll.u32 s0, $0x4  }
0x3: {  	s2 =	rddreg [dreg:$0x0];
	s0 =	stileid.u32;
	s1 =	sand.u32 $0x10, s1  }
0x4: {  	s4 =	rddreg [dreg:$0x1];
	s7 =	simm.s32 $0x1;
	s1 =	sor.u32 s0, s1  }
0x5: {  	s8 =	simm.s32 $0x2;
	s9 =	simm.s32 $0x0;
	s3 =	sshll.u32 s1, $0x3  }
0x6: {  	s12 =	simm.s32 $0x0;
	s11 =	simm.s32 $0x0;
	s6 =	ssub.s32 $0x3000, s3  }
.Ltmp0:
0x7: {  	s4 =	sadd.s32 $0x600A00, s4;
	s5 =	sand.u32 $0xF8, s6;
	(pc) =	sbr.rel .LBB1_1-.Ltmp0, $4  }
0x8: {  	s1 =	rddreg [dreg:$0x2];
	_ =	strace $0x8000004D;
	p0 =	sne.s32 s5, $0x0  }
0x9: {  	s6 =	sshrl.u32 s6, $0x8;
	s5 =	simm.s32 $0x1;
	s7 =	simm.s32 @!p0 $0x0  }
0xa: {  	s10 =	smov.u32 s3;
	[sflag:s5] =	ssyncpa.u1 $0x0;
	s6 =	sadd.s32 s7, s6  }
0xb: {  	[sflag:s8] =	ssyncpa.u1 $0x0;
	s8 =	simm.s32 $0x0;
	s7 =	sadd.s32 $0x1, s6  }
.LBB1_9:
0xc: {  	s14 =	sadd.s32 $0x100, s10  }
0xd: {  	p1 =	sgt.s32 s14, $0x2FFF  }
0xe: {  	s14 =	smov.u32 @p1 s3;
	p1 =	sne.s32 s11, s7  }
.Ltmp1:
0xf: {  	p0 =	slt.u32 s11, $0x2;
	(pc) =	sbr.rel @!p1 .LBB1_10-.Ltmp1, $4  }
0x10: {  	s13 =	simm.s32 @!p0 $0x2  }
0x11: {  	s15 =	sadd.s32 $0x1, s11;
	_ =	swait.ge @!p0 [sflag:s13], $0x4000  }
0x12: {  	s12 =	smov.u32 s10;
	s9 =	sadd.s32 $0x4000, s9;
	[sflag:s13] =	ssyncset.done @!p0 $0x0  }
0x13: {  	s11 =	smov.u32 s15;
	s10 =	smov.u32 s14;
	[sflag:s13] =	ssyncadd.s32 @!p0 $0xFFFFC000  }
.LBB1_1:
0x14: {  	p0 =	sge.u32 s11, s6  }
0x15: {  	s13 =	sxor.u32 @!p0 $0xFFFFFFFF, s11  }
0x16: {  	s31 =	sadd.s32 $0xFFFFFFFF, s11;
	s14 =	sshll.u32 @!p0 s10, $0x8;
	s13 =	sshll.u32 @!p0 s13, $0xE  }
0x17: {  	s15 =	simm.s32 @!p0 $0x0;
	s14 =	sadd.s32 @!p0 s2, s14;
	s13 =	sand.u32 @!p0 $0x4000, s13  }
0x18: {  	[tilespmem:s13], [sflag:$0x1] =	stream.linear.gather @!p0 [hbm4b:s14+s15], $0x4000, $0x38;
	[tilespmem:$0x10000] =	vst v63  }
0x19: {  	p0 =	sge.u32 s31, s6  }
.Ltmp2:
0x1a: {  	_ = 	snop;
	(pc) =	sbr.rel @p0 .LBB1_9-.Ltmp2, $1  }
0x1b: {  	_ =	sdelay $0x3  }
0x1c: {  	s13 =	sshll.u32 s9, $0x2;
	_ =	swait.ge [sflag:s5], $0x4000;
	s14 =	sshll.u32 s11, $0xE  }
0x1d: {  	s16 =	simm.s32 $0x0;
	s17 =	simm.s32 $0x0;
	s15 =	sand.u32 $0x10000, s13  }
0x1e: {  	[sflag:s5] =	ssyncset.done $0x0;
	s31 =	sand.u32 $0x4000, s14;
	s14 =	sshrl.u32 s15, $0x2  }
0x1f: {  	[sflag:s5] =	ssyncadd.s32 $0xFFFFC000;
	s13 =	sor.u32 $0x8000, s31;
	s15 =	sor.u32 $0x8000, s14  }
.LBB1_3:
0x20: {  	s18 =	sshra.s32 s16, $0x2  }
0x21: {  	v0 =	vmov s18;
	_ =	sdelay $0x3  }
0x22: {  	p1 =	por $0x1, $0x1;
	s18 =	simm.s32 $0x0  }
.LBB1_4:
0x23: {  	_ = 	snop  }
0x24: {  	s19 =	sshll.u32 s18, $0xA  }
0x25: {  	s19 =	sand.u32 $0x3FFFFC00, s19  }
0x26: {  	s19 =	sadd.s32 s19, s14  }
0x27: {  	v5 =	vld.idx.msk [tilespmem:v0+s19+$0x70 ss:$0x1], $0xffff  }
0x28: {  	v6 =	vld.idx.msk [tilespmem:v0+s19+$0x10 ss:$0x1], $0xffff  }
0x29: {  	v7 =	vld.idx.msk [tilespmem:v0+s19+$0x20 ss:$0x1], $0xffff  }
0x2a: {  	s31 =	sshll.u32 s18, $0x7;
	v1 =	vld.idx.msk [tilespmem:v0+s19+$0x30 ss:$0x1], $0xffff  }
0x2b: {  	s18 =	sand.u32 $0x3FFFFF80, s31;
	v2 =	vld.idx.msk [tilespmem:v0+s19+$0x40 ss:$0x1], $0xffff  }
0x2c: {  	s18 =	sadd.s32 s18, s15;
	v3 =	vld.idx.msk [tilespmem:v0+s19+$0x50 ss:$0x1], $0xffff  }
0x2d: {  	v4 =	vld.idx.msk [tilespmem:v0+s19+$0x60 ss:$0x1], $0xffff;
	[tilespmem:v0+s18+$0x70 ss:$0x1] =	vst.idx.msk $0xffff, v5  }
0x2e: {  	v5 =	vld.idx.msk [tilespmem:v0+s19+$0x0 ss:$0x1], $0xffff;
	[tilespmem:v0+s18+$0x10 ss:$0x1] =	vst.idx.msk $0xffff, v6;
	s19 =	sadd.s32 $0x80, s19  }
0x2f: {  	p0 =	por p1, p1;
	s20 =	simm.s32 $0x6;
	[tilespmem:v0+s18+$0x20 ss:$0x1] =	vst.idx.msk $0xffff, v7;
	v6 =	vld.idx.msk [tilespmem:v0+s19+$0x70 ss:$0x1], $0xffff  }
.LBB1_5:
0x30: {  	p1 =	sne.s32 s20, $0x1;
	v7 =	vld.idx.msk [tilespmem:v0+s19+$0x10 ss:$0x1], $0xffff;
	[tilespmem:v0+s18+$0x30 ss:$0x1] =	vst.idx.msk $0xffff, v1  }
0x31: {  	v8 =	vld.idx.msk [tilespmem:v0+s19+$0x20 ss:$0x1], $0xffff;
	[tilespmem:v0+s18+$0x40 ss:$0x1] =	vst.idx.msk $0xffff, v2  }
0x32: {  	v1 =	vld.idx.msk [tilespmem:v0+s19+$0x30 ss:$0x1], $0xffff;
	[tilespmem:v0+s18+$0x50 ss:$0x1] =	vst.idx.msk $0xffff, v3  }
.Ltmp3:
0x33: {  	v2 =	vld.idx.msk [tilespmem:v0+s19+$0x40 ss:$0x1], $0xffff;
	[tilespmem:v0+s18+$0x60 ss:$0x1] =	vst.idx.msk $0xffff, v4;
	(pc) =	sbr.rel @p1 .LBB1_5-.Ltmp3, $4  }
0x34: {  	v3 =	vld.idx.msk [tilespmem:v0+s19+$0x50 ss:$0x1], $0xffff;
	[tilespmem:v0+s18+$0x0 ss:$0x1] =	vst.idx.msk $0xffff, v5;
	s18 =	sadd.s32 $0x100, s18  }
0x35: {  	v4 =	vld.idx.msk [tilespmem:v0+s19+$0x60 ss:$0x1], $0xffff;
	[tilespmem:v0+s18+$0x70 ss:$0x1] =	vst.idx.msk $0xffff, v6  }
0x36: {  	v5 =	vld.idx.msk [tilespmem:v0+s19+$0x0 ss:$0x1], $0xffff;
	[tilespmem:v0+s18+$0x10 ss:$0x1] =	vst.idx.msk $0xffff, v7;
	s19 =	sadd.s32 $0x80, s19  }
0x37: {  	s20 =	sadd.s32 $0xFFFFFFFF, s20;
	v6 =	vld.idx.msk [tilespmem:v0+s19+$0x70 ss:$0x1], $0xffff;
	[tilespmem:v0+s18+$0x20 ss:$0x1] =	vst.idx.msk $0xffff, v8  }
0x38: {  	_ =	sdelay $0x3  }
0x39: {  	[tilespmem:v0+s18+$0x30 ss:$0x1] =	vst.idx.msk $0xffff, v1  }
0x3a: {  	v1 =	vld.idx.msk [tilespmem:v0+s19+$0x10 ss:$0x1], $0xffff;
	[tilespmem:v0+s18+$0x40 ss:$0x1] =	vst.idx.msk $0xffff, v2  }
0x3b: {  	v2 =	vld.idx.msk [tilespmem:v0+s19+$0x20 ss:$0x1], $0xffff;
	[tilespmem:v0+s18+$0x50 ss:$0x1] =	vst.idx.msk $0xffff, v3  }
0x3c: {  	v61 =	vld.idx.msk [tilespmem:v0+s19+$0x40 ss:$0x1], $0xffff;
	[tilespmem:v0+s18+$0x60 ss:$0x1] =	vst.idx.msk $0xffff, v4  }
0x3d: {  	s31 =	sadd.s32 $0x100, s18;
	v62 =	vld.idx.msk [tilespmem:v0+s19+$0x50 ss:$0x1], $0xffff;
	[tilespmem:v0+s18+$0x0 ss:$0x1] =	vst.idx.msk $0xffff, v5  }
0x3e: {  	v63 =	vld.idx.msk [tilespmem:v0+s19+$0x60 ss:$0x1], $0xffff;
	[tilespmem:v0+s31+$0x70 ss:$0x1] =	vst.idx.msk $0xffff, v6  }
0x3f: {  	v3 =	vld.idx.msk [tilespmem:v0+s19+$0x30 ss:$0x1], $0xffff;
	[tilespmem:v0+s31+$0x10 ss:$0x1] =	vst.idx.msk $0xffff, v1  }
0x40: {  	v1 =	vld.idx.msk [tilespmem:v0+s19+$0x0 ss:$0x1], $0xffff;
	[tilespmem:v0+s31+$0x20 ss:$0x1] =	vst.idx.msk $0xffff, v2  }
.Ltmp4:
0x41: {  	[tilespmem:v0+s31+$0x40 ss:$0x1] =	vst.idx.msk $0xffff, v61;
	(pc) =	sbr.rel @p0 .LBB1_4-.Ltmp4, $4  }
0x42: {  	[tilespmem:v0+s31+$0x50 ss:$0x1] =	vst.idx.msk $0xffff, v62  }
0x43: {  	[tilespmem:v0+s31+$0x60 ss:$0x1] =	vst.idx.msk $0xffff, v63  }
0x44: {  	[tilespmem:v0+s31+$0x30 ss:$0x1] =	vst.idx.msk $0xffff, v3  }
0x45: {  	p1 =	por $0x0, $0x0;
	s18 =	simm.s32 $0x1;
	[tilespmem:v0+s31+$0x0 ss:$0x1] =	vst.idx.msk $0xffff, v1  }
0x46: {  	s17 =	sadd.s32 $0x1, s17  }
0x47: {  	p0 =	sne.s32 s17, $0x8  }
.Ltmp5:
0x48: {  	_ = 	snop;
	(pc) =	sbr.rel @p0 .LBB1_3-.Ltmp5, $2  }
0x49: {  	_ =	sdelay $0x2  }
0x4a: {  	s16 =	sadd.s32 $0x2000, s16  }
.Ltmp6:
0x4b: {  	(pc) =	sbr.rel .LBB1_9-.Ltmp6, $4  }
0x4c: {  	_ = 	snop  }
0x4d: {  	s12 =	sshll.u32 s12, $0x8  }
0x4e: {  	s12 =	sadd.s32 s4, s12  }
0x4f: {  	[hbm4b:s12+s8] =	stream.linear.scatter [tilespmem:s13], [sflag:$0x2], $0x4000, $0x38;
	[tilespmem:$0x10000] =	vst v63  }
.LBB1_10:
0x50: {  	_ =	sfence.sel $0x180000  }
0x51: {  	s2 =	simm.s32 $0x1;
	[bflag:$0x0] =	sbarrier.arrive $0xFFFF  }
0x52: {  	s31 =	simm.s32 $0x2;
	[sflag:s2] =	ssyncpa.u1 $0x1  }
0x53: {  	[sflag:s31] =	ssyncpa.u1 $0x1  }
0x54: {  	p0 =	sne.s32 s0, $0x0;
	_ =	strace $0x9000004D  }
0x55: {  	s0 =	sadd.s32 @!p0 $0x100000, s1;
	[bflag:$0x2] =	sbarrier.arrive $0xFFFF  }
0x56: {  	[sflag:s0] =	ssyncadd.tile.s32 @!p0 $0x1;
	_ =	shalt  }
.Lfunc_end1:
_tile_overlayer_lowered:
.L_overlay_start_2:
0x57: {  	(tag) =	ssettag $0x2  }
0x58: {  	s0 =	rddreg [dreg:$0x0];
	s2 =	stileid.u32  }
0x59: {  	s1 =	rddreg [dreg:$0x1];
	p0 =	sne.s32 s2, $0x0  }
0x5a: {  	s3 =	rddreg [dreg:$0x2];
	[bflag:$0x3] =	sbarrier.arrive $0xFFFF;
	s2 =	simm.s32 @!p0 $0x1C01  }
0x5b: {  	[timem:s3], [sflag:s2] =	dma.local @!p0 [hbm:s0], s1  }
0x5c: {  	s0 =	simm.s32 @!p0 $0x1  }
0x5d: {  	_ =	swait.ge @!p0 [sflag:s0], s1  }
0x5e: {  	s1 =	ssub.s32 @!p0 $0x0, s1;
	[sflag:s0] =	ssyncset.done @!p0 $0x0  }
0x5f: {  	[sflag:s0] =	ssyncadd.s32 @!p0 s1  }
0x60: {  	[bflag:$0x3] =	sbarrier.arrive $0xFFFF  }
0x61: {  	_ =	shalt  }

</sc_bundles>
